<compile_context>
chip_gen: v7x
topology: tpu7x:2x2x1
jax: 0.10.2.dev20260603
libtpu: 0.0.44.dev20260713+nightly
codegen_flags: <defaults>
</compile_context>

<pallas_src>
import functools

import jax
import jax.numpy as jnp
from jax import lax
from jax.experimental import pallas as pl
from jax.experimental.pallas import tpu as pltpu
from jax.experimental.pallas import tpu_sc as plsc

NC, NS = 2, 16
NW = NC * NS
BB = 8
NEG_ADJ = -9e15


def _leaky(x, s=0.2):
    return jnp.where(x >= 0, x, s * x)


def _sc_gather_main(embedding, ids_h, ids_item, tab):
    N, D = embedding.shape
    P = ids_h.shape[0]
    S = 12
    CP = P // NW
    CH = CP // 2
    NG = CH // 16
    mesh = plsc.VectorSubcoreMesh(core_axis_name="c", subcore_axis_name="s")

    @functools.partial(
        pl.kernel,
        mesh=mesh,
        out_type=[
            jax.ShapeDtypeStruct((P, D), jnp.float32),
            jax.ShapeDtypeStruct((P, D), jnp.float32),
            jax.ShapeDtypeStruct((P, D), jnp.int32),
            jax.ShapeDtypeStruct((S * P, D), jnp.float32),
        ],
        scratch_types=[
            pltpu.VMEM((CH,), jnp.int32),
            pltpu.VMEM((S, CH), jnp.int32),
            pltpu.VMEM((CH, D), jnp.int32),
            pltpu.VMEM((CH, D), jnp.float32),
            pltpu.SemaphoreType.DMA,
        ],
        compiler_params=pltpu.CompilerParams(use_tc_tiling_on_sc=False,
                                             needs_layout_passes=False),
    )
    def k(emb_hbm, idsh_hbm, idsi_hbm, tab_hbm,
          h_out, item_out, tabg_out, ev1_out,
          idx_v, idxT_v, tab_v, rows_v, sem):
        wid = lax.axis_index("s") * NC + lax.axis_index("c")
        for c in range(2):
            base = wid * CP + c * CH
            pltpu.sync_copy(idsh_hbm.at[pl.ds(base, CH)], idx_v)
            pltpu.async_copy(emb_hbm.at[idx_v], rows_v, sem).wait()
            pltpu.sync_copy(rows_v, h_out.at[pl.ds(base, CH)])
            pltpu.async_copy(tab_hbm.at[idx_v], tab_v, sem).wait()
            pltpu.sync_copy(tab_v, tabg_out.at[pl.ds(base, CH)])
            pltpu.sync_copy(idsi_hbm.at[pl.ds(base, CH)], idx_v)
            pltpu.async_copy(emb_hbm.at[idx_v], rows_v, sem).wait()
            pltpu.sync_copy(rows_v, item_out.at[pl.ds(base, CH)])

            def col_extract(i, _):
                ridx = lax.iota(jnp.int32, 16) + i * 16
                for j in range(S):
                    cidx = jnp.full((16,), j, jnp.int32)
                    v = plsc.load_gather(tab_v, [ridx, cidx])
                    idxT_v[j, pl.ds(i * 16, 16)] = v
                return 0

            lax.fori_loop(0, NG, col_extract, 0)
            for j in range(S):
                pltpu.async_copy(emb_hbm.at[idxT_v.at[j]], rows_v, sem).wait()
                pltpu.sync_copy(rows_v, ev1_out.at[pl.ds(j * P + base, CH)])

    return k(embedding, ids_h, ids_item, tab)


def _sc_gather_perm(table, idx):
    P, D = table.shape
    CP = P // NW
    mesh = plsc.VectorSubcoreMesh(core_axis_name="c", subcore_axis_name="s")

    @functools.partial(
        pl.kernel,
        mesh=mesh,
        out_type=jax.ShapeDtypeStruct((P, D), jnp.float32),
        scratch_types=[
            pltpu.VMEM((CP,), jnp.int32),
            pltpu.VMEM((CP, D), jnp.float32),
            pltpu.SemaphoreType.DMA,
        ],
    )
    def k(tab_hbm, idx_hbm, out_hbm, idx_v, rows_v, sem):
        wid = lax.axis_index("s") * NC + lax.axis_index("c")
        base = wid * CP
        pltpu.sync_copy(idx_hbm.at[pl.ds(base, CP)], idx_v)
        pltpu.async_copy(tab_hbm.at[idx_v], rows_v, sem).wait()
        pltpu.sync_copy(rows_v, out_hbm.at[pl.ds(base, CP)])

    return k(table, idx)


def _tc_main(h, item_rows, tabg, ev1, adj4, maskf, A, W1a, w1b, w2, W3a, W3b):
    P, D = h.shape
    S = 12
    B, L = maskf.shape
    PB = BB * L
    NBLK = B // BB

    def body(h_ref, item_ref, tabg_ref, ev1_ref, adj_ref, mask_ref,
             a_ref, w1a_ref, w1b_ref, w2_ref, w3a_ref, w3b_ref,
             out_ref, hl_ref, hg_ref, ploss_ref, acc_ref):
        hb = h_ref[...]
        h3 = hb.reshape(BB, L, D)
        bn = (((2,), (2,)), ((0,), (0,)))
        ek_all = lax.dot_general(
            jnp.concatenate(
                [h3 * a_ref[kk:kk + 1, :] for kk in range(4)], axis=1),
            h3, bn, preferred_element_type=jnp.float32)
        ek_all = _leaky(ek_all)
        c = adj_ref[0]
        alpha = jnp.full((BB, L, L), NEG_ADJ, jnp.float32)
        alpha = jnp.where(c == 1, ek_all[:, 0 * L:1 * L], alpha)
        alpha = jnp.where(c == 2, ek_all[:, 1 * L:2 * L], alpha)
        alpha = jnp.where(c == 3, ek_all[:, 2 * L:3 * L], alpha)
        alpha = jnp.where(c == 4, ek_all[:, 3 * L:4 * L], alpha)
        m = jnp.max(alpha, axis=2, keepdims=True)
        p = jnp.exp(alpha - m)
        alpha = p / jnp.sum(p, axis=2, keepdims=True)
        hl = lax.dot_general(alpha, h3, (((2,), (1,)), ((0,), (0,))),
                             preferred_element_type=jnp.float32)
        hl = hl.reshape(PB, D)
        mk = mask_ref[...]
        it3 = item_ref[...].reshape(BB, L, D)
        s_item = jnp.sum(it3 * mk[:, :, None], axis=1) \
            / jnp.sum(mk, axis=1, keepdims=True)
        extra = jnp.broadcast_to(s_item[:, None, :], (BB, L, D)).reshape(PB, D)
        w1b = w1b_ref[...]
        ev3 = ev1_ref[...].reshape(S * PB, D)
        extra_rep = jnp.concatenate([extra] * S, axis=0)
        nbrw = lax.bitcast_convert_type(
            tabg_ref[:, S:2 * S], jnp.float32)
        nbcol = jnp.concatenate(
            [nbrw[:, s:s + 1] for s in range(S)], axis=0)
        a = jnp.dot(extra_rep * ev3, w1a_ref[...],
                    preferred_element_type=jnp.float32)
        a = _leaky(a + nbcol * w1b)
        e_all = jnp.dot(a, w2_ref[...], preferred_element_type=jnp.float32)
        e_list = [e_all[s * PB:(s + 1) * PB] for s in range(S)]
        mE = e_list[0]
        for s in range(1, S):
            mE = jnp.maximum(mE, e_list[s])
        p_list = [jnp.exp(e - mE) for e in e_list]
        den = p_list[0]
        for s in range(1, S):
            den = den + p_list[s]
        nvec = jnp.zeros((PB, D), jnp.float32)
        for s in range(S):
            nvec = nvec + (p_list[s] / den) * ev3[s * PB:(s + 1) * PB]
        hg = jnp.dot(hb, w3a_ref[...], preferred_element_type=jnp.float32) \
            + jnp.dot(nvec, w3b_ref[...], preferred_element_type=jnp.float32)
        hg = jnp.maximum(hg, 0.0)
        out_ref[...] = (hl + hg).reshape(BB, L, D)
        hl_ref[...] = hl
        hg_ref[...] = hg
        i = pl.program_id(0)

        @pl.when(i == 0)
        def _():
            acc_ref[...] = jnp.zeros((BB, D), jnp.float32)

        poss = jnp.sum((hl * hg).reshape(BB, L, D), axis=1)
        sig_p = 1.0 / (1.0 + jnp.exp(-poss))
        acc_ref[...] += -jnp.log(1e-8 + sig_p)

        @pl.when(i == NBLK - 1)
        def _():
            ploss_ref[...] = jnp.sum(acc_ref[...], axis=(0, 1), keepdims=True)

    full = lambda shp: pl.BlockSpec(shp, lambda i: tuple(0 for _ in shp))
    return pl.pallas_call(
        body,
        grid=(NBLK,),
        in_specs=[
            pl.BlockSpec((PB, D), lambda i: (i, 0)),
            pl.BlockSpec((PB, D), lambda i: (i, 0)),
            pl.BlockSpec((PB, D), lambda i: (i, 0)),
            pl.BlockSpec((S, PB, D), lambda i: (0, i, 0)),
            pl.BlockSpec((1, BB, L, L), lambda i: (i, 0, 0, 0)),
            pl.BlockSpec((BB, L), lambda i: (i, 0)),
            full((4, D)), full((D, D)), full((1, D)), full((D, 1)),
            full((D, D)), full((D, D)),
        ],
        out_specs=[
            pl.BlockSpec((BB, L, D), lambda i: (i, 0, 0)),
            pl.BlockSpec((PB, D), lambda i: (i, 0)),
            pl.BlockSpec((PB, D), lambda i: (i, 0)),
            pl.BlockSpec((1, 1), lambda i: (0, 0)),
        ],
        out_shape=[
            jax.ShapeDtypeStruct((B, L, D), jnp.float32),
            jax.ShapeDtypeStruct((P, D), jnp.float32),
            jax.ShapeDtypeStruct((P, D), jnp.float32),
            jax.ShapeDtypeStruct((1, 1), jnp.float32),
        ],
        scratch_shapes=[pltpu.VMEM((BB, D), jnp.float32)],
    )(h, item_rows, tabg, ev1, adj4, maskf, A, W1a, w1b, w2, W3a, W3b)


def _tc_loss(hg_flat, hlp_flat, L):
    P, D = hg_flat.shape
    BBK = 8 * BB
    PB = BBK * L
    NBLK = P // PB

    def body(hg_ref, hlp_ref, loss_ref, acc_ref):
        i = pl.program_id(0)

        @pl.when(i == 0)
        def _():
            acc_ref[...] = jnp.zeros((BBK, D), jnp.float32)

        neg = jnp.sum((hg_ref[...] * hlp_ref[...]).reshape(BBK, L, D), axis=1)
        sig_n = 1.0 / (1.0 + jnp.exp(-neg))
        acc_ref[...] += -jnp.log(1e-8 + 1.0 - sig_n)

        @pl.when(i == NBLK - 1)
        def _():
            loss_ref[...] = jnp.sum(acc_ref[...], axis=(0, 1), keepdims=True)

    return pl.pallas_call(
        body,
        grid=(NBLK,),
        in_specs=[
            pl.BlockSpec((PB, D), lambda i: (i, 0)),
            pl.BlockSpec((PB, D), lambda i: (i, 0)),
        ],
        out_specs=pl.BlockSpec((1, 1), lambda i: (0, 0)),
        out_shape=jax.ShapeDtypeStruct((1, 1), jnp.float32),
        scratch_shapes=[pltpu.VMEM((BBK, D), jnp.float32)],
    )(hg_flat, hlp_flat)


def kernel(embedding, num, a0, a1, a2, a3, g_w1, g_w2, g_w3,
           inputs, adj, mask_item, item, targets, adj_all):
    B, L = inputs.shape
    N, D = embedding.shape
    S = adj_all.shape[1]
    P = B * L
    NBLK = B // BB
    PB = BB * L

    ids_h = inputs.reshape(-1).astype(jnp.int32)
    ids_item = item.reshape(-1).astype(jnp.int32)
    tab = (jnp.pad(adj_all.astype(jnp.int32), ((0, 0), (0, D - S)))
           | jnp.pad(lax.bitcast_convert_type(num, jnp.int32),
                     ((0, 0), (S, D - 2 * S))))

    h, item_rows, tabg, ev1_flat = _sc_gather_main(
        embedding, ids_h, ids_item, tab)
    ev1 = ev1_flat.reshape(S, P, D)

    adj4 = adj.astype(jnp.int32).reshape(NBLK, BB, L, L)
    maskf = mask_item.astype(jnp.float32)
    A = jnp.concatenate([a0, a1, a2, a3], axis=1).T
    W1a, w1b = g_w1[:D, :], g_w1[D:D + 1, :]
    W3a, W3b = g_w3[:D, :], g_w3[D:, :]

    out, hl_flat, hg_flat, ploss = _tc_main(
        h, item_rows, tabg, ev1, adj4, maskf, A, W1a, w1b, g_w2, W3a, W3b)

    kp = jax.random.key(12345)
    p_row = jax.random.permutation(jax.random.fold_in(kp, 0), B)
    p_col = jax.random.permutation(jax.random.fold_in(kp, 1), L)
    perm_flat = (p_row[:, None] * L + p_col[None, :]).reshape(-1)
    perm_flat = perm_flat.astype(jnp.int32)

    hlp_flat = _sc_gather_perm(hl_flat, perm_flat)
    nloss = _tc_loss(hg_flat, hlp_flat, L)

    BETA = 0.005
    return out, (BETA * (ploss[0, 0] + nloss[0, 0])).astype(jnp.float32)

# --- scband reference (transcript-rebuilt; emitter-appended) ---
"""Pipeline reference for scband-combine-graph-26886495272978 (READ-ONLY COPY).

The authoritative reference and input builder live on the scoring server;
editing this copy changes nothing except your own understanding.
"""

import jax, jax.numpy as jnp
import numpy as np

B, L, DIM, NUM_NODE, SAMPLE = 1024, 20, 128, 100000, 12
ALPHA = 0.2
BETA = 0.005


def _leaky(x, s=ALPHA):
    return jnp.where(x >= 0, x, s * x)


def _forward(embedding, num, a0, a1, a2, a3, g_w1, g_w2, g_w3, inputs, adj, mask_item, item, targets, adj_all):
    Bs, Ls = inputs.shape
    h = embedding[inputs]
    _targets1 = embedding[targets]  # computed in torch forward, unused downstream
    # LocalAggregator (GCE-GNN)
    a_input = h[:, :, None, :] * h[:, None, :, :]  # [B, L, L, dim]
    e0 = _leaky(jnp.squeeze(a_input @ a0, -1))
    e1 = _leaky(jnp.squeeze(a_input @ a1, -1))
    e2 = _leaky(jnp.squeeze(a_input @ a2, -1))
    e3 = _leaky(jnp.squeeze(a_input @ a3, -1))
    negm = jnp.full_like(e0, -9e15)
    alpha = jnp.where(adj == 1, e0, negm)
    alpha = jnp.where(adj == 2, e1, alpha)
    alpha = jnp.where(adj == 3, e2, alpha)
    alpha = jnp.where(adj == 4, e3, alpha)
    alpha = jax.nn.softmax(alpha, axis=-1)
    h_local = alpha @ h
    # global neighbor sampling (hop = 1)
    flat = inputs.reshape(-1)
    nbr_idx = adj_all[flat].reshape(Bs, Ls * SAMPLE)
    nbr_w = num[flat].reshape(Bs, Ls, SAMPLE)
    ev1 = embedding[nbr_idx].reshape(Bs, Ls, SAMPLE, DIM)
    maskf = mask_item.astype(jnp.float32)
    item_emb = embedding[item] * maskf[..., None]
    sum_item = jnp.sum(item_emb, axis=1) / jnp.sum(maskf, axis=-1, keepdims=True)
    extra = jnp.broadcast_to(sum_item[:, None, :], (Bs, Ls, DIM))
    # GlobalAggregator (GCE-GNN)
    a = jnp.concatenate([extra[:, :, None, :] * ev1, nbr_w[..., None]], axis=-1)  # [B,L,S,dim+1]
    a = _leaky(a @ g_w1, 0.2)
    a = jnp.squeeze(a @ g_w2, -1)
    a = jax.nn.softmax(a, axis=-1)[..., None]
    nvec = jnp.sum(a * ev1, axis=-2)
    h_global = jax.nn.relu(jnp.concatenate([h, nvec], axis=-1) @ g_w3)
    # dropout_local / dropout_global = 0.0 -> identity
    output = h_local + h_global
    # SSL with fixed permutations (torch uses randperm)
    kp = jax.random.key(12345)
    p_row = jax.random.permutation(jax.random.fold_in(kp, 0), Bs)
    p_col = jax.random.permutation(jax.random.fold_in(kp, 1), Ls)
    shuffled = h_local[p_row][:, p_col]
    pos = jnp.sum(h_local * h_global, axis=1)
    neg1 = jnp.sum(h_global * shuffled, axis=1)
    con_loss = jnp.sum(-jnp.log(1e-8 + jax.nn.sigmoid(pos)) - jnp.log(1e-8 + 1.0 - jax.nn.sigmoid(neg1)))
    return output, BETA * con_loss


def setup_inputs(seed: int = 0):
    key = jax.random.key(seed)
    ks = jax.random.split(key, 16)
    stdv = 1.0 / float(np.sqrt(DIM))
    u = lambda k, s: jax.random.uniform(k, s, jnp.float32, -stdv, stdv)
    return {
        "embedding": u(ks[0], (NUM_NODE, DIM)),
        "num": jax.random.uniform(ks[1], (NUM_NODE, SAMPLE), jnp.float32),
        "a0": u(ks[2], (DIM, 1)),
        "a1": u(ks[3], (DIM, 1)),
        "a2": u(ks[4], (DIM, 1)),
        "a3": u(ks[5], (DIM, 1)),
        "g_w1": u(ks[6], (DIM + 1, DIM)),
        "g_w2": u(ks[7], (DIM, 1)),
        "g_w3": u(ks[8], (2 * DIM, DIM)),
        "inputs": jax.random.randint(ks[9], (B, L), 0, NUM_NODE),
        "adj": jax.random.randint(ks[10], (B, L, L), 0, 5),
        "mask_item": jnp.ones((B, L), dtype=jnp.int32),
        "item": jax.random.randint(ks[11], (B, L), 0, NUM_NODE),
        "targets": jax.random.randint(ks[12], (B,), 0, NUM_NODE),
        "adj_all": jax.random.randint(ks[13], (NUM_NODE, SAMPLE), 0, NUM_NODE),
    }


def reference(embedding, num, a0, a1, a2, a3, g_w1, g_w2, g_w3, inputs, adj, mask_item, item, targets, adj_all):
    return _forward(embedding, num, a0, a1, a2, a3, g_w1, g_w2, g_w3, inputs, adj, mask_item, item, targets, adj_all)

if __name__ == "__main__":
    import jax
    _d = setup_inputs()
    print(jax.jit(kernel)(*tuple(_d.values())))

</pallas_src>

<mosaic_0001>
#map = affine_map<(d0, d1) -> (0, 0)>
#map1 = affine_map<(d0, d1) -> (0)>
module attributes {stable_mosaic.version = 14 : i64} {
  func.func @k(%arg0: i32, %arg1: i32, %arg2: memref<100000x128xf32, #tpu.memory_space<hbm>>, %arg3: memref<20480xi32, #tpu.memory_space<hbm>>, %arg4: memref<20480xi32, #tpu.memory_space<hbm>>, %arg5: memref<100000x128xi32, #tpu.memory_space<hbm>>, %arg6: memref<20480x128xf32, #tpu.memory_space<hbm>>, %arg7: memref<20480x128xf32, #tpu.memory_space<hbm>>, %arg8: memref<20480x128xi32, #tpu.memory_space<hbm>>, %arg9: memref<245760x128xf32, #tpu.memory_space<hbm>>, %arg10: memref<320xi32, #tpu.memory_space<vmem>>, %arg11: memref<12x320xi32, #tpu.memory_space<vmem>>, %arg12: memref<320x128xi32, #tpu.memory_space<vmem>>, %arg13: memref<320x128xf32, #tpu.memory_space<vmem>>, %arg14: memref<!tpu.dma_semaphore, #tpu.memory_space<semaphore_mem>>) attributes {dimension_semantics = [#tpu.dimension_semantics<core_parallel>, #tpu.dimension_semantics<subcore_parallel>], iteration_bounds = array<i64: 2, 16>, scalar_prefetch = 0 : i64, scratch_operands = 5 : i64, tpu.core_type = #tpu.core_type<sc_vector_subcore>, window_params = [{transform_indices = #map}, {transform_indices = #map1}, {transform_indices = #map1}, {transform_indices = #map}, {transform_indices = #map}, {transform_indices = #map}, {transform_indices = #map}, {transform_indices = #map}]} {
    %mul3A = arith.constant 2 : i32
    %mul3A_0 = arith.muli %arg1, %mul3A : i32
    %add3A = arith.addi %mul3A_0, %arg0 : i32
    %mul3A_1 = arith.constant 640 : i32
    %mul3A_2 = arith.muli %add3A, %mul3A_1 : i32
    %add3A_3 = arith.constant 0 : i32
    %add3A_4 = arith.addi %mul3A_2, %add3A_3 : i32
    "tpu.region"() ({
      %run_scoped3A = tpu.sem_alloc : memref<!tpu.dma_semaphore, #tpu.memory_space<semaphore_mem>>
      %dma_start3A_440 = tpu.memref_slice %arg3[%add3A_4] : memref<20480xi32, #tpu.memory_space<hbm>> -> memref<320xi32, #tpu.memory_space<hbm>>
      %dma_start3A_441 = tpu.memref_slice %arg3[%add3A_4] : memref<20480xi32, #tpu.memory_space<hbm>> -> memref<320xi32, #tpu.memory_space<hbm>>
      tpu.enqueue_dma source(%dma_start3A_441 : memref<320xi32, #tpu.memory_space<hbm>>) target(%arg10 : memref<320xi32, #tpu.memory_space<vmem>>) target_semaphore(%run_scoped3A : memref<!tpu.dma_semaphore, #tpu.memory_space<semaphore_mem>>)
      %dma_wait3A_442 = tpu.memref_slice %arg3[%add3A_4] : memref<20480xi32, #tpu.memory_space<hbm>> -> memref<320xi32, #tpu.memory_space<hbm>>
      %dma_wait3A_443 = tpu.memref_slice %arg3[%add3A_4] : memref<20480xi32, #tpu.memory_space<hbm>> -> memref<320xi32, #tpu.memory_space<hbm>>
      tpu.wait_dma2 semaphore(%run_scoped3A : memref<!tpu.dma_semaphore, #tpu.memory_space<semaphore_mem>>) src(%dma_wait3A_443 : memref<320xi32, #tpu.memory_space<hbm>>) dst(%arg10 : memref<320xi32, #tpu.memory_space<vmem>>)
      tpu.yield
    }) : () -> ()
    %dma_start3A = arith.constant 0 : i32
    %dma_start3A_5 = arith.constant 0 : i32
    %dma_start3A_6 = tpu.memref_slice %arg2[%dma_start3A, %dma_start3A_5] : memref<100000x128xf32, #tpu.memory_space<hbm>> -> memref<100000x128xf32, #tpu.memory_space<hbm>>
    tpu.enqueue_indirect_dma source(%dma_start3A_6 : memref<100000x128xf32, #tpu.memory_space<hbm>>) target(%arg13 : memref<320x128xf32, #tpu.memory_space<vmem>>) offsets(%arg10 : memref<320xi32, #tpu.memory_space<vmem>>) semaphore(%arg14 : memref<!tpu.dma_semaphore, #tpu.memory_space<semaphore_mem>>)
    %dma_wait3A = arith.constant 0 : i32
    %dma_wait3A_7 = arith.constant 0 : i32
    %dma_wait3A_8 = tpu.memref_slice %arg2[%dma_wait3A, %dma_wait3A_7] : memref<100000x128xf32, #tpu.memory_space<hbm>> -> memref<100000x128xf32, #tpu.memory_space<hbm>>
    tpu.wait_indirect_dma semaphore(%arg14 : memref<!tpu.dma_semaphore, #tpu.memory_space<semaphore_mem>>) src(%dma_wait3A_8 : memref<100000x128xf32, #tpu.memory_space<hbm>>) dst(%arg13 : memref<320x128xf32, #tpu.memory_space<vmem>>)
    "tpu.region"() ({
      %run_scoped3A = tpu.sem_alloc : memref<!tpu.dma_semaphore, #tpu.memory_space<semaphore_mem>>
      %dma_start3A_440 = arith.constant 0 : i32
      %dma_start3A_441 = tpu.memref_slice %arg6[%add3A_4, %dma_start3A_440] : memref<20480x128xf32, #tpu.memory_space<hbm>> -> memref<320x128xf32, #tpu.memory_space<hbm>>
      %dma_start3A_442 = arith.constant 0 : i32
      %dma_start3A_443 = tpu.memref_slice %arg6[%add3A_4, %dma_start3A_442] : memref<20480x128xf32, #tpu.memory_space<hbm>> -> memref<320x128xf32, #tpu.memory_space<hbm>>
      tpu.enqueue_dma source(%arg13 : memref<320x128xf32, #tpu.memory_space<vmem>>) target(%dma_start3A_443 : memref<320x128xf32, #tpu.memory_space<hbm>>) target_semaphore(%run_scoped3A : memref<!tpu.dma_semaphore, #tpu.memory_space<semaphore_mem>>)
      %dma_wait3A_444 = arith.constant 0 : i32
      %dma_wait3A_445 = tpu.memref_slice %arg6[%add3A_4, %dma_wait3A_444] : memref<20480x128xf32, #tpu.memory_space<hbm>> -> memref<320x128xf32, #tpu.memory_space<hbm>>
      %dma_wait3A_446 = arith.constant 0 : i32
      %dma_wait3A_447 = tpu.memref_slice %arg6[%add3A_4, %dma_wait3A_446] : memref<20480x128xf32, #tpu.memory_space<hbm>> -> memref<320x128xf32, #tpu.memory_space<hbm>>
      tpu.wait_dma2 semaphore(%run_scoped3A : memref<!tpu.dma_semaphore, #tpu.memory_space<semaphore_mem>>) src(%arg13 : memref<320x128xf32, #tpu.memory_space<vmem>>) dst(%dma_wait3A_447 : memref<320x128xf32, #tpu.memory_space<hbm>>)
      tpu.yield
    }) : () -> ()
    %dma_start3A_9 = arith.constant 0 : i32
    %dma_start3A_10 = arith.constant 0 : i32
    %dma_start3A_11 = tpu.memref_slice %arg5[%dma_start3A_9, %dma_start3A_10] : memref<100000x128xi32, #tpu.memory_space<hbm>> -> memref<100000x128xi32, #tpu.memory_space<hbm>>
    tpu.enqueue_indirect_dma source(%dma_start3A_11 : memref<100000x128xi32, #tpu.memory_space<hbm>>) target(%arg12 : memref<320x128xi32, #tpu.memory_space<vmem>>) offsets(%arg10 : memref<320xi32, #tpu.memory_space<vmem>>) semaphore(%arg14 : memref<!tpu.dma_semaphore, #tpu.memory_space<semaphore_mem>>)
    %dma_wait3A_12 = arith.constant 0 : i32
    %dma_wait3A_13 = arith.constant 0 : i32
    %dma_wait3A_14 = tpu.memref_slice %arg5[%dma_wait3A_12, %dma_wait3A_13] : memref<100000x128xi32, #tpu.memory_space<hbm>> -> memref<100000x128xi32, #tpu.memory_space<hbm>>
    tpu.wait_indirect_dma semaphore(%arg14 : memref<!tpu.dma_semaphore, #tpu.memory_space<semaphore_mem>>) src(%dma_wait3A_14 : memref<100000x128xi32, #tpu.memory_space<hbm>>) dst(%arg12 : memref<320x128xi32, #tpu.memory_space<vmem>>)
    "tpu.region"() ({
      %run_scoped3A = tpu.sem_alloc : memref<!tpu.dma_semaphore, #tpu.memory_space<semaphore_mem>>
      %dma_start3A_440 = arith.constant 0 : i32
      %dma_start3A_441 = tpu.memref_slice %arg8[%add3A_4, %dma_start3A_440] : memref<20480x128xi32, #tpu.memory_space<hbm>> -> memref<320x128xi32, #tpu.memory_space<hbm>>
      %dma_start3A_442 = arith.constant 0 : i32
      %dma_start3A_443 = tpu.memref_slice %arg8[%add3A_4, %dma_start3A_442] : memref<20480x128xi32, #tpu.memory_space<hbm>> -> memref<320x128xi32, #tpu.memory_space<hbm>>
      tpu.enqueue_dma source(%arg12 : memref<320x128xi32, #tpu.memory_space<vmem>>) target(%dma_start3A_443 : memref<320x128xi32, #tpu.memory_space<hbm>>) target_semaphore(%run_scoped3A : memref<!tpu.dma_semaphore, #tpu.memory_space<semaphore_mem>>)
      %dma_wait3A_444 = arith.constant 0 : i32
      %dma_wait3A_445 = tpu.memref_slice %arg8[%add3A_4, %dma_wait3A_444] : memref<20480x128xi32, #tpu.memory_space<hbm>> -> memref<320x128xi32, #tpu.memory_space<hbm>>
      %dma_wait3A_446 = arith.constant 0 : i32
      %dma_wait3A_447 = tpu.memref_slice %arg8[%add3A_4, %dma_wait3A_446] : memref<20480x128xi32, #tpu.memory_space<hbm>> -> memref<320x128xi32, #tpu.memory_space<hbm>>
      tpu.wait_dma2 semaphore(%run_scoped3A : memref<!tpu.dma_semaphore, #tpu.memory_space<semaphore_mem>>) src(%arg12 : memref<320x128xi32, #tpu.memory_space<vmem>>) dst(%dma_wait3A_447 : memref<320x128xi32, #tpu.memory_space<hbm>>)
      tpu.yield
    }) : () -> ()
    "tpu.region"() ({
      %run_scoped3A = tpu.sem_alloc : memref<!tpu.dma_semaphore, #tpu.memory_space<semaphore_mem>>
      %dma_start3A_440 = tpu.memref_slice %arg4[%add3A_4] : memref<20480xi32, #tpu.memory_space<hbm>> -> memref<320xi32, #tpu.memory_space<hbm>>
      %dma_start3A_441 = tpu.memref_slice %arg4[%add3A_4] : memref<20480xi32, #tpu.memory_space<hbm>> -> memref<320xi32, #tpu.memory_space<hbm>>
      tpu.enqueue_dma source(%dma_start3A_441 : memref<320xi32, #tpu.memory_space<hbm>>) target(%arg10 : memref<320xi32, #tpu.memory_space<vmem>>) target_semaphore(%run_scoped3A : memref<!tpu.dma_semaphore, #tpu.memory_space<semaphore_mem>>)
      %dma_wait3A_442 = tpu.memref_slice %arg4[%add3A_4] : memref<20480xi32, #tpu.memory_space<hbm>> -> memref<320xi32, #tpu.memory_space<hbm>>
      %dma_wait3A_443 = tpu.memref_slice %arg4[%add3A_4] : memref<20480xi32, #tpu.memory_space<hbm>> -> memref<320xi32, #tpu.memory_space<hbm>>
      tpu.wait_dma2 semaphore(%run_scoped3A : memref<!tpu.dma_semaphore, #tpu.memory_space<semaphore_mem>>) src(%dma_wait3A_443 : memref<320xi32, #tpu.memory_space<hbm>>) dst(%arg10 : memref<320xi32, #tpu.memory_space<vmem>>)
      tpu.yield
    }) : () -> ()
    %dma_start3A_15 = arith.constant 0 : i32
    %dma_start3A_16 = arith.constant 0 : i32
    %dma_start3A_17 = tpu.memref_slice %arg2[%dma_start3A_15, %dma_start3A_16] : memref<100000x128xf32, #tpu.memory_space<hbm>> -> memref<100000x128xf32, #tpu.memory_space<hbm>>
    tpu.enqueue_indirect_dma source(%dma_start3A_17 : memref<100000x128xf32, #tpu.memory_space<hbm>>) target(%arg13 : memref<320x128xf32, #tpu.memory_space<vmem>>) offsets(%arg10 : memref<320xi32, #tpu.memory_space<vmem>>) semaphore(%arg14 : memref<!tpu.dma_semaphore, #tpu.memory_space<semaphore_mem>>)
    %dma_wait3A_18 = arith.constant 0 : i32
    %dma_wait3A_19 = arith.constant 0 : i32
    %dma_wait3A_20 = tpu.memref_slice %arg2[%dma_wait3A_18, %dma_wait3A_19] : memref<100000x128xf32, #tpu.memory_space<hbm>> -> memref<100000x128xf32, #tpu.memory_space<hbm>>
    tpu.wait_indirect_dma semaphore(%arg14 : memref<!tpu.dma_semaphore, #tpu.memory_space<semaphore_mem>>) src(%dma_wait3A_20 : memref<100000x128xf32, #tpu.memory_space<hbm>>) dst(%arg13 : memref<320x128xf32, #tpu.memory_space<vmem>>)
    "tpu.region"() ({
      %run_scoped3A = tpu.sem_alloc : memref<!tpu.dma_semaphore, #tpu.memory_space<semaphore_mem>>
      %dma_start3A_440 = arith.constant 0 : i32
      %dma_start3A_441 = tpu.memref_slice %arg7[%add3A_4, %dma_start3A_440] : memref<20480x128xf32, #tpu.memory_space<hbm>> -> memref<320x128xf32, #tpu.memory_space<hbm>>
      %dma_start3A_442 = arith.constant 0 : i32
      %dma_start3A_443 = tpu.memref_slice %arg7[%add3A_4, %dma_start3A_442] : memref<20480x128xf32, #tpu.memory_space<hbm>> -> memref<320x128xf32, #tpu.memory_space<hbm>>
      tpu.enqueue_dma source(%arg13 : memref<320x128xf32, #tpu.memory_space<vmem>>) target(%dma_start3A_443 : memref<320x128xf32, #tpu.memory_space<hbm>>) target_semaphore(%run_scoped3A : memref<!tpu.dma_semaphore, #tpu.memory_space<semaphore_mem>>)
      %dma_wait3A_444 = arith.constant 0 : i32
      %dma_wait3A_445 = tpu.memref_slice %arg7[%add3A_4, %dma_wait3A_444] : memref<20480x128xf32, #tpu.memory_space<hbm>> -> memref<320x128xf32, #tpu.memory_space<hbm>>
      %dma_wait3A_446 = arith.constant 0 : i32
      %dma_wait3A_447 = tpu.memref_slice %arg7[%add3A_4, %dma_wait3A_446] : memref<20480x128xf32, #tpu.memory_space<hbm>> -> memref<320x128xf32, #tpu.memory_space<hbm>>
      tpu.wait_dma2 semaphore(%run_scoped3A : memref<!tpu.dma_semaphore, #tpu.memory_space<semaphore_mem>>) src(%arg13 : memref<320x128xf32, #tpu.memory_space<vmem>>) dst(%dma_wait3A_447 : memref<320x128xf32, #tpu.memory_space<hbm>>)
      tpu.yield
    }) : () -> ()
    %scan3A = arith.constant 0 : i32
    %scan3A_21 = arith.constant 0 : i32
    %scan3A_22 = arith.constant 20 : i32
    %scan3A_23 = arith.addi %scan3A_21, %scan3A_22 : i32
    %scan3A_24 = arith.constant 1 : i32
    %scan3A_25 = scf.for %scan3A_440 = %scan3A_21 to %scan3A_23 step %scan3A_24 iter_args(%scan3A_441 = %scan3A) -> (i32)  : i32 {
      %iota3A = tpu.iota {dimensions = array<i32: 0>} : vector<16xi32>
      %mul3A_442 = arith.constant 16 : i32
      %mul3A_443 = arith.muli %scan3A_440, %mul3A_442 : i32
      %add3A_444 = vector.broadcast %mul3A_443 : i32 to vector<16xi32>
      %add3A_445 = arith.addi %iota3A, %add3A_444 : vector<16xi32>
      %broadcast_in_dim3A = arith.constant 0 : i32
      %broadcast_in_dim3A_446 = vector.broadcast %broadcast_in_dim3A : i32 to vector<16xi32>
      %gather3A = tpu.vector_load_idx %arg12[%add3A_445, %broadcast_in_dim3A_446] : memref<320x128xi32, #tpu.memory_space<vmem>>[vector<16xi32>, vector<16xi32>], vector<16xi32>,
      %mul3A_447 = arith.constant 16 : i32
      %mul3A_448 = arith.muli %scan3A_440, %mul3A_447 : i32
      %swap3A = arith.constant 0 : i32
      %swap3A_449 = arith.index_cast %swap3A : i32 to index
      %swap3A_450 = arith.index_cast %mul3A_448 : i32 to index
      %swap3A_451 = tpu.vector_load %arg11[%swap3A_449, %swap3A_450] {strides = array<i32>} : memref<12x320xi32, #tpu.memory_space<vmem>>, vector<16xi32>,
      tpu.vector_store %arg11[%swap3A_449, %swap3A_450], %gather3A {strides = array<i32>} : memref<12x320xi32, #tpu.memory_space<vmem>>, vector<16xi32>,
      %broadcast_in_dim3A_452 = arith.constant 1 : i32
      %broadcast_in_dim3A_453 = vector.broadcast %broadcast_in_dim3A_452 : i32 to vector<16xi32>
      %gather3A_454 = tpu.vector_load_idx %arg12[%add3A_445, %broadcast_in_dim3A_453] : memref<320x128xi32, #tpu.memory_space<vmem>>[vector<16xi32>, vector<16xi32>], vector<16xi32>,
      %mul3A_455 = arith.constant 16 : i32
      %mul3A_456 = arith.muli %scan3A_440, %mul3A_455 : i32
      %swap3A_457 = arith.constant 1 : i32
      %swap3A_458 = arith.index_cast %swap3A_457 : i32 to index
      %swap3A_459 = arith.index_cast %mul3A_456 : i32 to index
      %swap3A_460 = tpu.vector_load %arg11[%swap3A_458, %swap3A_459] {strides = array<i32>} : memref<12x320xi32, #tpu.memory_space<vmem>>, vector<16xi32>,
      tpu.vector_store %arg11[%swap3A_458, %swap3A_459], %gather3A_454 {strides = array<i32>} : memref<12x320xi32, #tpu.memory_space<vmem>>, vector<16xi32>,
      %broadcast_in_dim3A_461 = arith.constant 2 : i32
      %broadcast_in_dim3A_462 = vector.broadcast %broadcast_in_dim3A_461 : i32 to vector<16xi32>
      %gather3A_463 = tpu.vector_load_idx %arg12[%add3A_445, %broadcast_in_dim3A_462] : memref<320x128xi32, #tpu.memory_space<vmem>>[vector<16xi32>, vector<16xi32>], vector<16xi32>,
      %mul3A_464 = arith.constant 16 : i32
      %mul3A_465 = arith.muli %scan3A_440, %mul3A_464 : i32
      %swap3A_466 = arith.constant 2 : i32
      %swap3A_467 = arith.index_cast %swap3A_466 : i32 to index
      %swap3A_468 = arith.index_cast %mul3A_465 : i32 to index
      %swap3A_469 = tpu.vector_load %arg11[%swap3A_467, %swap3A_468] {strides = array<i32>} : memref<12x320xi32, #tpu.memory_space<vmem>>, vector<16xi32>,
      tpu.vector_store %arg11[%swap3A_467, %swap3A_468], %gather3A_463 {strides = array<i32>} : memref<12x320xi32, #tpu.memory_space<vmem>>, vector<16xi32>,
      %broadcast_in_dim3A_470 = arith.constant 3 : i32
      %broadcast_in_dim3A_471 = vector.broadcast %broadcast_in_dim3A_470 : i32 to vector<16xi32>
      %gather3A_472 = tpu.vector_load_idx %arg12[%add3A_445, %broadcast_in_dim3A_471] : memref<320x128xi32, #tpu.memory_space<vmem>>[vector<16xi32>, vector<16xi32>], vector<16xi32>,
      %mul3A_473 = arith.constant 16 : i32
      %mul3A_474 = arith.muli %scan3A_440, %mul3A_473 : i32
      %swap3A_475 = arith.constant 3 : i32
      %swap3A_476 = arith.index_cast %swap3A_475 : i32 to index
      %swap3A_477 = arith.index_cast %mul3A_474 : i32 to index
      %swap3A_478 = tpu.vector_load %arg11[%swap3A_476, %swap3A_477] {strides = array<i32>} : memref<12x320xi32, #tpu.memory_space<vmem>>, vector<16xi32>,
      tpu.vector_store %arg11[%swap3A_476, %swap3A_477], %gather3A_472 {strides = array<i32>} : memref<12x320xi32, #tpu.memory_space<vmem>>, vector<16xi32>,
      %broadcast_in_dim3A_479 = arith.constant 4 : i32
      %broadcast_in_dim3A_480 = vector.broadcast %broadcast_in_dim3A_479 : i32 to vector<16xi32>
      %gather3A_481 = tpu.vector_load_idx %arg12[%add3A_445, %broadcast_in_dim3A_480] : memref<320x128xi32, #tpu.memory_space<vmem>>[vector<16xi32>, vector<16xi32>], vector<16xi32>,
      %mul3A_482 = arith.constant 16 : i32
      %mul3A_483 = arith.muli %scan3A_440, %mul3A_482 : i32
      %swap3A_484 = arith.constant 4 : i32
      %swap3A_485 = arith.index_cast %swap3A_484 : i32 to index
      %swap3A_486 = arith.index_cast %mul3A_483 : i32 to index
      %swap3A_487 = tpu.vector_load %arg11[%swap3A_485, %swap3A_486] {strides = array<i32>} : memref<12x320xi32, #tpu.memory_space<vmem>>, vector<16xi32>,
      tpu.vector_store %arg11[%swap3A_485, %swap3A_486], %gather3A_481 {strides = array<i32>} : memref<12x320xi32, #tpu.memory_space<vmem>>, vector<16xi32>,
      %broadcast_in_dim3A_488 = arith.constant 5 : i32
      %broadcast_in_dim3A_489 = vector.broadcast %broadcast_in_dim3A_488 : i32 to vector<16xi32>
      %gather3A_490 = tpu.vector_load_idx %arg12[%add3A_445, %broadcast_in_dim3A_489] : memref<320x128xi32, #tpu.memory_space<vmem>>[vector<16xi32>, vector<16xi32>], vector<16xi32>,
      %mul3A_491 = arith.constant 16 : i32
      %mul3A_492 = arith.muli %scan3A_440, %mul3A_491 : i32
      %swap3A_493 = arith.constant 5 : i32
      %swap3A_494 = arith.index_cast %swap3A_493 : i32 to index
      %swap3A_495 = arith.index_cast %mul3A_492 : i32 to index
      %swap3A_496 = tpu.vector_load %arg11[%swap3A_494, %swap3A_495] {strides = array<i32>} : memref<12x320xi32, #tpu.memory_space<vmem>>, vector<16xi32>,
      tpu.vector_store %arg11[%swap3A_494, %swap3A_495], %gather3A_490 {strides = array<i32>} : memref<12x320xi32, #tpu.memory_space<vmem>>, vector<16xi32>,
      %broadcast_in_dim3A_497 = arith.constant 6 : i32
      %broadcast_in_dim3A_498 = vector.broadcast %broadcast_in_dim3A_497 : i32 to vector<16xi32>
      %gather3A_499 = tpu.vector_load_idx %arg12[%add3A_445, %broadcast_in_dim3A_498] : memref<320x128xi32, #tpu.memory_space<vmem>>[vector<16xi32>, vector<16xi32>], vector<16xi32>,
      %mul3A_500 = arith.constant 16 : i32
      %mul3A_501 = arith.muli %scan3A_440, %mul3A_500 : i32
      %swap3A_502 = arith.constant 6 : i32
      %swap3A_503 = arith.index_cast %swap3A_502 : i32 to index
      %swap3A_504 = arith.index_cast %mul3A_501 : i32 to index
      %swap3A_505 = tpu.vector_load %arg11[%swap3A_503, %swap3A_504] {strides = array<i32>} : memref<12x320xi32, #tpu.memory_space<vmem>>, vector<16xi32>,
      tpu.vector_store %arg11[%swap3A_503, %swap3A_504], %gather3A_499 {strides = array<i32>} : memref<12x320xi32, #tpu.memory_space<vmem>>, vector<16xi32>,
      %broadcast_in_dim3A_506 = arith.constant 7 : i32
      %broadcast_in_dim3A_507 = vector.broadcast %broadcast_in_dim3A_506 : i32 to vector<16xi32>
      %gather3A_508 = tpu.vector_load_idx %arg12[%add3A_445, %broadcast_in_dim3A_507] : memref<320x128xi32, #tpu.memory_space<vmem>>[vector<16xi32>, vector<16xi32>], vector<16xi32>,
      %mul3A_509 = arith.constant 16 : i32
      %mul3A_510 = arith.muli %scan3A_440, %mul3A_509 : i32
      %swap3A_511 = arith.constant 7 : i32
      %swap3A_512 = arith.index_cast %swap3A_511 : i32 to index
      %swap3A_513 = arith.index_cast %mul3A_510 : i32 to index
      %swap3A_514 = tpu.vector_load %arg11[%swap3A_512, %swap3A_513] {strides = array<i32>} : memref<12x320xi32, #tpu.memory_space<vmem>>, vector<16xi32>,
      tpu.vector_store %arg11[%swap3A_512, %swap3A_513], %gather3A_508 {strides = array<i32>} : memref<12x320xi32, #tpu.memory_space<vmem>>, vector<16xi32>,
      %broadcast_in_dim3A_515 = arith.constant 8 : i32
      %broadcast_in_dim3A_516 = vector.broadcast %broadcast_in_dim3A_515 : i32 to vector<16xi32>
      %gather3A_517 = tpu.vector_load_idx %arg12[%add3A_445, %broadcast_in_dim3A_516] : memref<320x128xi32, #tpu.memory_space<vmem>>[vector<16xi32>, vector<16xi32>], vector<16xi32>,
      %mul3A_518 = arith.constant 16 : i32
      %mul3A_519 = arith.muli %scan3A_440, %mul3A_518 : i32
      %swap3A_520 = arith.constant 8 : i32
      %swap3A_521 = arith.index_cast %swap3A_520 : i32 to index
      %swap3A_522 = arith.index_cast %mul3A_519 : i32 to index
      %swap3A_523 = tpu.vector_load %arg11[%swap3A_521, %swap3A_522] {strides = array<i32>} : memref<12x320xi32, #tpu.memory_space<vmem>>, vector<16xi32>,
      tpu.vector_store %arg11[%swap3A_521, %swap3A_522], %gather3A_517 {strides = array<i32>} : memref<12x320xi32, #tpu.memory_space<vmem>>, vector<16xi32>,
      %broadcast_in_dim3A_524 = arith.constant 9 : i32
      %broadcast_in_dim3A_525 = vector.broadcast %broadcast_in_dim3A_524 : i32 to vector<16xi32>
      %gather3A_526 = tpu.vector_load_idx %arg12[%add3A_445, %broadcast_in_dim3A_525] : memref<320x128xi32, #tpu.memory_space<vmem>>[vector<16xi32>, vector<16xi32>], vector<16xi32>,
      %mul3A_527 = arith.constant 16 : i32
      %mul3A_528 = arith.muli %scan3A_440, %mul3A_527 : i32
      %swap3A_529 = arith.constant 9 : i32
      %swap3A_530 = arith.index_cast %swap3A_529 : i32 to index
      %swap3A_531 = arith.index_cast %mul3A_528 : i32 to index
      %swap3A_532 = tpu.vector_load %arg11[%swap3A_530, %swap3A_531] {strides = array<i32>} : memref<12x320xi32, #tpu.memory_space<vmem>>, vector<16xi32>,
      tpu.vector_store %arg11[%swap3A_530, %swap3A_531], %gather3A_526 {strides = array<i32>} : memref<12x320xi32, #tpu.memory_space<vmem>>, vector<16xi32>,
      %broadcast_in_dim3A_533 = arith.constant 10 : i32
      %broadcast_in_dim3A_534 = vector.broadcast %broadcast_in_dim3A_533 : i32 to vector<16xi32>
      %gather3A_535 = tpu.vector_load_idx %arg12[%add3A_445, %broadcast_in_dim3A_534] : memref<320x128xi32, #tpu.memory_space<vmem>>[vector<16xi32>, vector<16xi32>], vector<16xi32>,
      %mul3A_536 = arith.constant 16 : i32
      %mul3A_537 = arith.muli %scan3A_440, %mul3A_536 : i32
      %swap3A_538 = arith.constant 10 : i32
      %swap3A_539 = arith.index_cast %swap3A_538 : i32 to index
      %swap3A_540 = arith.index_cast %mul3A_537 : i32 to index
      %swap3A_541 = tpu.vector_load %arg11[%swap3A_539, %swap3A_540] {strides = array<i32>} : memref<12x320xi32, #tpu.memory_space<vmem>>, vector<16xi32>,
      tpu.vector_store %arg11[%swap3A_539, %swap3A_540], %gather3A_535 {strides = array<i32>} : memref<12x320xi32, #tpu.memory_space<vmem>>, vector<16xi32>,
      %broadcast_in_dim3A_542 = arith.constant 11 : i32
      %broadcast_in_dim3A_543 = vector.broadcast %broadcast_in_dim3A_542 : i32 to vector<16xi32>
      %gather3A_544 = tpu.vector_load_idx %arg12[%add3A_445, %broadcast_in_dim3A_543] : memref<320x128xi32, #tpu.memory_space<vmem>>[vector<16xi32>, vector<16xi32>], vector<16xi32>,
      %mul3A_545 = arith.constant 16 : i32
      %mul3A_546 = arith.muli %scan3A_440, %mul3A_545 : i32
      %swap3A_547 = arith.constant 11 : i32
      %swap3A_548 = arith.index_cast %swap3A_547 : i32 to index
      %swap3A_549 = arith.index_cast %mul3A_546 : i32 to index
      %swap3A_550 = tpu.vector_load %arg11[%swap3A_548, %swap3A_549] {strides = array<i32>} : memref<12x320xi32, #tpu.memory_space<vmem>>, vector<16xi32>,
      tpu.vector_store %arg11[%swap3A_548, %swap3A_549], %gather3A_544 {strides = array<i32>} : memref<12x320xi32, #tpu.memory_space<vmem>>, vector<16xi32>,
      %scan3A_551 = arith.constant 0 : i32
      scf.yield %scan3A_551 : i32
    }
    %scan3A_26 = arith.constant 20 : i32
    %dma_start3A_27 = arith.constant 0 : i32
    %dma_start3A_28 = arith.constant 0 : i32
    %dma_start3A_29 = tpu.memref_slice %arg11[%dma_start3A_27, %dma_start3A_28] : memref<12x320xi32, #tpu.memory_space<vmem>> -> memref<1x320xi32, #tpu.memory_space<vmem>>
    %dma_start3A_30 = tpu.memref_squeeze %dma_start3A_29 : memref<1x320xi32, #tpu.memory_space<vmem>> -> memref<320xi32, #tpu.memory_space<vmem>>
    %dma_start3A_31 = arith.constant 0 : i32
    %dma_start3A_32 = arith.constant 0 : i32
    %dma_start3A_33 = tpu.memref_slice %arg2[%dma_start3A_31, %dma_start3A_32] : memref<100000x128xf32, #tpu.memory_space<hbm>> -> memref<100000x128xf32, #tpu.memory_space<hbm>>
    tpu.enqueue_indirect_dma source(%dma_start3A_33 : memref<100000x128xf32, #tpu.memory_space<hbm>>) target(%arg13 : memref<320x128xf32, #tpu.memory_space<vmem>>) offsets(%dma_start3A_30 : memref<320xi32, #tpu.memory_space<vmem>>) semaphore(%arg14 : memref<!tpu.dma_semaphore, #tpu.memory_space<semaphore_mem>>)
    %dma_wait3A_34 = arith.constant 0 : i32
    %dma_wait3A_35 = arith.constant 0 : i32
    %dma_wait3A_36 = tpu.memref_slice %arg11[%dma_wait3A_34, %dma_wait3A_35] : memref<12x320xi32, #tpu.memory_space<vmem>> -> memref<1x320xi32, #tpu.memory_space<vmem>>
    %dma_wait3A_37 = tpu.memref_squeeze %dma_wait3A_36 : memref<1x320xi32, #tpu.memory_space<vmem>> -> memref<320xi32, #tpu.memory_space<vmem>>
    %dma_wait3A_38 = arith.constant 0 : i32
    %dma_wait3A_39 = arith.constant 0 : i32
    %dma_wait3A_40 = tpu.memref_slice %arg2[%dma_wait3A_38, %dma_wait3A_39] : memref<100000x128xf32, #tpu.memory_space<hbm>> -> memref<100000x128xf32, #tpu.memory_space<hbm>>
    tpu.wait_indirect_dma semaphore(%arg14 : memref<!tpu.dma_semaphore, #tpu.memory_space<semaphore_mem>>) src(%dma_wait3A_40 : memref<100000x128xf32, #tpu.memory_space<hbm>>) dst(%arg13 : memref<320x128xf32, #tpu.memory_space<vmem>>)
    %add3A_41 = arith.constant 0 : i32
    %add3A_42 = arith.addi %add3A_41, %add3A_4 : i32
    "tpu.region"() ({
      %run_scoped3A = tpu.sem_alloc : memref<!tpu.dma_semaphore, #tpu.memory_space<semaphore_mem>>
      %dma_start3A_440 = arith.constant 0 : i32
      %dma_start3A_441 = tpu.memref_slice %arg9[%add3A_42, %dma_start3A_440] : memref<245760x128xf32, #tpu.memory_space<hbm>> -> memref<320x128xf32, #tpu.memory_space<hbm>>
      %dma_start3A_442 = arith.constant 0 : i32
      %dma_start3A_443 = tpu.memref_slice %arg9[%add3A_42, %dma_start3A_442] : memref<245760x128xf32, #tpu.memory_space<hbm>> -> memref<320x128xf32, #tpu.memory_space<hbm>>
      tpu.enqueue_dma source(%arg13 : memref<320x128xf32, #tpu.memory_space<vmem>>) target(%dma_start3A_443 : memref<320x128xf32, #tpu.memory_space<hbm>>) target_semaphore(%run_scoped3A : memref<!tpu.dma_semaphore, #tpu.memory_space<semaphore_mem>>)
      %dma_wait3A_444 = arith.constant 0 : i32
      %dma_wait3A_445 = tpu.memref_slice %arg9[%add3A_42, %dma_wait3A_444] : memref<245760x128xf32, #tpu.memory_space<hbm>> -> memref<320x128xf32, #tpu.memory_space<hbm>>
      %dma_wait3A_446 = arith.constant 0 : i32
      %dma_wait3A_447 = tpu.memref_slice %arg9[%add3A_42, %dma_wait3A_446] : memref<245760x128xf32, #tpu.memory_space<hbm>> -> memref<320x128xf32, #tpu.memory_space<hbm>>
      tpu.wait_dma2 semaphore(%run_scoped3A : memref<!tpu.dma_semaphore, #tpu.memory_space<semaphore_mem>>) src(%arg13 : memref<320x128xf32, #tpu.memory_space<vmem>>) dst(%dma_wait3A_447 : memref<320x128xf32, #tpu.memory_space<hbm>>)
      tpu.yield
    }) : () -> ()
    %dma_start3A_43 = arith.constant 1 : i32
    %dma_start3A_44 = arith.constant 0 : i32
    %dma_start3A_45 = tpu.memref_slice %arg11[%dma_start3A_43, %dma_start3A_44] : memref<12x320xi32, #tpu.memory_space<vmem>> -> memref<1x320xi32, #tpu.memory_space<vmem>>
    %dma_start3A_46 = tpu.memref_squeeze %dma_start3A_45 : memref<1x320xi32, #tpu.memory_space<vmem>> -> memref<320xi32, #tpu.memory_space<vmem>>
    %dma_start3A_47 = arith.constant 0 : i32
    %dma_start3A_48 = arith.constant 0 : i32
    %dma_start3A_49 = tpu.memref_slice %arg2[%dma_start3A_47, %dma_start3A_48] : memref<100000x128xf32, #tpu.memory_space<hbm>> -> memref<100000x128xf32, #tpu.memory_space<hbm>>
    tpu.enqueue_indirect_dma source(%dma_start3A_49 : memref<100000x128xf32, #tpu.memory_space<hbm>>) target(%arg13 : memref<320x128xf32, #tpu.memory_space<vmem>>) offsets(%dma_start3A_46 : memref<320xi32, #tpu.memory_space<vmem>>) semaphore(%arg14 : memref<!tpu.dma_semaphore, #tpu.memory_space<semaphore_mem>>)
    %dma_wait3A_50 = arith.constant 1 : i32
    %dma_wait3A_51 = arith.constant 0 : i32
    %dma_wait3A_52 = tpu.memref_slice %arg11[%dma_wait3A_50, %dma_wait3A_51] : memref<12x320xi32, #tpu.memory_space<vmem>> -> memref<1x320xi32, #tpu.memory_space<vmem>>
    %dma_wait3A_53 = tpu.memref_squeeze %dma_wait3A_52 : memref<1x320xi32, #tpu.memory_space<vmem>> -> memref<320xi32, #tpu.memory_space<vmem>>
    %dma_wait3A_54 = arith.constant 0 : i32
    %dma_wait3A_55 = arith.constant 0 : i32
    %dma_wait3A_56 = tpu.memref_slice %arg2[%dma_wait3A_54, %dma_wait3A_55] : memref<100000x128xf32, #tpu.memory_space<hbm>> -> memref<100000x128xf32, #tpu.memory_space<hbm>>
    tpu.wait_indirect_dma semaphore(%arg14 : memref<!tpu.dma_semaphore, #tpu.memory_space<semaphore_mem>>) src(%dma_wait3A_56 : memref<100000x128xf32, #tpu.memory_space<hbm>>) dst(%arg13 : memref<320x128xf32, #tpu.memory_space<vmem>>)
    %add3A_57 = arith.constant 20480 : i32
    %add3A_58 = arith.addi %add3A_57, %add3A_4 : i32
    "tpu.region"() ({
      %run_scoped3A = tpu.sem_alloc : memref<!tpu.dma_semaphore, #tpu.memory_space<semaphore_mem>>
      %dma_start3A_440 = arith.constant 0 : i32
      %dma_start3A_441 = tpu.memref_slice %arg9[%add3A_58, %dma_start3A_440] : memref<245760x128xf32, #tpu.memory_space<hbm>> -> memref<320x128xf32, #tpu.memory_space<hbm>>
      %dma_start3A_442 = arith.constant 0 : i32
      %dma_start3A_443 = tpu.memref_slice %arg9[%add3A_58, %dma_start3A_442] : memref<245760x128xf32, #tpu.memory_space<hbm>> -> memref<320x128xf32, #tpu.memory_space<hbm>>
      tpu.enqueue_dma source(%arg13 : memref<320x128xf32, #tpu.memory_space<vmem>>) target(%dma_start3A_443 : memref<320x128xf32, #tpu.memory_space<hbm>>) target_semaphore(%run_scoped3A : memref<!tpu.dma_semaphore, #tpu.memory_space<semaphore_mem>>)
      %dma_wait3A_444 = arith.constant 0 : i32
      %dma_wait3A_445 = tpu.memref_slice %arg9[%add3A_58, %dma_wait3A_444] : memref<245760x128xf32, #tpu.memory_space<hbm>> -> memref<320x128xf32, #tpu.memory_space<hbm>>
      %dma_wait3A_446 = arith.constant 0 : i32
      %dma_wait3A_447 = tpu.memref_slice %arg9[%add3A_58, %dma_wait3A_446] : memref<245760x128xf32, #tpu.memory_space<hbm>> -> memref<320x128xf32, #tpu.memory_space<hbm>>
      tpu.wait_dma2 semaphore(%run_scoped3A : memref<!tpu.dma_semaphore, #tpu.memory_space<semaphore_mem>>) src(%arg13 : memref<320x128xf32, #tpu.memory_space<vmem>>) dst(%dma_wait3A_447 : memref<320x128xf32, #tpu.memory_space<hbm>>)
      tpu.yield
    }) : () -> ()
    %dma_start3A_59 = arith.constant 2 : i32
    %dma_start3A_60 = arith.constant 0 : i32
    %dma_start3A_61 = tpu.memref_slice %arg11[%dma_start3A_59, %dma_start3A_60] : memref<12x320xi32, #tpu.memory_space<vmem>> -> memref<1x320xi32, #tpu.memory_space<vmem>>
    %dma_start3A_62 = tpu.memref_squeeze %dma_start3A_61 : memref<1x320xi32, #tpu.memory_space<vmem>> -> memref<320xi32, #tpu.memory_space<vmem>>
    %dma_start3A_63 = arith.constant 0 : i32
    %dma_start3A_64 = arith.constant 0 : i32
    %dma_start3A_65 = tpu.memref_slice %arg2[%dma_start3A_63, %dma_start3A_64] : memref<100000x128xf32, #tpu.memory_space<hbm>> -> memref<100000x128xf32, #tpu.memory_space<hbm>>
    tpu.enqueue_indirect_dma source(%dma_start3A_65 : memref<100000x128xf32, #tpu.memory_space<hbm>>) target(%arg13 : memref<320x128xf32, #tpu.memory_space<vmem>>) offsets(%dma_start3A_62 : memref<320xi32, #tpu.memory_space<vmem>>) semaphore(%arg14 : memref<!tpu.dma_semaphore, #tpu.memory_space<semaphore_mem>>)
    %dma_wait3A_66 = arith.constant 2 : i32
    %dma_wait3A_67 = arith.constant 0 : i32
    %dma_wait3A_68 = tpu.memref_slice %arg11[%dma_wait3A_66, %dma_wait3A_67] : memref<12x320xi32, #tpu.memory_space<vmem>> -> memref<1x320xi32, #tpu.memory_space<vmem>>
    %dma_wait3A_69 = tpu.memref_squeeze %dma_wait3A_68 : memref<1x320xi32, #tpu.memory_space<vmem>> -> memref<320xi32, #tpu.memory_space<vmem>>
    %dma_wait3A_70 = arith.constant 0 : i32
    %dma_wait3A_71 = arith.constant 0 : i32
    %dma_wait3A_72 = tpu.memref_slice %arg2[%dma_wait3A_70, %dma_wait3A_71] : memref<100000x128xf32, #tpu.memory_space<hbm>> -> memref<100000x128xf32, #tpu.memory_space<hbm>>
    tpu.wait_indirect_dma semaphore(%arg14 : memref<!tpu.dma_semaphore, #tpu.memory_space<semaphore_mem>>) src(%dma_wait3A_72 : memref<100000x128xf32, #tpu.memory_space<hbm>>) dst(%arg13 : memref<320x128xf32, #tpu.memory_space<vmem>>)
    %add3A_73 = arith.constant 40960 : i32
    %add3A_74 = arith.addi %add3A_73, %add3A_4 : i32
    "tpu.region"() ({
      %run_scoped3A = tpu.sem_alloc : memref<!tpu.dma_semaphore, #tpu.memory_space<semaphore_mem>>
      %dma_start3A_440 = arith.constant 0 : i32
      %dma_start3A_441 = tpu.memref_slice %arg9[%add3A_74, %dma_start3A_440] : memref<245760x128xf32, #tpu.memory_space<hbm>> -> memref<320x128xf32, #tpu.memory_space<hbm>>
      %dma_start3A_442 = arith.constant 0 : i32
      %dma_start3A_443 = tpu.memref_slice %arg9[%add3A_74, %dma_start3A_442] : memref<245760x128xf32, #tpu.memory_space<hbm>> -> memref<320x128xf32, #tpu.memory_space<hbm>>
      tpu.enqueue_dma source(%arg13 : memref<320x128xf32, #tpu.memory_space<vmem>>) target(%dma_start3A_443 : memref<320x128xf32, #tpu.memory_space<hbm>>) target_semaphore(%run_scoped3A : memref<!tpu.dma_semaphore, #tpu.memory_space<semaphore_mem>>)
      %dma_wait3A_444 = arith.constant 0 : i32
      %dma_wait3A_445 = tpu.memref_slice %arg9[%add3A_74, %dma_wait3A_444] : memref<245760x128xf32, #tpu.memory_space<hbm>> -> memref<320x128xf32, #tpu.memory_space<hbm>>
      %dma_wait3A_446 = arith.constant 0 : i32
      %dma_wait3A_447 = tpu.memref_slice %arg9[%add3A_74, %dma_wait3A_446] : memref<245760x128xf32, #tpu.memory_space<hbm>> -> memref<320x128xf32, #tpu.memory_space<hbm>>
      tpu.wait_dma2 semaphore(%run_scoped3A : memref<!tpu.dma_semaphore, #tpu.memory_space<semaphore_mem>>) src(%arg13 : memref<320x128xf32, #tpu.memory_space<vmem>>) dst(%dma_wait3A_447 : memref<320x128xf32, #tpu.memory_space<hbm>>)
      tpu.yield
    }) : () -> ()
    %dma_start3A_75 = arith.constant 3 : i32
    %dma_start3A_76 = arith.constant 0 : i32
    %dma_start3A_77 = tpu.memref_slice %arg11[%dma_start3A_75, %dma_start3A_76] : memref<12x320xi32, #tpu.memory_space<vmem>> -> memref<1x320xi32, #tpu.memory_space<vmem>>
    %dma_start3A_78 = tpu.memref_squeeze %dma_start3A_77 : memref<1x320xi32, #tpu.memory_space<vmem>> -> memref<320xi32, #tpu.memory_space<vmem>>
    %dma_start3A_79 = arith.constant 0 : i32
    %dma_start3A_80 = arith.constant 0 : i32
    %dma_start3A_81 = tpu.memref_slice %arg2[%dma_start3A_79, %dma_start3A_80] : memref<100000x128xf32, #tpu.memory_space<hbm>> -> memref<100000x128xf32, #tpu.memory_space<hbm>>
    tpu.enqueue_indirect_dma source(%dma_start3A_81 : memref<100000x128xf32, #tpu.memory_space<hbm>>) target(%arg13 : memref<320x128xf32, #tpu.memory_space<vmem>>) offsets(%dma_start3A_78 : memref<320xi32, #tpu.memory_space<vmem>>) semaphore(%arg14 : memref<!tpu.dma_semaphore, #tpu.memory_space<semaphore_mem>>)
    %dma_wait3A_82 = arith.constant 3 : i32
    %dma_wait3A_83 = arith.constant 0 : i32
    %dma_wait3A_84 = tpu.memref_slice %arg11[%dma_wait3A_82, %dma_wait3A_83] : memref<12x320xi32, #tpu.memory_space<vmem>> -> memref<1x320xi32, #tpu.memory_space<vmem>>
    %dma_wait3A_85 = tpu.memref_squeeze %dma_wait3A_84 : memref<1x320xi32, #tpu.memory_space<vmem>> -> memref<320xi32, #tpu.memory_space<vmem>>
    %dma_wait3A_86 = arith.constant 0 : i32
    %dma_wait3A_87 = arith.constant 0 : i32
    %dma_wait3A_88 = tpu.memref_slice %arg2[%dma_wait3A_86, %dma_wait3A_87] : memref<100000x128xf32, #tpu.memory_space<hbm>> -> memref<100000x128xf32, #tpu.memory_space<hbm>>
    tpu.wait_indirect_dma semaphore(%arg14 : memref<!tpu.dma_semaphore, #tpu.memory_space<semaphore_mem>>) src(%dma_wait3A_88 : memref<100000x128xf32, #tpu.memory_space<hbm>>) dst(%arg13 : memref<320x128xf32, #tpu.memory_space<vmem>>)
    %add3A_89 = arith.constant 61440 : i32
    %add3A_90 = arith.addi %add3A_89, %add3A_4 : i32
    "tpu.region"() ({
      %run_scoped3A = tpu.sem_alloc : memref<!tpu.dma_semaphore, #tpu.memory_space<semaphore_mem>>
      %dma_start3A_440 = arith.constant 0 : i32
      %dma_start3A_441 = tpu.memref_slice %arg9[%add3A_90, %dma_start3A_440] : memref<245760x128xf32, #tpu.memory_space<hbm>> -> memref<320x128xf32, #tpu.memory_space<hbm>>
      %dma_start3A_442 = arith.constant 0 : i32
      %dma_start3A_443 = tpu.memref_slice %arg9[%add3A_90, %dma_start3A_442] : memref<245760x128xf32, #tpu.memory_space<hbm>> -> memref<320x128xf32, #tpu.memory_space<hbm>>
      tpu.enqueue_dma source(%arg13 : memref<320x128xf32, #tpu.memory_space<vmem>>) target(%dma_start3A_443 : memref<320x128xf32, #tpu.memory_space<hbm>>) target_semaphore(%run_scoped3A : memref<!tpu.dma_semaphore, #tpu.memory_space<semaphore_mem>>)
      %dma_wait3A_444 = arith.constant 0 : i32
      %dma_wait3A_445 = tpu.memref_slice %arg9[%add3A_90, %dma_wait3A_444] : memref<245760x128xf32, #tpu.memory_space<hbm>> -> memref<320x128xf32, #tpu.memory_space<hbm>>
      %dma_wait3A_446 = arith.constant 0 : i32
      %dma_wait3A_447 = tpu.memref_slice %arg9[%add3A_90, %dma_wait3A_446] : memref<245760x128xf32, #tpu.memory_space<hbm>> -> memref<320x128xf32, #tpu.memory_space<hbm>>
      tpu.wait_dma2 semaphore(%run_scoped3A : memref<!tpu.dma_semaphore, #tpu.memory_space<semaphore_mem>>) src(%arg13 : memref<320x128xf32, #tpu.memory_space<vmem>>) dst(%dma_wait3A_447 : memref<320x128xf32, #tpu.memory_space<hbm>>)
      tpu.yield
    }) : () -> ()
    %dma_start3A_91 = arith.constant 4 : i32
    %dma_start3A_92 = arith.constant 0 : i32
    %dma_start3A_93 = tpu.memref_slice %arg11[%dma_start3A_91, %dma_start3A_92] : memref<12x320xi32, #tpu.memory_space<vmem>> -> memref<1x320xi32, #tpu.memory_space<vmem>>
    %dma_start3A_94 = tpu.memref_squeeze %dma_start3A_93 : memref<1x320xi32, #tpu.memory_space<vmem>> -> memref<320xi32, #tpu.memory_space<vmem>>
    %dma_start3A_95 = arith.constant 0 : i32
    %dma_start3A_96 = arith.constant 0 : i32
    %dma_start3A_97 = tpu.memref_slice %arg2[%dma_start3A_95, %dma_start3A_96] : memref<100000x128xf32, #tpu.memory_space<hbm>> -> memref<100000x128xf32, #tpu.memory_space<hbm>>
    tpu.enqueue_indirect_dma source(%dma_start3A_97 : memref<100000x128xf32, #tpu.memory_space<hbm>>) target(%arg13 : memref<320x128xf32, #tpu.memory_space<vmem>>) offsets(%dma_start3A_94 : memref<320xi32, #tpu.memory_space<vmem>>) semaphore(%arg14 : memref<!tpu.dma_semaphore, #tpu.memory_space<semaphore_mem>>)
    %dma_wait3A_98 = arith.constant 4 : i32
    %dma_wait3A_99 = arith.constant 0 : i32
    %dma_wait3A_100 = tpu.memref_slice %arg11[%dma_wait3A_98, %dma_wait3A_99] : memref<12x320xi32, #tpu.memory_space<vmem>> -> memref<1x320xi32, #tpu.memory_space<vmem>>
    %dma_wait3A_101 = tpu.memref_squeeze %dma_wait3A_100 : memref<1x320xi32, #tpu.memory_space<vmem>> -> memref<320xi32, #tpu.memory_space<vmem>>
    %dma_wait3A_102 = arith.constant 0 : i32
    %dma_wait3A_103 = arith.constant 0 : i32
    %dma_wait3A_104 = tpu.memref_slice %arg2[%dma_wait3A_102, %dma_wait3A_103] : memref<100000x128xf32, #tpu.memory_space<hbm>> -> memref<100000x128xf32, #tpu.memory_space<hbm>>
    tpu.wait_indirect_dma semaphore(%arg14 : memref<!tpu.dma_semaphore, #tpu.memory_space<semaphore_mem>>) src(%dma_wait3A_104 : memref<100000x128xf32, #tpu.memory_space<hbm>>) dst(%arg13 : memref<320x128xf32, #tpu.memory_space<vmem>>)
    %add3A_105 = arith.constant 81920 : i32
    %add3A_106 = arith.addi %add3A_105, %add3A_4 : i32
    "tpu.region"() ({
      %run_scoped3A = tpu.sem_alloc : memref<!tpu.dma_semaphore, #tpu.memory_space<semaphore_mem>>
      %dma_start3A_440 = arith.constant 0 : i32
      %dma_start3A_441 = tpu.memref_slice %arg9[%add3A_106, %dma_start3A_440] : memref<245760x128xf32, #tpu.memory_space<hbm>> -> memref<320x128xf32, #tpu.memory_space<hbm>>
      %dma_start3A_442 = arith.constant 0 : i32
      %dma_start3A_443 = tpu.memref_slice %arg9[%add3A_106, %dma_start3A_442] : memref<245760x128xf32, #tpu.memory_space<hbm>> -> memref<320x128xf32, #tpu.memory_space<hbm>>
      tpu.enqueue_dma source(%arg13 : memref<320x128xf32, #tpu.memory_space<vmem>>) target(%dma_start3A_443 : memref<320x128xf32, #tpu.memory_space<hbm>>) target_semaphore(%run_scoped3A : memref<!tpu.dma_semaphore, #tpu.memory_space<semaphore_mem>>)
      %dma_wait3A_444 = arith.constant 0 : i32
      %dma_wait3A_445 = tpu.memref_slice %arg9[%add3A_106, %dma_wait3A_444] : memref<245760x128xf32, #tpu.memory_space<hbm>> -> memref<320x128xf32, #tpu.memory_space<hbm>>
      %dma_wait3A_446 = arith.constant 0 : i32
      %dma_wait3A_447 = tpu.memref_slice %arg9[%add3A_106, %dma_wait3A_446] : memref<245760x128xf32, #tpu.memory_space<hbm>> -> memref<320x128xf32, #tpu.memory_space<hbm>>
      tpu.wait_dma2 semaphore(%run_scoped3A : memref<!tpu.dma_semaphore, #tpu.memory_space<semaphore_mem>>) src(%arg13 : memref<320x128xf32, #tpu.memory_space<vmem>>) dst(%dma_wait3A_447 : memref<320x128xf32, #tpu.memory_space<hbm>>)
      tpu.yield
    }) : () -> ()
    %dma_start3A_107 = arith.constant 5 : i32
    %dma_start3A_108 = arith.constant 0 : i32
    %dma_start3A_109 = tpu.memref_slice %arg11[%dma_start3A_107, %dma_start3A_108] : memref<12x320xi32, #tpu.memory_space<vmem>> -> memref<1x320xi32, #tpu.memory_space<vmem>>
    %dma_start3A_110 = tpu.memref_squeeze %dma_start3A_109 : memref<1x320xi32, #tpu.memory_space<vmem>> -> memref<320xi32, #tpu.memory_space<vmem>>
    %dma_start3A_111 = arith.constant 0 : i32
    %dma_start3A_112 = arith.constant 0 : i32
    %dma_start3A_113 = tpu.memref_slice %arg2[%dma_start3A_111, %dma_start3A_112] : memref<100000x128xf32, #tpu.memory_space<hbm>> -> memref<100000x128xf32, #tpu.memory_space<hbm>>
    tpu.enqueue_indirect_dma source(%dma_start3A_113 : memref<100000x128xf32, #tpu.memory_space<hbm>>) target(%arg13 : memref<320x128xf32, #tpu.memory_space<vmem>>) offsets(%dma_start3A_110 : memref<320xi32, #tpu.memory_space<vmem>>) semaphore(%arg14 : memref<!tpu.dma_semaphore, #tpu.memory_space<semaphore_mem>>)
    %dma_wait3A_114 = arith.constant 5 : i32
    %dma_wait3A_115 = arith.constant 0 : i32
    %dma_wait3A_116 = tpu.memref_slice %arg11[%dma_wait3A_114, %dma_wait3A_115] : memref<12x320xi32, #tpu.memory_space<vmem>> -> memref<1x320xi32, #tpu.memory_space<vmem>>
    %dma_wait3A_117 = tpu.memref_squeeze %dma_wait3A_116 : memref<1x320xi32, #tpu.memory_space<vmem>> -> memref<320xi32, #tpu.memory_space<vmem>>
    %dma_wait3A_118 = arith.constant 0 : i32
    %dma_wait3A_119 = arith.constant 0 : i32
    %dma_wait3A_120 = tpu.memref_slice %arg2[%dma_wait3A_118, %dma_wait3A_119] : memref<100000x128xf32, #tpu.memory_space<hbm>> -> memref<100000x128xf32, #tpu.memory_space<hbm>>
    tpu.wait_indirect_dma semaphore(%arg14 : memref<!tpu.dma_semaphore, #tpu.memory_space<semaphore_mem>>) src(%dma_wait3A_120 : memref<100000x128xf32, #tpu.memory_space<hbm>>) dst(%arg13 : memref<320x128xf32, #tpu.memory_space<vmem>>)
    %add3A_121 = arith.constant 102400 : i32
    %add3A_122 = arith.addi %add3A_121, %add3A_4 : i32
    "tpu.region"() ({
      %run_scoped3A = tpu.sem_alloc : memref<!tpu.dma_semaphore, #tpu.memory_space<semaphore_mem>>
      %dma_start3A_440 = arith.constant 0 : i32
      %dma_start3A_441 = tpu.memref_slice %arg9[%add3A_122, %dma_start3A_440] : memref<245760x128xf32, #tpu.memory_space<hbm>> -> memref<320x128xf32, #tpu.memory_space<hbm>>
      %dma_start3A_442 = arith.constant 0 : i32
      %dma_start3A_443 = tpu.memref_slice %arg9[%add3A_122, %dma_start3A_442] : memref<245760x128xf32, #tpu.memory_space<hbm>> -> memref<320x128xf32, #tpu.memory_space<hbm>>
      tpu.enqueue_dma source(%arg13 : memref<320x128xf32, #tpu.memory_space<vmem>>) target(%dma_start3A_443 : memref<320x128xf32, #tpu.memory_space<hbm>>) target_semaphore(%run_scoped3A : memref<!tpu.dma_semaphore, #tpu.memory_space<semaphore_mem>>)
      %dma_wait3A_444 = arith.constant 0 : i32
      %dma_wait3A_445 = tpu.memref_slice %arg9[%add3A_122, %dma_wait3A_444] : memref<245760x128xf32, #tpu.memory_space<hbm>> -> memref<320x128xf32, #tpu.memory_space<hbm>>
      %dma_wait3A_446 = arith.constant 0 : i32
      %dma_wait3A_447 = tpu.memref_slice %arg9[%add3A_122, %dma_wait3A_446] : memref<245760x128xf32, #tpu.memory_space<hbm>> -> memref<320x128xf32, #tpu.memory_space<hbm>>
      tpu.wait_dma2 semaphore(%run_scoped3A : memref<!tpu.dma_semaphore, #tpu.memory_space<semaphore_mem>>) src(%arg13 : memref<320x128xf32, #tpu.memory_space<vmem>>) dst(%dma_wait3A_447 : memref<320x128xf32, #tpu.memory_space<hbm>>)
      tpu.yield
    }) : () -> ()
    %dma_start3A_123 = arith.constant 6 : i32
    %dma_start3A_124 = arith.constant 0 : i32
    %dma_start3A_125 = tpu.memref_slice %arg11[%dma_start3A_123, %dma_start3A_124] : memref<12x320xi32, #tpu.memory_space<vmem>> -> memref<1x320xi32, #tpu.memory_space<vmem>>
    %dma_start3A_126 = tpu.memref_squeeze %dma_start3A_125 : memref<1x320xi32, #tpu.memory_space<vmem>> -> memref<320xi32, #tpu.memory_space<vmem>>
    %dma_start3A_127 = arith.constant 0 : i32
    %dma_start3A_128 = arith.constant 0 : i32
    %dma_start3A_129 = tpu.memref_slice %arg2[%dma_start3A_127, %dma_start3A_128] : memref<100000x128xf32, #tpu.memory_space<hbm>> -> memref<100000x128xf32, #tpu.memory_space<hbm>>
    tpu.enqueue_indirect_dma source(%dma_start3A_129 : memref<100000x128xf32, #tpu.memory_space<hbm>>) target(%arg13 : memref<320x128xf32, #tpu.memory_space<vmem>>) offsets(%dma_start3A_126 : memref<320xi32, #tpu.memory_space<vmem>>) semaphore(%arg14 : memref<!tpu.dma_semaphore, #tpu.memory_space<semaphore_mem>>)
    %dma_wait3A_130 = arith.constant 6 : i32
    %dma_wait3A_131 = arith.constant 0 : i32
    %dma_wait3A_132 = tpu.memref_slice %arg11[%dma_wait3A_130, %dma_wait3A_131] : memref<12x320xi32, #tpu.memory_space<vmem>> -> memref<1x320xi32, #tpu.memory_space<vmem>>
    %dma_wait3A_133 = tpu.memref_squeeze %dma_wait3A_132 : memref<1x320xi32, #tpu.memory_space<vmem>> -> memref<320xi32, #tpu.memory_space<vmem>>
    %dma_wait3A_134 = arith.constant 0 : i32
    %dma_wait3A_135 = arith.constant 0 : i32
    %dma_wait3A_136 = tpu.memref_slice %arg2[%dma_wait3A_134, %dma_wait3A_135] : memref<100000x128xf32, #tpu.memory_space<hbm>> -> memref<100000x128xf32, #tpu.memory_space<hbm>>
    tpu.wait_indirect_dma semaphore(%arg14 : memref<!tpu.dma_semaphore, #tpu.memory_space<semaphore_mem>>) src(%dma_wait3A_136 : memref<100000x128xf32, #tpu.memory_space<hbm>>) dst(%arg13 : memref<320x128xf32, #tpu.memory_space<vmem>>)
    %add3A_137 = arith.constant 122880 : i32
    %add3A_138 = arith.addi %add3A_137, %add3A_4 : i32
    "tpu.region"() ({
      %run_scoped3A = tpu.sem_alloc : memref<!tpu.dma_semaphore, #tpu.memory_space<semaphore_mem>>
      %dma_start3A_440 = arith.constant 0 : i32
      %dma_start3A_441 = tpu.memref_slice %arg9[%add3A_138, %dma_start3A_440] : memref<245760x128xf32, #tpu.memory_space<hbm>> -> memref<320x128xf32, #tpu.memory_space<hbm>>
      %dma_start3A_442 = arith.constant 0 : i32
      %dma_start3A_443 = tpu.memref_slice %arg9[%add3A_138, %dma_start3A_442] : memref<245760x128xf32, #tpu.memory_space<hbm>> -> memref<320x128xf32, #tpu.memory_space<hbm>>
      tpu.enqueue_dma source(%arg13 : memref<320x128xf32, #tpu.memory_space<vmem>>) target(%dma_start3A_443 : memref<320x128xf32, #tpu.memory_space<hbm>>) target_semaphore(%run_scoped3A : memref<!tpu.dma_semaphore, #tpu.memory_space<semaphore_mem>>)
      %dma_wait3A_444 = arith.constant 0 : i32
      %dma_wait3A_445 = tpu.memref_slice %arg9[%add3A_138, %dma_wait3A_444] : memref<245760x128xf32, #tpu.memory_space<hbm>> -> memref<320x128xf32, #tpu.memory_space<hbm>>
      %dma_wait3A_446 = arith.constant 0 : i32
      %dma_wait3A_447 = tpu.memref_slice %arg9[%add3A_138, %dma_wait3A_446] : memref<245760x128xf32, #tpu.memory_space<hbm>> -> memref<320x128xf32, #tpu.memory_space<hbm>>
      tpu.wait_dma2 semaphore(%run_scoped3A : memref<!tpu.dma_semaphore, #tpu.memory_space<semaphore_mem>>) src(%arg13 : memref<320x128xf32, #tpu.memory_space<vmem>>) dst(%dma_wait3A_447 : memref<320x128xf32, #tpu.memory_space<hbm>>)
      tpu.yield
    }) : () -> ()
    %dma_start3A_139 = arith.constant 7 : i32
    %dma_start3A_140 = arith.constant 0 : i32
    %dma_start3A_141 = tpu.memref_slice %arg11[%dma_start3A_139, %dma_start3A_140] : memref<12x320xi32, #tpu.memory_space<vmem>> -> memref<1x320xi32, #tpu.memory_space<vmem>>
    %dma_start3A_142 = tpu.memref_squeeze %dma_start3A_141 : memref<1x320xi32, #tpu.memory_space<vmem>> -> memref<320xi32, #tpu.memory_space<vmem>>
    %dma_start3A_143 = arith.constant 0 : i32
    %dma_start3A_144 = arith.constant 0 : i32
    %dma_start3A_145 = tpu.memref_slice %arg2[%dma_start3A_143, %dma_start3A_144] : memref<100000x128xf32, #tpu.memory_space<hbm>> -> memref<100000x128xf32, #tpu.memory_space<hbm>>
    tpu.enqueue_indirect_dma source(%dma_start3A_145 : memref<100000x128xf32, #tpu.memory_space<hbm>>) target(%arg13 : memref<320x128xf32, #tpu.memory_space<vmem>>) offsets(%dma_start3A_142 : memref<320xi32, #tpu.memory_space<vmem>>) semaphore(%arg14 : memref<!tpu.dma_semaphore, #tpu.memory_space<semaphore_mem>>)
    %dma_wait3A_146 = arith.constant 7 : i32
    %dma_wait3A_147 = arith.constant 0 : i32
    %dma_wait3A_148 = tpu.memref_slice %arg11[%dma_wait3A_146, %dma_wait3A_147] : memref<12x320xi32, #tpu.memory_space<vmem>> -> memref<1x320xi32, #tpu.memory_space<vmem>>
    %dma_wait3A_149 = tpu.memref_squeeze %dma_wait3A_148 : memref<1x320xi32, #tpu.memory_space<vmem>> -> memref<320xi32, #tpu.memory_space<vmem>>
    %dma_wait3A_150 = arith.constant 0 : i32
    %dma_wait3A_151 = arith.constant 0 : i32
    %dma_wait3A_152 = tpu.memref_slice %arg2[%dma_wait3A_150, %dma_wait3A_151] : memref<100000x128xf32, #tpu.memory_space<hbm>> -> memref<100000x128xf32, #tpu.memory_space<hbm>>
    tpu.wait_indirect_dma semaphore(%arg14 : memref<!tpu.dma_semaphore, #tpu.memory_space<semaphore_mem>>) src(%dma_wait3A_152 : memref<100000x128xf32, #tpu.memory_space<hbm>>) dst(%arg13 : memref<320x128xf32, #tpu.memory_space<vmem>>)
    %add3A_153 = arith.constant 143360 : i32
    %add3A_154 = arith.addi %add3A_153, %add3A_4 : i32
    "tpu.region"() ({
      %run_scoped3A = tpu.sem_alloc : memref<!tpu.dma_semaphore, #tpu.memory_space<semaphore_mem>>
      %dma_start3A_440 = arith.constant 0 : i32
      %dma_start3A_441 = tpu.memref_slice %arg9[%add3A_154, %dma_start3A_440] : memref<245760x128xf32, #tpu.memory_space<hbm>> -> memref<320x128xf32, #tpu.memory_space<hbm>>
      %dma_start3A_442 = arith.constant 0 : i32
      %dma_start3A_443 = tpu.memref_slice %arg9[%add3A_154, %dma_start3A_442] : memref<245760x128xf32, #tpu.memory_space<hbm>> -> memref<320x128xf32, #tpu.memory_space<hbm>>
      tpu.enqueue_dma source(%arg13 : memref<320x128xf32, #tpu.memory_space<vmem>>) target(%dma_start3A_443 : memref<320x128xf32, #tpu.memory_space<hbm>>) target_semaphore(%run_scoped3A : memref<!tpu.dma_semaphore, #tpu.memory_space<semaphore_mem>>)
      %dma_wait3A_444 = arith.constant 0 : i32
      %dma_wait3A_445 = tpu.memref_slice %arg9[%add3A_154, %dma_wait3A_444] : memref<245760x128xf32, #tpu.memory_space<hbm>> -> memref<320x128xf32, #tpu.memory_space<hbm>>
      %dma_wait3A_446 = arith.constant 0 : i32
      %dma_wait3A_447 = tpu.memref_slice %arg9[%add3A_154, %dma_wait3A_446] : memref<245760x128xf32, #tpu.memory_space<hbm>> -> memref<320x128xf32, #tpu.memory_space<hbm>>
      tpu.wait_dma2 semaphore(%run_scoped3A : memref<!tpu.dma_semaphore, #tpu.memory_space<semaphore_mem>>) src(%arg13 : memref<320x128xf32, #tpu.memory_space<vmem>>) dst(%dma_wait3A_447 : memref<320x128xf32, #tpu.memory_space<hbm>>)
      tpu.yield
    }) : () -> ()
    %dma_start3A_155 = arith.constant 8 : i32
    %dma_start3A_156 = arith.constant 0 : i32
    %dma_start3A_157 = tpu.memref_slice %arg11[%dma_start3A_155, %dma_start3A_156] : memref<12x320xi32, #tpu.memory_space<vmem>> -> memref<1x320xi32, #tpu.memory_space<vmem>>
    %dma_start3A_158 = tpu.memref_squeeze %dma_start3A_157 : memref<1x320xi32, #tpu.memory_space<vmem>> -> memref<320xi32, #tpu.memory_space<vmem>>
    %dma_start3A_159 = arith.constant 0 : i32
    %dma_start3A_160 = arith.constant 0 : i32
    %dma_start3A_161 = tpu.memref_slice %arg2[%dma_start3A_159, %dma_start3A_160] : memref<100000x128xf32, #tpu.memory_space<hbm>> -> memref<100000x128xf32, #tpu.memory_space<hbm>>
    tpu.enqueue_indirect_dma source(%dma_start3A_161 : memref<100000x128xf32, #tpu.memory_space<hbm>>) target(%arg13 : memref<320x128xf32, #tpu.memory_space<vmem>>) offsets(%dma_start3A_158 : memref<320xi32, #tpu.memory_space<vmem>>) semaphore(%arg14 : memref<!tpu.dma_semaphore, #tpu.memory_space<semaphore_mem>>)
    %dma_wait3A_162 = arith.constant 8 : i32
    %dma_wait3A_163 = arith.constant 0 : i32
    %dma_wait3A_164 = tpu.memref_slice %arg11[%dma_wait3A_162, %dma_wait3A_163] : memref<12x320xi32, #tpu.memory_space<vmem>> -> memref<1x320xi32, #tpu.memory_space<vmem>>
    %dma_wait3A_165 = tpu.memref_squeeze %dma_wait3A_164 : memref<1x320xi32, #tpu.memory_space<vmem>> -> memref<320xi32, #tpu.memory_space<vmem>>
    %dma_wait3A_166 = arith.constant 0 : i32
    %dma_wait3A_167 = arith.constant 0 : i32
    %dma_wait3A_168 = tpu.memref_slice %arg2[%dma_wait3A_166, %dma_wait3A_167] : memref<100000x128xf32, #tpu.memory_space<hbm>> -> memref<100000x128xf32, #tpu.memory_space<hbm>>
    tpu.wait_indirect_dma semaphore(%arg14 : memref<!tpu.dma_semaphore, #tpu.memory_space<semaphore_mem>>) src(%dma_wait3A_168 : memref<100000x128xf32, #tpu.memory_space<hbm>>) dst(%arg13 : memref<320x128xf32, #tpu.memory_space<vmem>>)
    %add3A_169 = arith.constant 163840 : i32
    %add3A_170 = arith.addi %add3A_169, %add3A_4 : i32
    "tpu.region"() ({
      %run_scoped3A = tpu.sem_alloc : memref<!tpu.dma_semaphore, #tpu.memory_space<semaphore_mem>>
      %dma_start3A_440 = arith.constant 0 : i32
      %dma_start3A_441 = tpu.memref_slice %arg9[%add3A_170, %dma_start3A_440] : memref<245760x128xf32, #tpu.memory_space<hbm>> -> memref<320x128xf32, #tpu.memory_space<hbm>>
      %dma_start3A_442 = arith.constant 0 : i32
      %dma_start3A_443 = tpu.memref_slice %arg9[%add3A_170, %dma_start3A_442] : memref<245760x128xf32, #tpu.memory_space<hbm>> -> memref<320x128xf32, #tpu.memory_space<hbm>>
      tpu.enqueue_dma source(%arg13 : memref<320x128xf32, #tpu.memory_space<vmem>>) target(%dma_start3A_443 : memref<320x128xf32, #tpu.memory_space<hbm>>) target_semaphore(%run_scoped3A : memref<!tpu.dma_semaphore, #tpu.memory_space<semaphore_mem>>)
      %dma_wait3A_444 = arith.constant 0 : i32
      %dma_wait3A_445 = tpu.memref_slice %arg9[%add3A_170, %dma_wait3A_444] : memref<245760x128xf32, #tpu.memory_space<hbm>> -> memref<320x128xf32, #tpu.memory_space<hbm>>
      %dma_wait3A_446 = arith.constant 0 : i32
      %dma_wait3A_447 = tpu.memref_slice %arg9[%add3A_170, %dma_wait3A_446] : memref<245760x128xf32, #tpu.memory_space<hbm>> -> memref<320x128xf32, #tpu.memory_space<hbm>>
      tpu.wait_dma2 semaphore(%run_scoped3A : memref<!tpu.dma_semaphore, #tpu.memory_space<semaphore_mem>>) src(%arg13 : memref<320x128xf32, #tpu.memory_space<vmem>>) dst(%dma_wait3A_447 : memref<320x128xf32, #tpu.memory_space<hbm>>)
      tpu.yield
    }) : () -> ()
    %dma_start3A_171 = arith.constant 9 : i32
    %dma_start3A_172 = arith.constant 0 : i32
    %dma_start3A_173 = tpu.memref_slice %arg11[%dma_start3A_171, %dma_start3A_172] : memref<12x320xi32, #tpu.memory_space<vmem>> -> memref<1x320xi32, #tpu.memory_space<vmem>>
    %dma_start3A_174 = tpu.memref_squeeze %dma_start3A_173 : memref<1x320xi32, #tpu.memory_space<vmem>> -> memref<320xi32, #tpu.memory_space<vmem>>
    %dma_start3A_175 = arith.constant 0 : i32
    %dma_start3A_176 = arith.constant 0 : i32
    %dma_start3A_177 = tpu.memref_slice %arg2[%dma_start3A_175, %dma_start3A_176] : memref<100000x128xf32, #tpu.memory_space<hbm>> -> memref<100000x128xf32, #tpu.memory_space<hbm>>
    tpu.enqueue_indirect_dma source(%dma_start3A_177 : memref<100000x128xf32, #tpu.memory_space<hbm>>) target(%arg13 : memref<320x128xf32, #tpu.memory_space<vmem>>) offsets(%dma_start3A_174 : memref<320xi32, #tpu.memory_space<vmem>>) semaphore(%arg14 : memref<!tpu.dma_semaphore, #tpu.memory_space<semaphore_mem>>)
    %dma_wait3A_178 = arith.constant 9 : i32
    %dma_wait3A_179 = arith.constant 0 : i32
    %dma_wait3A_180 = tpu.memref_slice %arg11[%dma_wait3A_178, %dma_wait3A_179] : memref<12x320xi32, #tpu.memory_space<vmem>> -> memref<1x320xi32, #tpu.memory_space<vmem>>
    %dma_wait3A_181 = tpu.memref_squeeze %dma_wait3A_180 : memref<1x320xi32, #tpu.memory_space<vmem>> -> memref<320xi32, #tpu.memory_space<vmem>>
    %dma_wait3A_182 = arith.constant 0 : i32
    %dma_wait3A_183 = arith.constant 0 : i32
    %dma_wait3A_184 = tpu.memref_slice %arg2[%dma_wait3A_182, %dma_wait3A_183] : memref<100000x128xf32, #tpu.memory_space<hbm>> -> memref<100000x128xf32, #tpu.memory_space<hbm>>
    tpu.wait_indirect_dma semaphore(%arg14 : memref<!tpu.dma_semaphore, #tpu.memory_space<semaphore_mem>>) src(%dma_wait3A_184 : memref<100000x128xf32, #tpu.memory_space<hbm>>) dst(%arg13 : memref<320x128xf32, #tpu.memory_space<vmem>>)
    %add3A_185 = arith.constant 184320 : i32
    %add3A_186 = arith.addi %add3A_185, %add3A_4 : i32
    "tpu.region"() ({
      %run_scoped3A = tpu.sem_alloc : memref<!tpu.dma_semaphore, #tpu.memory_space<semaphore_mem>>
      %dma_start3A_440 = arith.constant 0 : i32
      %dma_start3A_441 = tpu.memref_slice %arg9[%add3A_186, %dma_start3A_440] : memref<245760x128xf32, #tpu.memory_space<hbm>> -> memref<320x128xf32, #tpu.memory_space<hbm>>
      %dma_start3A_442 = arith.constant 0 : i32
      %dma_start3A_443 = tpu.memref_slice %arg9[%add3A_186, %dma_start3A_442] : memref<245760x128xf32, #tpu.memory_space<hbm>> -> memref<320x128xf32, #tpu.memory_space<hbm>>
      tpu.enqueue_dma source(%arg13 : memref<320x128xf32, #tpu.memory_space<vmem>>) target(%dma_start3A_443 : memref<320x128xf32, #tpu.memory_space<hbm>>) target_semaphore(%run_scoped3A : memref<!tpu.dma_semaphore, #tpu.memory_space<semaphore_mem>>)
      %dma_wait3A_444 = arith.constant 0 : i32
      %dma_wait3A_445 = tpu.memref_slice %arg9[%add3A_186, %dma_wait3A_444] : memref<245760x128xf32, #tpu.memory_space<hbm>> -> memref<320x128xf32, #tpu.memory_space<hbm>>
      %dma_wait3A_446 = arith.constant 0 : i32
      %dma_wait3A_447 = tpu.memref_slice %arg9[%add3A_186, %dma_wait3A_446] : memref<245760x128xf32, #tpu.memory_space<hbm>> -> memref<320x128xf32, #tpu.memory_space<hbm>>
      tpu.wait_dma2 semaphore(%run_scoped3A : memref<!tpu.dma_semaphore, #tpu.memory_space<semaphore_mem>>) src(%arg13 : memref<320x128xf32, #tpu.memory_space<vmem>>) dst(%dma_wait3A_447 : memref<320x128xf32, #tpu.memory_space<hbm>>)
      tpu.yield
    }) : () -> ()
    %dma_start3A_187 = arith.constant 10 : i32
    %dma_start3A_188 = arith.constant 0 : i32
    %dma_start3A_189 = tpu.memref_slice %arg11[%dma_start3A_187, %dma_start3A_188] : memref<12x320xi32, #tpu.memory_space<vmem>> -> memref<1x320xi32, #tpu.memory_space<vmem>>
    %dma_start3A_190 = tpu.memref_squeeze %dma_start3A_189 : memref<1x320xi32, #tpu.memory_space<vmem>> -> memref<320xi32, #tpu.memory_space<vmem>>
    %dma_start3A_191 = arith.constant 0 : i32
    %dma_start3A_192 = arith.constant 0 : i32
    %dma_start3A_193 = tpu.memref_slice %arg2[%dma_start3A_191, %dma_start3A_192] : memref<100000x128xf32, #tpu.memory_space<hbm>> -> memref<100000x128xf32, #tpu.memory_space<hbm>>
    tpu.enqueue_indirect_dma source(%dma_start3A_193 : memref<100000x128xf32, #tpu.memory_space<hbm>>) target(%arg13 : memref<320x128xf32, #tpu.memory_space<vmem>>) offsets(%dma_start3A_190 : memref<320xi32, #tpu.memory_space<vmem>>) semaphore(%arg14 : memref<!tpu.dma_semaphore, #tpu.memory_space<semaphore_mem>>)
    %dma_wait3A_194 = arith.constant 10 : i32
    %dma_wait3A_195 = arith.constant 0 : i32
    %dma_wait3A_196 = tpu.memref_slice %arg11[%dma_wait3A_194, %dma_wait3A_195] : memref<12x320xi32, #tpu.memory_space<vmem>> -> memref<1x320xi32, #tpu.memory_space<vmem>>
    %dma_wait3A_197 = tpu.memref_squeeze %dma_wait3A_196 : memref<1x320xi32, #tpu.memory_space<vmem>> -> memref<320xi32, #tpu.memory_space<vmem>>
    %dma_wait3A_198 = arith.constant 0 : i32
    %dma_wait3A_199 = arith.constant 0 : i32
    %dma_wait3A_200 = tpu.memref_slice %arg2[%dma_wait3A_198, %dma_wait3A_199] : memref<100000x128xf32, #tpu.memory_space<hbm>> -> memref<100000x128xf32, #tpu.memory_space<hbm>>
    tpu.wait_indirect_dma semaphore(%arg14 : memref<!tpu.dma_semaphore, #tpu.memory_space<semaphore_mem>>) src(%dma_wait3A_200 : memref<100000x128xf32, #tpu.memory_space<hbm>>) dst(%arg13 : memref<320x128xf32, #tpu.memory_space<vmem>>)
    %add3A_201 = arith.constant 204800 : i32
    %add3A_202 = arith.addi %add3A_201, %add3A_4 : i32
    "tpu.region"() ({
      %run_scoped3A = tpu.sem_alloc : memref<!tpu.dma_semaphore, #tpu.memory_space<semaphore_mem>>
      %dma_start3A_440 = arith.constant 0 : i32
      %dma_start3A_441 = tpu.memref_slice %arg9[%add3A_202, %dma_start3A_440] : memref<245760x128xf32, #tpu.memory_space<hbm>> -> memref<320x128xf32, #tpu.memory_space<hbm>>
      %dma_start3A_442 = arith.constant 0 : i32
      %dma_start3A_443 = tpu.memref_slice %arg9[%add3A_202, %dma_start3A_442] : memref<245760x128xf32, #tpu.memory_space<hbm>> -> memref<320x128xf32, #tpu.memory_space<hbm>>
      tpu.enqueue_dma source(%arg13 : memref<320x128xf32, #tpu.memory_space<vmem>>) target(%dma_start3A_443 : memref<320x128xf32, #tpu.memory_space<hbm>>) target_semaphore(%run_scoped3A : memref<!tpu.dma_semaphore, #tpu.memory_space<semaphore_mem>>)
      %dma_wait3A_444 = arith.constant 0 : i32
      %dma_wait3A_445 = tpu.memref_slice %arg9[%add3A_202, %dma_wait3A_444] : memref<245760x128xf32, #tpu.memory_space<hbm>> -> memref<320x128xf32, #tpu.memory_space<hbm>>
      %dma_wait3A_446 = arith.constant 0 : i32
      %dma_wait3A_447 = tpu.memref_slice %arg9[%add3A_202, %dma_wait3A_446] : memref<245760x128xf32, #tpu.memory_space<hbm>> -> memref<320x128xf32, #tpu.memory_space<hbm>>
      tpu.wait_dma2 semaphore(%run_scoped3A : memref<!tpu.dma_semaphore, #tpu.memory_space<semaphore_mem>>) src(%arg13 : memref<320x128xf32, #tpu.memory_space<vmem>>) dst(%dma_wait3A_447 : memref<320x128xf32, #tpu.memory_space<hbm>>)
      tpu.yield
    }) : () -> ()
    %dma_start3A_203 = arith.constant 11 : i32
    %dma_start3A_204 = arith.constant 0 : i32
    %dma_start3A_205 = tpu.memref_slice %arg11[%dma_start3A_203, %dma_start3A_204] : memref<12x320xi32, #tpu.memory_space<vmem>> -> memref<1x320xi32, #tpu.memory_space<vmem>>
    %dma_start3A_206 = tpu.memref_squeeze %dma_start3A_205 : memref<1x320xi32, #tpu.memory_space<vmem>> -> memref<320xi32, #tpu.memory_space<vmem>>
    %dma_start3A_207 = arith.constant 0 : i32
    %dma_start3A_208 = arith.constant 0 : i32
    %dma_start3A_209 = tpu.memref_slice %arg2[%dma_start3A_207, %dma_start3A_208] : memref<100000x128xf32, #tpu.memory_space<hbm>> -> memref<100000x128xf32, #tpu.memory_space<hbm>>
    tpu.enqueue_indirect_dma source(%dma_start3A_209 : memref<100000x128xf32, #tpu.memory_space<hbm>>) target(%arg13 : memref<320x128xf32, #tpu.memory_space<vmem>>) offsets(%dma_start3A_206 : memref<320xi32, #tpu.memory_space<vmem>>) semaphore(%arg14 : memref<!tpu.dma_semaphore, #tpu.memory_space<semaphore_mem>>)
    %dma_wait3A_210 = arith.constant 11 : i32
    %dma_wait3A_211 = arith.constant 0 : i32
    %dma_wait3A_212 = tpu.memref_slice %arg11[%dma_wait3A_210, %dma_wait3A_211] : memref<12x320xi32, #tpu.memory_space<vmem>> -> memref<1x320xi32, #tpu.memory_space<vmem>>
    %dma_wait3A_213 = tpu.memref_squeeze %dma_wait3A_212 : memref<1x320xi32, #tpu.memory_space<vmem>> -> memref<320xi32, #tpu.memory_space<vmem>>
    %dma_wait3A_214 = arith.constant 0 : i32
    %dma_wait3A_215 = arith.constant 0 : i32
    %dma_wait3A_216 = tpu.memref_slice %arg2[%dma_wait3A_214, %dma_wait3A_215] : memref<100000x128xf32, #tpu.memory_space<hbm>> -> memref<100000x128xf32, #tpu.memory_space<hbm>>
    tpu.wait_indirect_dma semaphore(%arg14 : memref<!tpu.dma_semaphore, #tpu.memory_space<semaphore_mem>>) src(%dma_wait3A_216 : memref<100000x128xf32, #tpu.memory_space<hbm>>) dst(%arg13 : memref<320x128xf32, #tpu.memory_space<vmem>>)
    %add3A_217 = arith.constant 225280 : i32
    %add3A_218 = arith.addi %add3A_217, %add3A_4 : i32
    "tpu.region"() ({
      %run_scoped3A = tpu.sem_alloc : memref<!tpu.dma_semaphore, #tpu.memory_space<semaphore_mem>>
      %dma_start3A_440 = arith.constant 0 : i32
      %dma_start3A_441 = tpu.memref_slice %arg9[%add3A_218, %dma_start3A_440] : memref<245760x128xf32, #tpu.memory_space<hbm>> -> memref<320x128xf32, #tpu.memory_space<hbm>>
      %dma_start3A_442 = arith.constant 0 : i32
      %dma_start3A_443 = tpu.memref_slice %arg9[%add3A_218, %dma_start3A_442] : memref<245760x128xf32, #tpu.memory_space<hbm>> -> memref<320x128xf32, #tpu.memory_space<hbm>>
      tpu.enqueue_dma source(%arg13 : memref<320x128xf32, #tpu.memory_space<vmem>>) target(%dma_start3A_443 : memref<320x128xf32, #tpu.memory_space<hbm>>) target_semaphore(%run_scoped3A : memref<!tpu.dma_semaphore, #tpu.memory_space<semaphore_mem>>)
      %dma_wait3A_444 = arith.constant 0 : i32
      %dma_wait3A_445 = tpu.memref_slice %arg9[%add3A_218, %dma_wait3A_444] : memref<245760x128xf32, #tpu.memory_space<hbm>> -> memref<320x128xf32, #tpu.memory_space<hbm>>
      %dma_wait3A_446 = arith.constant 0 : i32
      %dma_wait3A_447 = tpu.memref_slice %arg9[%add3A_218, %dma_wait3A_446] : memref<245760x128xf32, #tpu.memory_space<hbm>> -> memref<320x128xf32, #tpu.memory_space<hbm>>
      tpu.wait_dma2 semaphore(%run_scoped3A : memref<!tpu.dma_semaphore, #tpu.memory_space<semaphore_mem>>) src(%arg13 : memref<320x128xf32, #tpu.memory_space<vmem>>) dst(%dma_wait3A_447 : memref<320x128xf32, #tpu.memory_space<hbm>>)
      tpu.yield
    }) : () -> ()
    %mul3A_219 = arith.constant 640 : i32
    %mul3A_220 = arith.muli %add3A, %mul3A_219 : i32
    %add3A_221 = arith.constant 320 : i32
    %add3A_222 = arith.addi %mul3A_220, %add3A_221 : i32
    "tpu.region"() ({
      %run_scoped3A = tpu.sem_alloc : memref<!tpu.dma_semaphore, #tpu.memory_space<semaphore_mem>>
      %dma_start3A_440 = tpu.memref_slice %arg3[%add3A_222] : memref<20480xi32, #tpu.memory_space<hbm>> -> memref<320xi32, #tpu.memory_space<hbm>>
      %dma_start3A_441 = tpu.memref_slice %arg3[%add3A_222] : memref<20480xi32, #tpu.memory_space<hbm>> -> memref<320xi32, #tpu.memory_space<hbm>>
      tpu.enqueue_dma source(%dma_start3A_441 : memref<320xi32, #tpu.memory_space<hbm>>) target(%arg10 : memref<320xi32, #tpu.memory_space<vmem>>) target_semaphore(%run_scoped3A : memref<!tpu.dma_semaphore, #tpu.memory_space<semaphore_mem>>)
      %dma_wait3A_442 = tpu.memref_slice %arg3[%add3A_222] : memref<20480xi32, #tpu.memory_space<hbm>> -> memref<320xi32, #tpu.memory_space<hbm>>
      %dma_wait3A_443 = tpu.memref_slice %arg3[%add3A_222] : memref<20480xi32, #tpu.memory_space<hbm>> -> memref<320xi32, #tpu.memory_space<hbm>>
      tpu.wait_dma2 semaphore(%run_scoped3A : memref<!tpu.dma_semaphore, #tpu.memory_space<semaphore_mem>>) src(%dma_wait3A_443 : memref<320xi32, #tpu.memory_space<hbm>>) dst(%arg10 : memref<320xi32, #tpu.memory_space<vmem>>)
      tpu.yield
    }) : () -> ()
    %dma_start3A_223 = arith.constant 0 : i32
    %dma_start3A_224 = arith.constant 0 : i32
    %dma_start3A_225 = tpu.memref_slice %arg2[%dma_start3A_223, %dma_start3A_224] : memref<100000x128xf32, #tpu.memory_space<hbm>> -> memref<100000x128xf32, #tpu.memory_space<hbm>>
    tpu.enqueue_indirect_dma source(%dma_start3A_225 : memref<100000x128xf32, #tpu.memory_space<hbm>>) target(%arg13 : memref<320x128xf32, #tpu.memory_space<vmem>>) offsets(%arg10 : memref<320xi32, #tpu.memory_space<vmem>>) semaphore(%arg14 : memref<!tpu.dma_semaphore, #tpu.memory_space<semaphore_mem>>)
    %dma_wait3A_226 = arith.constant 0 : i32
    %dma_wait3A_227 = arith.constant 0 : i32
    %dma_wait3A_228 = tpu.memref_slice %arg2[%dma_wait3A_226, %dma_wait3A_227] : memref<100000x128xf32, #tpu.memory_space<hbm>> -> memref<100000x128xf32, #tpu.memory_space<hbm>>
    tpu.wait_indirect_dma semaphore(%arg14 : memref<!tpu.dma_semaphore, #tpu.memory_space<semaphore_mem>>) src(%dma_wait3A_228 : memref<100000x128xf32, #tpu.memory_space<hbm>>) dst(%arg13 : memref<320x128xf32, #tpu.memory_space<vmem>>)
    "tpu.region"() ({
      %run_scoped3A = tpu.sem_alloc : memref<!tpu.dma_semaphore, #tpu.memory_space<semaphore_mem>>
      %dma_start3A_440 = arith.constant 0 : i32
      %dma_start3A_441 = tpu.memref_slice %arg6[%add3A_222, %dma_start3A_440] : memref<20480x128xf32, #tpu.memory_space<hbm>> -> memref<320x128xf32, #tpu.memory_space<hbm>>
      %dma_start3A_442 = arith.constant 0 : i32
      %dma_start3A_443 = tpu.memref_slice %arg6[%add3A_222, %dma_start3A_442] : memref<20480x128xf32, #tpu.memory_space<hbm>> -> memref<320x128xf32, #tpu.memory_space<hbm>>
      tpu.enqueue_dma source(%arg13 : memref<320x128xf32, #tpu.memory_space<vmem>>) target(%dma_start3A_443 : memref<320x128xf32, #tpu.memory_space<hbm>>) target_semaphore(%run_scoped3A : memref<!tpu.dma_semaphore, #tpu.memory_space<semaphore_mem>>)
      %dma_wait3A_444 = arith.constant 0 : i32
      %dma_wait3A_445 = tpu.memref_slice %arg6[%add3A_222, %dma_wait3A_444] : memref<20480x128xf32, #tpu.memory_space<hbm>> -> memref<320x128xf32, #tpu.memory_space<hbm>>
      %dma_wait3A_446 = arith.constant 0 : i32
      %dma_wait3A_447 = tpu.memref_slice %arg6[%add3A_222, %dma_wait3A_446] : memref<20480x128xf32, #tpu.memory_space<hbm>> -> memref<320x128xf32, #tpu.memory_space<hbm>>
      tpu.wait_dma2 semaphore(%run_scoped3A : memref<!tpu.dma_semaphore, #tpu.memory_space<semaphore_mem>>) src(%arg13 : memref<320x128xf32, #tpu.memory_space<vmem>>) dst(%dma_wait3A_447 : memref<320x128xf32, #tpu.memory_space<hbm>>)
      tpu.yield
    }) : () -> ()
    %dma_start3A_229 = arith.constant 0 : i32
    %dma_start3A_230 = arith.constant 0 : i32
    %dma_start3A_231 = tpu.memref_slice %arg5[%dma_start3A_229, %dma_start3A_230] : memref<100000x128xi32, #tpu.memory_space<hbm>> -> memref<100000x128xi32, #tpu.memory_space<hbm>>
    tpu.enqueue_indirect_dma source(%dma_start3A_231 : memref<100000x128xi32, #tpu.memory_space<hbm>>) target(%arg12 : memref<320x128xi32, #tpu.memory_space<vmem>>) offsets(%arg10 : memref<320xi32, #tpu.memory_space<vmem>>) semaphore(%arg14 : memref<!tpu.dma_semaphore, #tpu.memory_space<semaphore_mem>>)
    %dma_wait3A_232 = arith.constant 0 : i32
    %dma_wait3A_233 = arith.constant 0 : i32
    %dma_wait3A_234 = tpu.memref_slice %arg5[%dma_wait3A_232, %dma_wait3A_233] : memref<100000x128xi32, #tpu.memory_space<hbm>> -> memref<100000x128xi32, #tpu.memory_space<hbm>>
    tpu.wait_indirect_dma semaphore(%arg14 : memref<!tpu.dma_semaphore, #tpu.memory_space<semaphore_mem>>) src(%dma_wait3A_234 : memref<100000x128xi32, #tpu.memory_space<hbm>>) dst(%arg12 : memref<320x128xi32, #tpu.memory_space<vmem>>)
    "tpu.region"() ({
      %run_scoped3A = tpu.sem_alloc : memref<!tpu.dma_semaphore, #tpu.memory_space<semaphore_mem>>
      %dma_start3A_440 = arith.constant 0 : i32
      %dma_start3A_441 = tpu.memref_slice %arg8[%add3A_222, %dma_start3A_440] : memref<20480x128xi32, #tpu.memory_space<hbm>> -> memref<320x128xi32, #tpu.memory_space<hbm>>
      %dma_start3A_442 = arith.constant 0 : i32
      %dma_start3A_443 = tpu.memref_slice %arg8[%add3A_222, %dma_start3A_442] : memref<20480x128xi32, #tpu.memory_space<hbm>> -> memref<320x128xi32, #tpu.memory_space<hbm>>
      tpu.enqueue_dma source(%arg12 : memref<320x128xi32, #tpu.memory_space<vmem>>) target(%dma_start3A_443 : memref<320x128xi32, #tpu.memory_space<hbm>>) target_semaphore(%run_scoped3A : memref<!tpu.dma_semaphore, #tpu.memory_space<semaphore_mem>>)
      %dma_wait3A_444 = arith.constant 0 : i32
      %dma_wait3A_445 = tpu.memref_slice %arg8[%add3A_222, %dma_wait3A_444] : memref<20480x128xi32, #tpu.memory_space<hbm>> -> memref<320x128xi32, #tpu.memory_space<hbm>>
      %dma_wait3A_446 = arith.constant 0 : i32
      %dma_wait3A_447 = tpu.memref_slice %arg8[%add3A_222, %dma_wait3A_446] : memref<20480x128xi32, #tpu.memory_space<hbm>> -> memref<320x128xi32, #tpu.memory_space<hbm>>
      tpu.wait_dma2 semaphore(%run_scoped3A : memref<!tpu.dma_semaphore, #tpu.memory_space<semaphore_mem>>) src(%arg12 : memref<320x128xi32, #tpu.memory_space<vmem>>) dst(%dma_wait3A_447 : memref<320x128xi32, #tpu.memory_space<hbm>>)
      tpu.yield
    }) : () -> ()
    "tpu.region"() ({
      %run_scoped3A = tpu.sem_alloc : memref<!tpu.dma_semaphore, #tpu.memory_space<semaphore_mem>>
      %dma_start3A_440 = tpu.memref_slice %arg4[%add3A_222] : memref<20480xi32, #tpu.memory_space<hbm>> -> memref<320xi32, #tpu.memory_space<hbm>>
      %dma_start3A_441 = tpu.memref_slice %arg4[%add3A_222] : memref<20480xi32, #tpu.memory_space<hbm>> -> memref<320xi32, #tpu.memory_space<hbm>>
      tpu.enqueue_dma source(%dma_start3A_441 : memref<320xi32, #tpu.memory_space<hbm>>) target(%arg10 : memref<320xi32, #tpu.memory_space<vmem>>) target_semaphore(%run_scoped3A : memref<!tpu.dma_semaphore, #tpu.memory_space<semaphore_mem>>)
      %dma_wait3A_442 = tpu.memref_slice %arg4[%add3A_222] : memref<20480xi32, #tpu.memory_space<hbm>> -> memref<320xi32, #tpu.memory_space<hbm>>
      %dma_wait3A_443 = tpu.memref_slice %arg4[%add3A_222] : memref<20480xi32, #tpu.memory_space<hbm>> -> memref<320xi32, #tpu.memory_space<hbm>>
      tpu.wait_dma2 semaphore(%run_scoped3A : memref<!tpu.dma_semaphore, #tpu.memory_space<semaphore_mem>>) src(%dma_wait3A_443 : memref<320xi32, #tpu.memory_space<hbm>>) dst(%arg10 : memref<320xi32, #tpu.memory_space<vmem>>)
      tpu.yield
    }) : () -> ()
    %dma_start3A_235 = arith.constant 0 : i32
    %dma_start3A_236 = arith.constant 0 : i32
    %dma_start3A_237 = tpu.memref_slice %arg2[%dma_start3A_235, %dma_start3A_236] : memref<100000x128xf32, #tpu.memory_space<hbm>> -> memref<100000x128xf32, #tpu.memory_space<hbm>>
    tpu.enqueue_indirect_dma source(%dma_start3A_237 : memref<100000x128xf32, #tpu.memory_space<hbm>>) target(%arg13 : memref<320x128xf32, #tpu.memory_space<vmem>>) offsets(%arg10 : memref<320xi32, #tpu.memory_space<vmem>>) semaphore(%arg14 : memref<!tpu.dma_semaphore, #tpu.memory_space<semaphore_mem>>)
    %dma_wait3A_238 = arith.constant 0 : i32
    %dma_wait3A_239 = arith.constant 0 : i32
    %dma_wait3A_240 = tpu.memref_slice %arg2[%dma_wait3A_238, %dma_wait3A_239] : memref<100000x128xf32, #tpu.memory_space<hbm>> -> memref<100000x128xf32, #tpu.memory_space<hbm>>
    tpu.wait_indirect_dma semaphore(%arg14 : memref<!tpu.dma_semaphore, #tpu.memory_space<semaphore_mem>>) src(%dma_wait3A_240 : memref<100000x128xf32, #tpu.memory_space<hbm>>) dst(%arg13 : memref<320x128xf32, #tpu.memory_space<vmem>>)
    "tpu.region"() ({
      %run_scoped3A = tpu.sem_alloc : memref<!tpu.dma_semaphore, #tpu.memory_space<semaphore_mem>>
      %dma_start3A_440 = arith.constant 0 : i32
      %dma_start3A_441 = tpu.memref_slice %arg7[%add3A_222, %dma_start3A_440] : memref<20480x128xf32, #tpu.memory_space<hbm>> -> memref<320x128xf32, #tpu.memory_space<hbm>>
      %dma_start3A_442 = arith.constant 0 : i32
      %dma_start3A_443 = tpu.memref_slice %arg7[%add3A_222, %dma_start3A_442] : memref<20480x128xf32, #tpu.memory_space<hbm>> -> memref<320x128xf32, #tpu.memory_space<hbm>>
      tpu.enqueue_dma source(%arg13 : memref<320x128xf32, #tpu.memory_space<vmem>>) target(%dma_start3A_443 : memref<320x128xf32, #tpu.memory_space<hbm>>) target_semaphore(%run_scoped3A : memref<!tpu.dma_semaphore, #tpu.memory_space<semaphore_mem>>)
      %dma_wait3A_444 = arith.constant 0 : i32
      %dma_wait3A_445 = tpu.memref_slice %arg7[%add3A_222, %dma_wait3A_444] : memref<20480x128xf32, #tpu.memory_space<hbm>> -> memref<320x128xf32, #tpu.memory_space<hbm>>
      %dma_wait3A_446 = arith.constant 0 : i32
      %dma_wait3A_447 = tpu.memref_slice %arg7[%add3A_222, %dma_wait3A_446] : memref<20480x128xf32, #tpu.memory_space<hbm>> -> memref<320x128xf32, #tpu.memory_space<hbm>>
      tpu.wait_dma2 semaphore(%run_scoped3A : memref<!tpu.dma_semaphore, #tpu.memory_space<semaphore_mem>>) src(%arg13 : memref<320x128xf32, #tpu.memory_space<vmem>>) dst(%dma_wait3A_447 : memref<320x128xf32, #tpu.memory_space<hbm>>)
      tpu.yield
    }) : () -> ()
    %scan3A_241 = arith.constant 0 : i32
    %scan3A_242 = arith.constant 0 : i32
    %scan3A_243 = arith.constant 20 : i32
    %scan3A_244 = arith.addi %scan3A_242, %scan3A_243 : i32
    %scan3A_245 = arith.constant 1 : i32
    %scan3A_246 = scf.for %scan3A_440 = %scan3A_242 to %scan3A_244 step %scan3A_245 iter_args(%scan3A_441 = %scan3A_241) -> (i32)  : i32 {
      %iota3A = tpu.iota {dimensions = array<i32: 0>} : vector<16xi32>
      %mul3A_442 = arith.constant 16 : i32
      %mul3A_443 = arith.muli %scan3A_440, %mul3A_442 : i32
      %add3A_444 = vector.broadcast %mul3A_443 : i32 to vector<16xi32>
      %add3A_445 = arith.addi %iota3A, %add3A_444 : vector<16xi32>
      %broadcast_in_dim3A = arith.constant 0 : i32
      %broadcast_in_dim3A_446 = vector.broadcast %broadcast_in_dim3A : i32 to vector<16xi32>
      %gather3A = tpu.vector_load_idx %arg12[%add3A_445, %broadcast_in_dim3A_446] : memref<320x128xi32, #tpu.memory_space<vmem>>[vector<16xi32>, vector<16xi32>], vector<16xi32>,
      %mul3A_447 = arith.constant 16 : i32
      %mul3A_448 = arith.muli %scan3A_440, %mul3A_447 : i32
      %swap3A = arith.constant 0 : i32
      %swap3A_449 = arith.index_cast %swap3A : i32 to index
      %swap3A_450 = arith.index_cast %mul3A_448 : i32 to index
      %swap3A_451 = tpu.vector_load %arg11[%swap3A_449, %swap3A_450] {strides = array<i32>} : memref<12x320xi32, #tpu.memory_space<vmem>>, vector<16xi32>,
      tpu.vector_store %arg11[%swap3A_449, %swap3A_450], %gather3A {strides = array<i32>} : memref<12x320xi32, #tpu.memory_space<vmem>>, vector<16xi32>,
      %broadcast_in_dim3A_452 = arith.constant 1 : i32
      %broadcast_in_dim3A_453 = vector.broadcast %broadcast_in_dim3A_452 : i32 to vector<16xi32>
      %gather3A_454 = tpu.vector_load_idx %arg12[%add3A_445, %broadcast_in_dim3A_453] : memref<320x128xi32, #tpu.memory_space<vmem>>[vector<16xi32>, vector<16xi32>], vector<16xi32>,
      %mul3A_455 = arith.constant 16 : i32
      %mul3A_456 = arith.muli %scan3A_440, %mul3A_455 : i32
      %swap3A_457 = arith.constant 1 : i32
      %swap3A_458 = arith.index_cast %swap3A_457 : i32 to index
      %swap3A_459 = arith.index_cast %mul3A_456 : i32 to index
      %swap3A_460 = tpu.vector_load %arg11[%swap3A_458, %swap3A_459] {strides = array<i32>} : memref<12x320xi32, #tpu.memory_space<vmem>>, vector<16xi32>,
      tpu.vector_store %arg11[%swap3A_458, %swap3A_459], %gather3A_454 {strides = array<i32>} : memref<12x320xi32, #tpu.memory_space<vmem>>, vector<16xi32>,
      %broadcast_in_dim3A_461 = arith.constant 2 : i32
      %broadcast_in_dim3A_462 = vector.broadcast %broadcast_in_dim3A_461 : i32 to vector<16xi32>
      %gather3A_463 = tpu.vector_load_idx %arg12[%add3A_445, %broadcast_in_dim3A_462] : memref<320x128xi32, #tpu.memory_space<vmem>>[vector<16xi32>, vector<16xi32>], vector<16xi32>,
      %mul3A_464 = arith.constant 16 : i32
      %mul3A_465 = arith.muli %scan3A_440, %mul3A_464 : i32
      %swap3A_466 = arith.constant 2 : i32
      %swap3A_467 = arith.index_cast %swap3A_466 : i32 to index
      %swap3A_468 = arith.index_cast %mul3A_465 : i32 to index
      %swap3A_469 = tpu.vector_load %arg11[%swap3A_467, %swap3A_468] {strides = array<i32>} : memref<12x320xi32, #tpu.memory_space<vmem>>, vector<16xi32>,
      tpu.vector_store %arg11[%swap3A_467, %swap3A_468], %gather3A_463 {strides = array<i32>} : memref<12x320xi32, #tpu.memory_space<vmem>>, vector<16xi32>,
      %broadcast_in_dim3A_470 = arith.constant 3 : i32
      %broadcast_in_dim3A_471 = vector.broadcast %broadcast_in_dim3A_470 : i32 to vector<16xi32>
      %gather3A_472 = tpu.vector_load_idx %arg12[%add3A_445, %broadcast_in_dim3A_471] : memref<320x128xi32, #tpu.memory_space<vmem>>[vector<16xi32>, vector<16xi32>], vector<16xi32>,
      %mul3A_473 = arith.constant 16 : i32
      %mul3A_474 = arith.muli %scan3A_440, %mul3A_473 : i32
      %swap3A_475 = arith.constant 3 : i32
      %swap3A_476 = arith.index_cast %swap3A_475 : i32 to index
      %swap3A_477 = arith.index_cast %mul3A_474 : i32 to index
      %swap3A_478 = tpu.vector_load %arg11[%swap3A_476, %swap3A_477] {strides = array<i32>} : memref<12x320xi32, #tpu.memory_space<vmem>>, vector<16xi32>,
      tpu.vector_store %arg11[%swap3A_476, %swap3A_477], %gather3A_472 {strides = array<i32>} : memref<12x320xi32, #tpu.memory_space<vmem>>, vector<16xi32>,
      %broadcast_in_dim3A_479 = arith.constant 4 : i32
      %broadcast_in_dim3A_480 = vector.broadcast %broadcast_in_dim3A_479 : i32 to vector<16xi32>
      %gather3A_481 = tpu.vector_load_idx %arg12[%add3A_445, %broadcast_in_dim3A_480] : memref<320x128xi32, #tpu.memory_space<vmem>>[vector<16xi32>, vector<16xi32>], vector<16xi32>,
      %mul3A_482 = arith.constant 16 : i32
      %mul3A_483 = arith.muli %scan3A_440, %mul3A_482 : i32
      %swap3A_484 = arith.constant 4 : i32
      %swap3A_485 = arith.index_cast %swap3A_484 : i32 to index
      %swap3A_486 = arith.index_cast %mul3A_483 : i32 to index
      %swap3A_487 = tpu.vector_load %arg11[%swap3A_485, %swap3A_486] {strides = array<i32>} : memref<12x320xi32, #tpu.memory_space<vmem>>, vector<16xi32>,
      tpu.vector_store %arg11[%swap3A_485, %swap3A_486], %gather3A_481 {strides = array<i32>} : memref<12x320xi32, #tpu.memory_space<vmem>>, vector<16xi32>,
      %broadcast_in_dim3A_488 = arith.constant 5 : i32
      %broadcast_in_dim3A_489 = vector.broadcast %broadcast_in_dim3A_488 : i32 to vector<16xi32>
      %gather3A_490 = tpu.vector_load_idx %arg12[%add3A_445, %broadcast_in_dim3A_489] : memref<320x128xi32, #tpu.memory_space<vmem>>[vector<16xi32>, vector<16xi32>], vector<16xi32>,
      %mul3A_491 = arith.constant 16 : i32
      %mul3A_492 = arith.muli %scan3A_440, %mul3A_491 : i32
      %swap3A_493 = arith.constant 5 : i32
      %swap3A_494 = arith.index_cast %swap3A_493 : i32 to index
      %swap3A_495 = arith.index_cast %mul3A_492 : i32 to index
      %swap3A_496 = tpu.vector_load %arg11[%swap3A_494, %swap3A_495] {strides = array<i32>} : memref<12x320xi32, #tpu.memory_space<vmem>>, vector<16xi32>,
      tpu.vector_store %arg11[%swap3A_494, %swap3A_495], %gather3A_490 {strides = array<i32>} : memref<12x320xi32, #tpu.memory_space<vmem>>, vector<16xi32>,
      %broadcast_in_dim3A_497 = arith.constant 6 : i32
      %broadcast_in_dim3A_498 = vector.broadcast %broadcast_in_dim3A_497 : i32 to vector<16xi32>
      %gather3A_499 = tpu.vector_load_idx %arg12[%add3A_445, %broadcast_in_dim3A_498] : memref<320x128xi32, #tpu.memory_space<vmem>>[vector<16xi32>, vector<16xi32>], vector<16xi32>,
      %mul3A_500 = arith.constant 16 : i32
      %mul3A_501 = arith.muli %scan3A_440, %mul3A_500 : i32
      %swap3A_502 = arith.constant 6 : i32
      %swap3A_503 = arith.index_cast %swap3A_502 : i32 to index
      %swap3A_504 = arith.index_cast %mul3A_501 : i32 to index
      %swap3A_505 = tpu.vector_load %arg11[%swap3A_503, %swap3A_504] {strides = array<i32>} : memref<12x320xi32, #tpu.memory_space<vmem>>, vector<16xi32>,
      tpu.vector_store %arg11[%swap3A_503, %swap3A_504], %gather3A_499 {strides = array<i32>} : memref<12x320xi32, #tpu.memory_space<vmem>>, vector<16xi32>,
      %broadcast_in_dim3A_506 = arith.constant 7 : i32
      %broadcast_in_dim3A_507 = vector.broadcast %broadcast_in_dim3A_506 : i32 to vector<16xi32>
      %gather3A_508 = tpu.vector_load_idx %arg12[%add3A_445, %broadcast_in_dim3A_507] : memref<320x128xi32, #tpu.memory_space<vmem>>[vector<16xi32>, vector<16xi32>], vector<16xi32>,
      %mul3A_509 = arith.constant 16 : i32
      %mul3A_510 = arith.muli %scan3A_440, %mul3A_509 : i32
      %swap3A_511 = arith.constant 7 : i32
      %swap3A_512 = arith.index_cast %swap3A_511 : i32 to index
      %swap3A_513 = arith.index_cast %mul3A_510 : i32 to index
      %swap3A_514 = tpu.vector_load %arg11[%swap3A_512, %swap3A_513] {strides = array<i32>} : memref<12x320xi32, #tpu.memory_space<vmem>>, vector<16xi32>,
      tpu.vector_store %arg11[%swap3A_512, %swap3A_513], %gather3A_508 {strides = array<i32>} : memref<12x320xi32, #tpu.memory_space<vmem>>, vector<16xi32>,
      %broadcast_in_dim3A_515 = arith.constant 8 : i32
      %broadcast_in_dim3A_516 = vector.broadcast %broadcast_in_dim3A_515 : i32 to vector<16xi32>
      %gather3A_517 = tpu.vector_load_idx %arg12[%add3A_445, %broadcast_in_dim3A_516] : memref<320x128xi32, #tpu.memory_space<vmem>>[vector<16xi32>, vector<16xi32>], vector<16xi32>,
      %mul3A_518 = arith.constant 16 : i32
      %mul3A_519 = arith.muli %scan3A_440, %mul3A_518 : i32
      %swap3A_520 = arith.constant 8 : i32
      %swap3A_521 = arith.index_cast %swap3A_520 : i32 to index
      %swap3A_522 = arith.index_cast %mul3A_519 : i32 to index
      %swap3A_523 = tpu.vector_load %arg11[%swap3A_521, %swap3A_522] {strides = array<i32>} : memref<12x320xi32, #tpu.memory_space<vmem>>, vector<16xi32>,
      tpu.vector_store %arg11[%swap3A_521, %swap3A_522], %gather3A_517 {strides = array<i32>} : memref<12x320xi32, #tpu.memory_space<vmem>>, vector<16xi32>,
      %broadcast_in_dim3A_524 = arith.constant 9 : i32
      %broadcast_in_dim3A_525 = vector.broadcast %broadcast_in_dim3A_524 : i32 to vector<16xi32>
      %gather3A_526 = tpu.vector_load_idx %arg12[%add3A_445, %broadcast_in_dim3A_525] : memref<320x128xi32, #tpu.memory_space<vmem>>[vector<16xi32>, vector<16xi32>], vector<16xi32>,
      %mul3A_527 = arith.constant 16 : i32
      %mul3A_528 = arith.muli %scan3A_440, %mul3A_527 : i32
      %swap3A_529 = arith.constant 9 : i32
      %swap3A_530 = arith.index_cast %swap3A_529 : i32 to index
      %swap3A_531 = arith.index_cast %mul3A_528 : i32 to index
      %swap3A_532 = tpu.vector_load %arg11[%swap3A_530, %swap3A_531] {strides = array<i32>} : memref<12x320xi32, #tpu.memory_space<vmem>>, vector<16xi32>,
      tpu.vector_store %arg11[%swap3A_530, %swap3A_531], %gather3A_526 {strides = array<i32>} : memref<12x320xi32, #tpu.memory_space<vmem>>, vector<16xi32>,
      %broadcast_in_dim3A_533 = arith.constant 10 : i32
      %broadcast_in_dim3A_534 = vector.broadcast %broadcast_in_dim3A_533 : i32 to vector<16xi32>
      %gather3A_535 = tpu.vector_load_idx %arg12[%add3A_445, %broadcast_in_dim3A_534] : memref<320x128xi32, #tpu.memory_space<vmem>>[vector<16xi32>, vector<16xi32>], vector<16xi32>,
      %mul3A_536 = arith.constant 16 : i32
      %mul3A_537 = arith.muli %scan3A_440, %mul3A_536 : i32
      %swap3A_538 = arith.constant 10 : i32
      %swap3A_539 = arith.index_cast %swap3A_538 : i32 to index
      %swap3A_540 = arith.index_cast %mul3A_537 : i32 to index
      %swap3A_541 = tpu.vector_load %arg11[%swap3A_539, %swap3A_540] {strides = array<i32>} : memref<12x320xi32, #tpu.memory_space<vmem>>, vector<16xi32>,
      tpu.vector_store %arg11[%swap3A_539, %swap3A_540], %gather3A_535 {strides = array<i32>} : memref<12x320xi32, #tpu.memory_space<vmem>>, vector<16xi32>,
      %broadcast_in_dim3A_542 = arith.constant 11 : i32
      %broadcast_in_dim3A_543 = vector.broadcast %broadcast_in_dim3A_542 : i32 to vector<16xi32>
      %gather3A_544 = tpu.vector_load_idx %arg12[%add3A_445, %broadcast_in_dim3A_543] : memref<320x128xi32, #tpu.memory_space<vmem>>[vector<16xi32>, vector<16xi32>], vector<16xi32>,
      %mul3A_545 = arith.constant 16 : i32
      %mul3A_546 = arith.muli %scan3A_440, %mul3A_545 : i32
      %swap3A_547 = arith.constant 11 : i32
      %swap3A_548 = arith.index_cast %swap3A_547 : i32 to index
      %swap3A_549 = arith.index_cast %mul3A_546 : i32 to index
      %swap3A_550 = tpu.vector_load %arg11[%swap3A_548, %swap3A_549] {strides = array<i32>} : memref<12x320xi32, #tpu.memory_space<vmem>>, vector<16xi32>,
      tpu.vector_store %arg11[%swap3A_548, %swap3A_549], %gather3A_544 {strides = array<i32>} : memref<12x320xi32, #tpu.memory_space<vmem>>, vector<16xi32>,
      %scan3A_551 = arith.constant 0 : i32
      scf.yield %scan3A_551 : i32
    }
    %scan3A_247 = arith.constant 20 : i32
    %dma_start3A_248 = arith.constant 0 : i32
    %dma_start3A_249 = arith.constant 0 : i32
    %dma_start3A_250 = tpu.memref_slice %arg11[%dma_start3A_248, %dma_start3A_249] : memref<12x320xi32, #tpu.memory_space<vmem>> -> memref<1x320xi32, #tpu.memory_space<vmem>>
    %dma_start3A_251 = tpu.memref_squeeze %dma_start3A_250 : memref<1x320xi32, #tpu.memory_space<vmem>> -> memref<320xi32, #tpu.memory_space<vmem>>
    %dma_start3A_252 = arith.constant 0 : i32
    %dma_start3A_253 = arith.constant 0 : i32
    %dma_start3A_254 = tpu.memref_slice %arg2[%dma_start3A_252, %dma_start3A_253] : memref<100000x128xf32, #tpu.memory_space<hbm>> -> memref<100000x128xf32, #tpu.memory_space<hbm>>
    tpu.enqueue_indirect_dma source(%dma_start3A_254 : memref<100000x128xf32, #tpu.memory_space<hbm>>) target(%arg13 : memref<320x128xf32, #tpu.memory_space<vmem>>) offsets(%dma_start3A_251 : memref<320xi32, #tpu.memory_space<vmem>>) semaphore(%arg14 : memref<!tpu.dma_semaphore, #tpu.memory_space<semaphore_mem>>)
    %dma_wait3A_255 = arith.constant 0 : i32
    %dma_wait3A_256 = arith.constant 0 : i32
    %dma_wait3A_257 = tpu.memref_slice %arg11[%dma_wait3A_255, %dma_wait3A_256] : memref<12x320xi32, #tpu.memory_space<vmem>> -> memref<1x320xi32, #tpu.memory_space<vmem>>
    %dma_wait3A_258 = tpu.memref_squeeze %dma_wait3A_257 : memref<1x320xi32, #tpu.memory_space<vmem>> -> memref<320xi32, #tpu.memory_space<vmem>>
    %dma_wait3A_259 = arith.constant 0 : i32
    %dma_wait3A_260 = arith.constant 0 : i32
    %dma_wait3A_261 = tpu.memref_slice %arg2[%dma_wait3A_259, %dma_wait3A_260] : memref<100000x128xf32, #tpu.memory_space<hbm>> -> memref<100000x128xf32, #tpu.memory_space<hbm>>
    tpu.wait_indirect_dma semaphore(%arg14 : memref<!tpu.dma_semaphore, #tpu.memory_space<semaphore_mem>>) src(%dma_wait3A_261 : memref<100000x128xf32, #tpu.memory_space<hbm>>) dst(%arg13 : memref<320x128xf32, #tpu.memory_space<vmem>>)
    %add3A_262 = arith.constant 0 : i32
    %add3A_263 = arith.addi %add3A_262, %add3A_222 : i32
    "tpu.region"() ({
      %run_scoped3A = tpu.sem_alloc : memref<!tpu.dma_semaphore, #tpu.memory_space<semaphore_mem>>
      %dma_start3A_440 = arith.constant 0 : i32
      %dma_start3A_441 = tpu.memref_slice %arg9[%add3A_263, %dma_start3A_440] : memref<245760x128xf32, #tpu.memory_space<hbm>> -> memref<320x128xf32, #tpu.memory_space<hbm>>
      %dma_start3A_442 = arith.constant 0 : i32
      %dma_start3A_443 = tpu.memref_slice %arg9[%add3A_263, %dma_start3A_442] : memref<245760x128xf32, #tpu.memory_space<hbm>> -> memref<320x128xf32, #tpu.memory_space<hbm>>
      tpu.enqueue_dma source(%arg13 : memref<320x128xf32, #tpu.memory_space<vmem>>) target(%dma_start3A_443 : memref<320x128xf32, #tpu.memory_space<hbm>>) target_semaphore(%run_scoped3A : memref<!tpu.dma_semaphore, #tpu.memory_space<semaphore_mem>>)
      %dma_wait3A_444 = arith.constant 0 : i32
      %dma_wait3A_445 = tpu.memref_slice %arg9[%add3A_263, %dma_wait3A_444] : memref<245760x128xf32, #tpu.memory_space<hbm>> -> memref<320x128xf32, #tpu.memory_space<hbm>>
      %dma_wait3A_446 = arith.constant 0 : i32
      %dma_wait3A_447 = tpu.memref_slice %arg9[%add3A_263, %dma_wait3A_446] : memref<245760x128xf32, #tpu.memory_space<hbm>> -> memref<320x128xf32, #tpu.memory_space<hbm>>
      tpu.wait_dma2 semaphore(%run_scoped3A : memref<!tpu.dma_semaphore, #tpu.memory_space<semaphore_mem>>) src(%arg13 : memref<320x128xf32, #tpu.memory_space<vmem>>) dst(%dma_wait3A_447 : memref<320x128xf32, #tpu.memory_space<hbm>>)
      tpu.yield
    }) : () -> ()
    %dma_start3A_264 = arith.constant 1 : i32
    %dma_start3A_265 = arith.constant 0 : i32
    %dma_start3A_266 = tpu.memref_slice %arg11[%dma_start3A_264, %dma_start3A_265] : memref<12x320xi32, #tpu.memory_space<vmem>> -> memref<1x320xi32, #tpu.memory_space<vmem>>
    %dma_start3A_267 = tpu.memref_squeeze %dma_start3A_266 : memref<1x320xi32, #tpu.memory_space<vmem>> -> memref<320xi32, #tpu.memory_space<vmem>>
    %dma_start3A_268 = arith.constant 0 : i32
    %dma_start3A_269 = arith.constant 0 : i32
    %dma_start3A_270 = tpu.memref_slice %arg2[%dma_start3A_268, %dma_start3A_269] : memref<100000x128xf32, #tpu.memory_space<hbm>> -> memref<100000x128xf32, #tpu.memory_space<hbm>>
    tpu.enqueue_indirect_dma source(%dma_start3A_270 : memref<100000x128xf32, #tpu.memory_space<hbm>>) target(%arg13 : memref<320x128xf32, #tpu.memory_space<vmem>>) offsets(%dma_start3A_267 : memref<320xi32, #tpu.memory_space<vmem>>) semaphore(%arg14 : memref<!tpu.dma_semaphore, #tpu.memory_space<semaphore_mem>>)
    %dma_wait3A_271 = arith.constant 1 : i32
    %dma_wait3A_272 = arith.constant 0 : i32
    %dma_wait3A_273 = tpu.memref_slice %arg11[%dma_wait3A_271, %dma_wait3A_272] : memref<12x320xi32, #tpu.memory_space<vmem>> -> memref<1x320xi32, #tpu.memory_space<vmem>>
    %dma_wait3A_274 = tpu.memref_squeeze %dma_wait3A_273 : memref<1x320xi32, #tpu.memory_space<vmem>> -> memref<320xi32, #tpu.memory_space<vmem>>
    %dma_wait3A_275 = arith.constant 0 : i32
    %dma_wait3A_276 = arith.constant 0 : i32
    %dma_wait3A_277 = tpu.memref_slice %arg2[%dma_wait3A_275, %dma_wait3A_276] : memref<100000x128xf32, #tpu.memory_space<hbm>> -> memref<100000x128xf32, #tpu.memory_space<hbm>>
    tpu.wait_indirect_dma semaphore(%arg14 : memref<!tpu.dma_semaphore, #tpu.memory_space<semaphore_mem>>) src(%dma_wait3A_277 : memref<100000x128xf32, #tpu.memory_space<hbm>>) dst(%arg13 : memref<320x128xf32, #tpu.memory_space<vmem>>)
    %add3A_278 = arith.constant 20480 : i32
    %add3A_279 = arith.addi %add3A_278, %add3A_222 : i32
    "tpu.region"() ({
      %run_scoped3A = tpu.sem_alloc : memref<!tpu.dma_semaphore, #tpu.memory_space<semaphore_mem>>
      %dma_start3A_440 = arith.constant 0 : i32
      %dma_start3A_441 = tpu.memref_slice %arg9[%add3A_279, %dma_start3A_440] : memref<245760x128xf32, #tpu.memory_space<hbm>> -> memref<320x128xf32, #tpu.memory_space<hbm>>
      %dma_start3A_442 = arith.constant 0 : i32
      %dma_start3A_443 = tpu.memref_slice %arg9[%add3A_279, %dma_start3A_442] : memref<245760x128xf32, #tpu.memory_space<hbm>> -> memref<320x128xf32, #tpu.memory_space<hbm>>
      tpu.enqueue_dma source(%arg13 : memref<320x128xf32, #tpu.memory_space<vmem>>) target(%dma_start3A_443 : memref<320x128xf32, #tpu.memory_space<hbm>>) target_semaphore(%run_scoped3A : memref<!tpu.dma_semaphore, #tpu.memory_space<semaphore_mem>>)
      %dma_wait3A_444 = arith.constant 0 : i32
      %dma_wait3A_445 = tpu.memref_slice %arg9[%add3A_279, %dma_wait3A_444] : memref<245760x128xf32, #tpu.memory_space<hbm>> -> memref<320x128xf32, #tpu.memory_space<hbm>>
      %dma_wait3A_446 = arith.constant 0 : i32
      %dma_wait3A_447 = tpu.memref_slice %arg9[%add3A_279, %dma_wait3A_446] : memref<245760x128xf32, #tpu.memory_space<hbm>> -> memref<320x128xf32, #tpu.memory_space<hbm>>
      tpu.wait_dma2 semaphore(%run_scoped3A : memref<!tpu.dma_semaphore, #tpu.memory_space<semaphore_mem>>) src(%arg13 : memref<320x128xf32, #tpu.memory_space<vmem>>) dst(%dma_wait3A_447 : memref<320x128xf32, #tpu.memory_space<hbm>>)
      tpu.yield
    }) : () -> ()
    %dma_start3A_280 = arith.constant 2 : i32
    %dma_start3A_281 = arith.constant 0 : i32
    %dma_start3A_282 = tpu.memref_slice %arg11[%dma_start3A_280, %dma_start3A_281] : memref<12x320xi32, #tpu.memory_space<vmem>> -> memref<1x320xi32, #tpu.memory_space<vmem>>
    %dma_start3A_283 = tpu.memref_squeeze %dma_start3A_282 : memref<1x320xi32, #tpu.memory_space<vmem>> -> memref<320xi32, #tpu.memory_space<vmem>>
    %dma_start3A_284 = arith.constant 0 : i32
    %dma_start3A_285 = arith.constant 0 : i32
    %dma_start3A_286 = tpu.memref_slice %arg2[%dma_start3A_284, %dma_start3A_285] : memref<100000x128xf32, #tpu.memory_space<hbm>> -> memref<100000x128xf32, #tpu.memory_space<hbm>>
    tpu.enqueue_indirect_dma source(%dma_start3A_286 : memref<100000x128xf32, #tpu.memory_space<hbm>>) target(%arg13 : memref<320x128xf32, #tpu.memory_space<vmem>>) offsets(%dma_start3A_283 : memref<320xi32, #tpu.memory_space<vmem>>) semaphore(%arg14 : memref<!tpu.dma_semaphore, #tpu.memory_space<semaphore_mem>>)
    %dma_wait3A_287 = arith.constant 2 : i32
    %dma_wait3A_288 = arith.constant 0 : i32
    %dma_wait3A_289 = tpu.memref_slice %arg11[%dma_wait3A_287, %dma_wait3A_288] : memref<12x320xi32, #tpu.memory_space<vmem>> -> memref<1x320xi32, #tpu.memory_space<vmem>>
    %dma_wait3A_290 = tpu.memref_squeeze %dma_wait3A_289 : memref<1x320xi32, #tpu.memory_space<vmem>> -> memref<320xi32, #tpu.memory_space<vmem>>
    %dma_wait3A_291 = arith.constant 0 : i32
    %dma_wait3A_292 = arith.constant 0 : i32
    %dma_wait3A_293 = tpu.memref_slice %arg2[%dma_wait3A_291, %dma_wait3A_292] : memref<100000x128xf32, #tpu.memory_space<hbm>> -> memref<100000x128xf32, #tpu.memory_space<hbm>>
    tpu.wait_indirect_dma semaphore(%arg14 : memref<!tpu.dma_semaphore, #tpu.memory_space<semaphore_mem>>) src(%dma_wait3A_293 : memref<100000x128xf32, #tpu.memory_space<hbm>>) dst(%arg13 : memref<320x128xf32, #tpu.memory_space<vmem>>)
    %add3A_294 = arith.constant 40960 : i32
    %add3A_295 = arith.addi %add3A_294, %add3A_222 : i32
    "tpu.region"() ({
      %run_scoped3A = tpu.sem_alloc : memref<!tpu.dma_semaphore, #tpu.memory_space<semaphore_mem>>
      %dma_start3A_440 = arith.constant 0 : i32
      %dma_start3A_441 = tpu.memref_slice %arg9[%add3A_295, %dma_start3A_440] : memref<245760x128xf32, #tpu.memory_space<hbm>> -> memref<320x128xf32, #tpu.memory_space<hbm>>
      %dma_start3A_442 = arith.constant 0 : i32
      %dma_start3A_443 = tpu.memref_slice %arg9[%add3A_295, %dma_start3A_442] : memref<245760x128xf32, #tpu.memory_space<hbm>> -> memref<320x128xf32, #tpu.memory_space<hbm>>
      tpu.enqueue_dma source(%arg13 : memref<320x128xf32, #tpu.memory_space<vmem>>) target(%dma_start3A_443 : memref<320x128xf32, #tpu.memory_space<hbm>>) target_semaphore(%run_scoped3A : memref<!tpu.dma_semaphore, #tpu.memory_space<semaphore_mem>>)
      %dma_wait3A_444 = arith.constant 0 : i32
      %dma_wait3A_445 = tpu.memref_slice %arg9[%add3A_295, %dma_wait3A_444] : memref<245760x128xf32, #tpu.memory_space<hbm>> -> memref<320x128xf32, #tpu.memory_space<hbm>>
      %dma_wait3A_446 = arith.constant 0 : i32
      %dma_wait3A_447 = tpu.memref_slice %arg9[%add3A_295, %dma_wait3A_446] : memref<245760x128xf32, #tpu.memory_space<hbm>> -> memref<320x128xf32, #tpu.memory_space<hbm>>
      tpu.wait_dma2 semaphore(%run_scoped3A : memref<!tpu.dma_semaphore, #tpu.memory_space<semaphore_mem>>) src(%arg13 : memref<320x128xf32, #tpu.memory_space<vmem>>) dst(%dma_wait3A_447 : memref<320x128xf32, #tpu.memory_space<hbm>>)
      tpu.yield
    }) : () -> ()
    %dma_start3A_296 = arith.constant 3 : i32
    %dma_start3A_297 = arith.constant 0 : i32
    %dma_start3A_298 = tpu.memref_slice %arg11[%dma_start3A_296, %dma_start3A_297] : memref<12x320xi32, #tpu.memory_space<vmem>> -> memref<1x320xi32, #tpu.memory_space<vmem>>
    %dma_start3A_299 = tpu.memref_squeeze %dma_start3A_298 : memref<1x320xi32, #tpu.memory_space<vmem>> -> memref<320xi32, #tpu.memory_space<vmem>>
    %dma_start3A_300 = arith.constant 0 : i32
    %dma_start3A_301 = arith.constant 0 : i32
    %dma_start3A_302 = tpu.memref_slice %arg2[%dma_start3A_300, %dma_start3A_301] : memref<100000x128xf32, #tpu.memory_space<hbm>> -> memref<100000x128xf32, #tpu.memory_space<hbm>>
    tpu.enqueue_indirect_dma source(%dma_start3A_302 : memref<100000x128xf32, #tpu.memory_space<hbm>>) target(%arg13 : memref<320x128xf32, #tpu.memory_space<vmem>>) offsets(%dma_start3A_299 : memref<320xi32, #tpu.memory_space<vmem>>) semaphore(%arg14 : memref<!tpu.dma_semaphore, #tpu.memory_space<semaphore_mem>>)
    %dma_wait3A_303 = arith.constant 3 : i32
    %dma_wait3A_304 = arith.constant 0 : i32
    %dma_wait3A_305 = tpu.memref_slice %arg11[%dma_wait3A_303, %dma_wait3A_304] : memref<12x320xi32, #tpu.memory_space<vmem>> -> memref<1x320xi32, #tpu.memory_space<vmem>>
    %dma_wait3A_306 = tpu.memref_squeeze %dma_wait3A_305 : memref<1x320xi32, #tpu.memory_space<vmem>> -> memref<320xi32, #tpu.memory_space<vmem>>
    %dma_wait3A_307 = arith.constant 0 : i32
    %dma_wait3A_308 = arith.constant 0 : i32
    %dma_wait3A_309 = tpu.memref_slice %arg2[%dma_wait3A_307, %dma_wait3A_308] : memref<100000x128xf32, #tpu.memory_space<hbm>> -> memref<100000x128xf32, #tpu.memory_space<hbm>>
    tpu.wait_indirect_dma semaphore(%arg14 : memref<!tpu.dma_semaphore, #tpu.memory_space<semaphore_mem>>) src(%dma_wait3A_309 : memref<100000x128xf32, #tpu.memory_space<hbm>>) dst(%arg13 : memref<320x128xf32, #tpu.memory_space<vmem>>)
    %add3A_310 = arith.constant 61440 : i32
    %add3A_311 = arith.addi %add3A_310, %add3A_222 : i32
    "tpu.region"() ({
      %run_scoped3A = tpu.sem_alloc : memref<!tpu.dma_semaphore, #tpu.memory_space<semaphore_mem>>
      %dma_start3A_440 = arith.constant 0 : i32
      %dma_start3A_441 = tpu.memref_slice %arg9[%add3A_311, %dma_start3A_440] : memref<245760x128xf32, #tpu.memory_space<hbm>> -> memref<320x128xf32, #tpu.memory_space<hbm>>
      %dma_start3A_442 = arith.constant 0 : i32
      %dma_start3A_443 = tpu.memref_slice %arg9[%add3A_311, %dma_start3A_442] : memref<245760x128xf32, #tpu.memory_space<hbm>> -> memref<320x128xf32, #tpu.memory_space<hbm>>
      tpu.enqueue_dma source(%arg13 : memref<320x128xf32, #tpu.memory_space<vmem>>) target(%dma_start3A_443 : memref<320x128xf32, #tpu.memory_space<hbm>>) target_semaphore(%run_scoped3A : memref<!tpu.dma_semaphore, #tpu.memory_space<semaphore_mem>>)
      %dma_wait3A_444 = arith.constant 0 : i32
      %dma_wait3A_445 = tpu.memref_slice %arg9[%add3A_311, %dma_wait3A_444] : memref<245760x128xf32, #tpu.memory_space<hbm>> -> memref<320x128xf32, #tpu.memory_space<hbm>>
      %dma_wait3A_446 = arith.constant 0 : i32
      %dma_wait3A_447 = tpu.memref_slice %arg9[%add3A_311, %dma_wait3A_446] : memref<245760x128xf32, #tpu.memory_space<hbm>> -> memref<320x128xf32, #tpu.memory_space<hbm>>
      tpu.wait_dma2 semaphore(%run_scoped3A : memref<!tpu.dma_semaphore, #tpu.memory_space<semaphore_mem>>) src(%arg13 : memref<320x128xf32, #tpu.memory_space<vmem>>) dst(%dma_wait3A_447 : memref<320x128xf32, #tpu.memory_space<hbm>>)
      tpu.yield
    }) : () -> ()
    %dma_start3A_312 = arith.constant 4 : i32
    %dma_start3A_313 = arith.constant 0 : i32
    %dma_start3A_314 = tpu.memref_slice %arg11[%dma_start3A_312, %dma_start3A_313] : memref<12x320xi32, #tpu.memory_space<vmem>> -> memref<1x320xi32, #tpu.memory_space<vmem>>
    %dma_start3A_315 = tpu.memref_squeeze %dma_start3A_314 : memref<1x320xi32, #tpu.memory_space<vmem>> -> memref<320xi32, #tpu.memory_space<vmem>>
    %dma_start3A_316 = arith.constant 0 : i32
    %dma_start3A_317 = arith.constant 0 : i32
    %dma_start3A_318 = tpu.memref_slice %arg2[%dma_start3A_316, %dma_start3A_317] : memref<100000x128xf32, #tpu.memory_space<hbm>> -> memref<100000x128xf32, #tpu.memory_space<hbm>>
    tpu.enqueue_indirect_dma source(%dma_start3A_318 : memref<100000x128xf32, #tpu.memory_space<hbm>>) target(%arg13 : memref<320x128xf32, #tpu.memory_space<vmem>>) offsets(%dma_start3A_315 : memref<320xi32, #tpu.memory_space<vmem>>) semaphore(%arg14 : memref<!tpu.dma_semaphore, #tpu.memory_space<semaphore_mem>>)
    %dma_wait3A_319 = arith.constant 4 : i32
    %dma_wait3A_320 = arith.constant 0 : i32
    %dma_wait3A_321 = tpu.memref_slice %arg11[%dma_wait3A_319, %dma_wait3A_320] : memref<12x320xi32, #tpu.memory_space<vmem>> -> memref<1x320xi32, #tpu.memory_space<vmem>>
    %dma_wait3A_322 = tpu.memref_squeeze %dma_wait3A_321 : memref<1x320xi32, #tpu.memory_space<vmem>> -> memref<320xi32, #tpu.memory_space<vmem>>
    %dma_wait3A_323 = arith.constant 0 : i32
    %dma_wait3A_324 = arith.constant 0 : i32
    %dma_wait3A_325 = tpu.memref_slice %arg2[%dma_wait3A_323, %dma_wait3A_324] : memref<100000x128xf32, #tpu.memory_space<hbm>> -> memref<100000x128xf32, #tpu.memory_space<hbm>>
    tpu.wait_indirect_dma semaphore(%arg14 : memref<!tpu.dma_semaphore, #tpu.memory_space<semaphore_mem>>) src(%dma_wait3A_325 : memref<100000x128xf32, #tpu.memory_space<hbm>>) dst(%arg13 : memref<320x128xf32, #tpu.memory_space<vmem>>)
    %add3A_326 = arith.constant 81920 : i32
    %add3A_327 = arith.addi %add3A_326, %add3A_222 : i32
    "tpu.region"() ({
      %run_scoped3A = tpu.sem_alloc : memref<!tpu.dma_semaphore, #tpu.memory_space<semaphore_mem>>
      %dma_start3A_440 = arith.constant 0 : i32
      %dma_start3A_441 = tpu.memref_slice %arg9[%add3A_327, %dma_start3A_440] : memref<245760x128xf32, #tpu.memory_space<hbm>> -> memref<320x128xf32, #tpu.memory_space<hbm>>
      %dma_start3A_442 = arith.constant 0 : i32
      %dma_start3A_443 = tpu.memref_slice %arg9[%add3A_327, %dma_start3A_442] : memref<245760x128xf32, #tpu.memory_space<hbm>> -> memref<320x128xf32, #tpu.memory_space<hbm>>
      tpu.enqueue_dma source(%arg13 : memref<320x128xf32, #tpu.memory_space<vmem>>) target(%dma_start3A_443 : memref<320x128xf32, #tpu.memory_space<hbm>>) target_semaphore(%run_scoped3A : memref<!tpu.dma_semaphore, #tpu.memory_space<semaphore_mem>>)
      %dma_wait3A_444 = arith.constant 0 : i32
      %dma_wait3A_445 = tpu.memref_slice %arg9[%add3A_327, %dma_wait3A_444] : memref<245760x128xf32, #tpu.memory_space<hbm>> -> memref<320x128xf32, #tpu.memory_space<hbm>>
      %dma_wait3A_446 = arith.constant 0 : i32
      %dma_wait3A_447 = tpu.memref_slice %arg9[%add3A_327, %dma_wait3A_446] : memref<245760x128xf32, #tpu.memory_space<hbm>> -> memref<320x128xf32, #tpu.memory_space<hbm>>
      tpu.wait_dma2 semaphore(%run_scoped3A : memref<!tpu.dma_semaphore, #tpu.memory_space<semaphore_mem>>) src(%arg13 : memref<320x128xf32, #tpu.memory_space<vmem>>) dst(%dma_wait3A_447 : memref<320x128xf32, #tpu.memory_space<hbm>>)
      tpu.yield
    }) : () -> ()
    %dma_start3A_328 = arith.constant 5 : i32
    %dma_start3A_329 = arith.constant 0 : i32
    %dma_start3A_330 = tpu.memref_slice %arg11[%dma_start3A_328, %dma_start3A_329] : memref<12x320xi32, #tpu.memory_space<vmem>> -> memref<1x320xi32, #tpu.memory_space<vmem>>
    %dma_start3A_331 = tpu.memref_squeeze %dma_start3A_330 : memref<1x320xi32, #tpu.memory_space<vmem>> -> memref<320xi32, #tpu.memory_space<vmem>>
    %dma_start3A_332 = arith.constant 0 : i32
    %dma_start3A_333 = arith.constant 0 : i32
    %dma_start3A_334 = tpu.memref_slice %arg2[%dma_start3A_332, %dma_start3A_333] : memref<100000x128xf32, #tpu.memory_space<hbm>> -> memref<100000x128xf32, #tpu.memory_space<hbm>>
    tpu.enqueue_indirect_dma source(%dma_start3A_334 : memref<100000x128xf32, #tpu.memory_space<hbm>>) target(%arg13 : memref<320x128xf32, #tpu.memory_space<vmem>>) offsets(%dma_start3A_331 : memref<320xi32, #tpu.memory_space<vmem>>) semaphore(%arg14 : memref<!tpu.dma_semaphore, #tpu.memory_space<semaphore_mem>>)
    %dma_wait3A_335 = arith.constant 5 : i32
    %dma_wait3A_336 = arith.constant 0 : i32
    %dma_wait3A_337 = tpu.memref_slice %arg11[%dma_wait3A_335, %dma_wait3A_336] : memref<12x320xi32, #tpu.memory_space<vmem>> -> memref<1x320xi32, #tpu.memory_space<vmem>>
    %dma_wait3A_338 = tpu.memref_squeeze %dma_wait3A_337 : memref<1x320xi32, #tpu.memory_space<vmem>> -> memref<320xi32, #tpu.memory_space<vmem>>
    %dma_wait3A_339 = arith.constant 0 : i32
    %dma_wait3A_340 = arith.constant 0 : i32
    %dma_wait3A_341 = tpu.memref_slice %arg2[%dma_wait3A_339, %dma_wait3A_340] : memref<100000x128xf32, #tpu.memory_space<hbm>> -> memref<100000x128xf32, #tpu.memory_space<hbm>>
    tpu.wait_indirect_dma semaphore(%arg14 : memref<!tpu.dma_semaphore, #tpu.memory_space<semaphore_mem>>) src(%dma_wait3A_341 : memref<100000x128xf32, #tpu.memory_space<hbm>>) dst(%arg13 : memref<320x128xf32, #tpu.memory_space<vmem>>)
    %add3A_342 = arith.constant 102400 : i32
    %add3A_343 = arith.addi %add3A_342, %add3A_222 : i32
    "tpu.region"() ({
      %run_scoped3A = tpu.sem_alloc : memref<!tpu.dma_semaphore, #tpu.memory_space<semaphore_mem>>
      %dma_start3A_440 = arith.constant 0 : i32
      %dma_start3A_441 = tpu.memref_slice %arg9[%add3A_343, %dma_start3A_440] : memref<245760x128xf32, #tpu.memory_space<hbm>> -> memref<320x128xf32, #tpu.memory_space<hbm>>
      %dma_start3A_442 = arith.constant 0 : i32
      %dma_start3A_443 = tpu.memref_slice %arg9[%add3A_343, %dma_start3A_442] : memref<245760x128xf32, #tpu.memory_space<hbm>> -> memref<320x128xf32, #tpu.memory_space<hbm>>
      tpu.enqueue_dma source(%arg13 : memref<320x128xf32, #tpu.memory_space<vmem>>) target(%dma_start3A_443 : memref<320x128xf32, #tpu.memory_space<hbm>>) target_semaphore(%run_scoped3A : memref<!tpu.dma_semaphore, #tpu.memory_space<semaphore_mem>>)
      %dma_wait3A_444 = arith.constant 0 : i32
      %dma_wait3A_445 = tpu.memref_slice %arg9[%add3A_343, %dma_wait3A_444] : memref<245760x128xf32, #tpu.memory_space<hbm>> -> memref<320x128xf32, #tpu.memory_space<hbm>>
      %dma_wait3A_446 = arith.constant 0 : i32
      %dma_wait3A_447 = tpu.memref_slice %arg9[%add3A_343, %dma_wait3A_446] : memref<245760x128xf32, #tpu.memory_space<hbm>> -> memref<320x128xf32, #tpu.memory_space<hbm>>
      tpu.wait_dma2 semaphore(%run_scoped3A : memref<!tpu.dma_semaphore, #tpu.memory_space<semaphore_mem>>) src(%arg13 : memref<320x128xf32, #tpu.memory_space<vmem>>) dst(%dma_wait3A_447 : memref<320x128xf32, #tpu.memory_space<hbm>>)
      tpu.yield
    }) : () -> ()
    %dma_start3A_344 = arith.constant 6 : i32
    %dma_start3A_345 = arith.constant 0 : i32
    %dma_start3A_346 = tpu.memref_slice %arg11[%dma_start3A_344, %dma_start3A_345] : memref<12x320xi32, #tpu.memory_space<vmem>> -> memref<1x320xi32, #tpu.memory_space<vmem>>
    %dma_start3A_347 = tpu.memref_squeeze %dma_start3A_346 : memref<1x320xi32, #tpu.memory_space<vmem>> -> memref<320xi32, #tpu.memory_space<vmem>>
    %dma_start3A_348 = arith.constant 0 : i32
    %dma_start3A_349 = arith.constant 0 : i32
    %dma_start3A_350 = tpu.memref_slice %arg2[%dma_start3A_348, %dma_start3A_349] : memref<100000x128xf32, #tpu.memory_space<hbm>> -> memref<100000x128xf32, #tpu.memory_space<hbm>>
    tpu.enqueue_indirect_dma source(%dma_start3A_350 : memref<100000x128xf32, #tpu.memory_space<hbm>>) target(%arg13 : memref<320x128xf32, #tpu.memory_space<vmem>>) offsets(%dma_start3A_347 : memref<320xi32, #tpu.memory_space<vmem>>) semaphore(%arg14 : memref<!tpu.dma_semaphore, #tpu.memory_space<semaphore_mem>>)
    %dma_wait3A_351 = arith.constant 6 : i32
    %dma_wait3A_352 = arith.constant 0 : i32
    %dma_wait3A_353 = tpu.memref_slice %arg11[%dma_wait3A_351, %dma_wait3A_352] : memref<12x320xi32, #tpu.memory_space<vmem>> -> memref<1x320xi32, #tpu.memory_space<vmem>>
    %dma_wait3A_354 = tpu.memref_squeeze %dma_wait3A_353 : memref<1x320xi32, #tpu.memory_space<vmem>> -> memref<320xi32, #tpu.memory_space<vmem>>
    %dma_wait3A_355 = arith.constant 0 : i32
    %dma_wait3A_356 = arith.constant 0 : i32
    %dma_wait3A_357 = tpu.memref_slice %arg2[%dma_wait3A_355, %dma_wait3A_356] : memref<100000x128xf32, #tpu.memory_space<hbm>> -> memref<100000x128xf32, #tpu.memory_space<hbm>>
    tpu.wait_indirect_dma semaphore(%arg14 : memref<!tpu.dma_semaphore, #tpu.memory_space<semaphore_mem>>) src(%dma_wait3A_357 : memref<100000x128xf32, #tpu.memory_space<hbm>>) dst(%arg13 : memref<320x128xf32, #tpu.memory_space<vmem>>)
    %add3A_358 = arith.constant 122880 : i32
    %add3A_359 = arith.addi %add3A_358, %add3A_222 : i32
    "tpu.region"() ({
      %run_scoped3A = tpu.sem_alloc : memref<!tpu.dma_semaphore, #tpu.memory_space<semaphore_mem>>
      %dma_start3A_440 = arith.constant 0 : i32
      %dma_start3A_441 = tpu.memref_slice %arg9[%add3A_359, %dma_start3A_440] : memref<245760x128xf32, #tpu.memory_space<hbm>> -> memref<320x128xf32, #tpu.memory_space<hbm>>
      %dma_start3A_442 = arith.constant 0 : i32
      %dma_start3A_443 = tpu.memref_slice %arg9[%add3A_359, %dma_start3A_442] : memref<245760x128xf32, #tpu.memory_space<hbm>> -> memref<320x128xf32, #tpu.memory_space<hbm>>
      tpu.enqueue_dma source(%arg13 : memref<320x128xf32, #tpu.memory_space<vmem>>) target(%dma_start3A_443 : memref<320x128xf32, #tpu.memory_space<hbm>>) target_semaphore(%run_scoped3A : memref<!tpu.dma_semaphore, #tpu.memory_space<semaphore_mem>>)
      %dma_wait3A_444 = arith.constant 0 : i32
      %dma_wait3A_445 = tpu.memref_slice %arg9[%add3A_359, %dma_wait3A_444] : memref<245760x128xf32, #tpu.memory_space<hbm>> -> memref<320x128xf32, #tpu.memory_space<hbm>>
      %dma_wait3A_446 = arith.constant 0 : i32
      %dma_wait3A_447 = tpu.memref_slice %arg9[%add3A_359, %dma_wait3A_446] : memref<245760x128xf32, #tpu.memory_space<hbm>> -> memref<320x128xf32, #tpu.memory_space<hbm>>
      tpu.wait_dma2 semaphore(%run_scoped3A : memref<!tpu.dma_semaphore, #tpu.memory_space<semaphore_mem>>) src(%arg13 : memref<320x128xf32, #tpu.memory_space<vmem>>) dst(%dma_wait3A_447 : memref<320x128xf32, #tpu.memory_space<hbm>>)
      tpu.yield
    }) : () -> ()
    %dma_start3A_360 = arith.constant 7 : i32
    %dma_start3A_361 = arith.constant 0 : i32
    %dma_start3A_362 = tpu.memref_slice %arg11[%dma_start3A_360, %dma_start3A_361] : memref<12x320xi32, #tpu.memory_space<vmem>> -> memref<1x320xi32, #tpu.memory_space<vmem>>
    %dma_start3A_363 = tpu.memref_squeeze %dma_start3A_362 : memref<1x320xi32, #tpu.memory_space<vmem>> -> memref<320xi32, #tpu.memory_space<vmem>>
    %dma_start3A_364 = arith.constant 0 : i32
    %dma_start3A_365 = arith.constant 0 : i32
    %dma_start3A_366 = tpu.memref_slice %arg2[%dma_start3A_364, %dma_start3A_365] : memref<100000x128xf32, #tpu.memory_space<hbm>> -> memref<100000x128xf32, #tpu.memory_space<hbm>>
    tpu.enqueue_indirect_dma source(%dma_start3A_366 : memref<100000x128xf32, #tpu.memory_space<hbm>>) target(%arg13 : memref<320x128xf32, #tpu.memory_space<vmem>>) offsets(%dma_start3A_363 : memref<320xi32, #tpu.memory_space<vmem>>) semaphore(%arg14 : memref<!tpu.dma_semaphore, #tpu.memory_space<semaphore_mem>>)
    %dma_wait3A_367 = arith.constant 7 : i32
    %dma_wait3A_368 = arith.constant 0 : i32
    %dma_wait3A_369 = tpu.memref_slice %arg11[%dma_wait3A_367, %dma_wait3A_368] : memref<12x320xi32, #tpu.memory_space<vmem>> -> memref<1x320xi32, #tpu.memory_space<vmem>>
    %dma_wait3A_370 = tpu.memref_squeeze %dma_wait3A_369 : memref<1x320xi32, #tpu.memory_space<vmem>> -> memref<320xi32, #tpu.memory_space<vmem>>
    %dma_wait3A_371 = arith.constant 0 : i32
    %dma_wait3A_372 = arith.constant 0 : i32
    %dma_wait3A_373 = tpu.memref_slice %arg2[%dma_wait3A_371, %dma_wait3A_372] : memref<100000x128xf32, #tpu.memory_space<hbm>> -> memref<100000x128xf32, #tpu.memory_space<hbm>>
    tpu.wait_indirect_dma semaphore(%arg14 : memref<!tpu.dma_semaphore, #tpu.memory_space<semaphore_mem>>) src(%dma_wait3A_373 : memref<100000x128xf32, #tpu.memory_space<hbm>>) dst(%arg13 : memref<320x128xf32, #tpu.memory_space<vmem>>)
    %add3A_374 = arith.constant 143360 : i32
    %add3A_375 = arith.addi %add3A_374, %add3A_222 : i32
    "tpu.region"() ({
      %run_scoped3A = tpu.sem_alloc : memref<!tpu.dma_semaphore, #tpu.memory_space<semaphore_mem>>
      %dma_start3A_440 = arith.constant 0 : i32
      %dma_start3A_441 = tpu.memref_slice %arg9[%add3A_375, %dma_start3A_440] : memref<245760x128xf32, #tpu.memory_space<hbm>> -> memref<320x128xf32, #tpu.memory_space<hbm>>
      %dma_start3A_442 = arith.constant 0 : i32
      %dma_start3A_443 = tpu.memref_slice %arg9[%add3A_375, %dma_start3A_442] : memref<245760x128xf32, #tpu.memory_space<hbm>> -> memref<320x128xf32, #tpu.memory_space<hbm>>
      tpu.enqueue_dma source(%arg13 : memref<320x128xf32, #tpu.memory_space<vmem>>) target(%dma_start3A_443 : memref<320x128xf32, #tpu.memory_space<hbm>>) target_semaphore(%run_scoped3A : memref<!tpu.dma_semaphore, #tpu.memory_space<semaphore_mem>>)
      %dma_wait3A_444 = arith.constant 0 : i32
      %dma_wait3A_445 = tpu.memref_slice %arg9[%add3A_375, %dma_wait3A_444] : memref<245760x128xf32, #tpu.memory_space<hbm>> -> memref<320x128xf32, #tpu.memory_space<hbm>>
      %dma_wait3A_446 = arith.constant 0 : i32
      %dma_wait3A_447 = tpu.memref_slice %arg9[%add3A_375, %dma_wait3A_446] : memref<245760x128xf32, #tpu.memory_space<hbm>> -> memref<320x128xf32, #tpu.memory_space<hbm>>
      tpu.wait_dma2 semaphore(%run_scoped3A : memref<!tpu.dma_semaphore, #tpu.memory_space<semaphore_mem>>) src(%arg13 : memref<320x128xf32, #tpu.memory_space<vmem>>) dst(%dma_wait3A_447 : memref<320x128xf32, #tpu.memory_space<hbm>>)
      tpu.yield
    }) : () -> ()
    %dma_start3A_376 = arith.constant 8 : i32
    %dma_start3A_377 = arith.constant 0 : i32
    %dma_start3A_378 = tpu.memref_slice %arg11[%dma_start3A_376, %dma_start3A_377] : memref<12x320xi32, #tpu.memory_space<vmem>> -> memref<1x320xi32, #tpu.memory_space<vmem>>
    %dma_start3A_379 = tpu.memref_squeeze %dma_start3A_378 : memref<1x320xi32, #tpu.memory_space<vmem>> -> memref<320xi32, #tpu.memory_space<vmem>>
    %dma_start3A_380 = arith.constant 0 : i32
    %dma_start3A_381 = arith.constant 0 : i32
    %dma_start3A_382 = tpu.memref_slice %arg2[%dma_start3A_380, %dma_start3A_381] : memref<100000x128xf32, #tpu.memory_space<hbm>> -> memref<100000x128xf32, #tpu.memory_space<hbm>>
    tpu.enqueue_indirect_dma source(%dma_start3A_382 : memref<100000x128xf32, #tpu.memory_space<hbm>>) target(%arg13 : memref<320x128xf32, #tpu.memory_space<vmem>>) offsets(%dma_start3A_379 : memref<320xi32, #tpu.memory_space<vmem>>) semaphore(%arg14 : memref<!tpu.dma_semaphore, #tpu.memory_space<semaphore_mem>>)
    %dma_wait3A_383 = arith.constant 8 : i32
    %dma_wait3A_384 = arith.constant 0 : i32
    %dma_wait3A_385 = tpu.memref_slice %arg11[%dma_wait3A_383, %dma_wait3A_384] : memref<12x320xi32, #tpu.memory_space<vmem>> -> memref<1x320xi32, #tpu.memory_space<vmem>>
    %dma_wait3A_386 = tpu.memref_squeeze %dma_wait3A_385 : memref<1x320xi32, #tpu.memory_space<vmem>> -> memref<320xi32, #tpu.memory_space<vmem>>
    %dma_wait3A_387 = arith.constant 0 : i32
    %dma_wait3A_388 = arith.constant 0 : i32
    %dma_wait3A_389 = tpu.memref_slice %arg2[%dma_wait3A_387, %dma_wait3A_388] : memref<100000x128xf32, #tpu.memory_space<hbm>> -> memref<100000x128xf32, #tpu.memory_space<hbm>>
    tpu.wait_indirect_dma semaphore(%arg14 : memref<!tpu.dma_semaphore, #tpu.memory_space<semaphore_mem>>) src(%dma_wait3A_389 : memref<100000x128xf32, #tpu.memory_space<hbm>>) dst(%arg13 : memref<320x128xf32, #tpu.memory_space<vmem>>)
    %add3A_390 = arith.constant 163840 : i32
    %add3A_391 = arith.addi %add3A_390, %add3A_222 : i32
    "tpu.region"() ({
      %run_scoped3A = tpu.sem_alloc : memref<!tpu.dma_semaphore, #tpu.memory_space<semaphore_mem>>
      %dma_start3A_440 = arith.constant 0 : i32
      %dma_start3A_441 = tpu.memref_slice %arg9[%add3A_391, %dma_start3A_440] : memref<245760x128xf32, #tpu.memory_space<hbm>> -> memref<320x128xf32, #tpu.memory_space<hbm>>
      %dma_start3A_442 = arith.constant 0 : i32
      %dma_start3A_443 = tpu.memref_slice %arg9[%add3A_391, %dma_start3A_442] : memref<245760x128xf32, #tpu.memory_space<hbm>> -> memref<320x128xf32, #tpu.memory_space<hbm>>
      tpu.enqueue_dma source(%arg13 : memref<320x128xf32, #tpu.memory_space<vmem>>) target(%dma_start3A_443 : memref<320x128xf32, #tpu.memory_space<hbm>>) target_semaphore(%run_scoped3A : memref<!tpu.dma_semaphore, #tpu.memory_space<semaphore_mem>>)
      %dma_wait3A_444 = arith.constant 0 : i32
      %dma_wait3A_445 = tpu.memref_slice %arg9[%add3A_391, %dma_wait3A_444] : memref<245760x128xf32, #tpu.memory_space<hbm>> -> memref<320x128xf32, #tpu.memory_space<hbm>>
      %dma_wait3A_446 = arith.constant 0 : i32
      %dma_wait3A_447 = tpu.memref_slice %arg9[%add3A_391, %dma_wait3A_446] : memref<245760x128xf32, #tpu.memory_space<hbm>> -> memref<320x128xf32, #tpu.memory_space<hbm>>
      tpu.wait_dma2 semaphore(%run_scoped3A : memref<!tpu.dma_semaphore, #tpu.memory_space<semaphore_mem>>) src(%arg13 : memref<320x128xf32, #tpu.memory_space<vmem>>) dst(%dma_wait3A_447 : memref<320x128xf32, #tpu.memory_space<hbm>>)
      tpu.yield
    }) : () -> ()
    %dma_start3A_392 = arith.constant 9 : i32
    %dma_start3A_393 = arith.constant 0 : i32
    %dma_start3A_394 = tpu.memref_slice %arg11[%dma_start3A_392, %dma_start3A_393] : memref<12x320xi32, #tpu.memory_space<vmem>> -> memref<1x320xi32, #tpu.memory_space<vmem>>
    %dma_start3A_395 = tpu.memref_squeeze %dma_start3A_394 : memref<1x320xi32, #tpu.memory_space<vmem>> -> memref<320xi32, #tpu.memory_space<vmem>>
    %dma_start3A_396 = arith.constant 0 : i32
    %dma_start3A_397 = arith.constant 0 : i32
    %dma_start3A_398 = tpu.memref_slice %arg2[%dma_start3A_396, %dma_start3A_397] : memref<100000x128xf32, #tpu.memory_space<hbm>> -> memref<100000x128xf32, #tpu.memory_space<hbm>>
    tpu.enqueue_indirect_dma source(%dma_start3A_398 : memref<100000x128xf32, #tpu.memory_space<hbm>>) target(%arg13 : memref<320x128xf32, #tpu.memory_space<vmem>>) offsets(%dma_start3A_395 : memref<320xi32, #tpu.memory_space<vmem>>) semaphore(%arg14 : memref<!tpu.dma_semaphore, #tpu.memory_space<semaphore_mem>>)
    %dma_wait3A_399 = arith.constant 9 : i32
    %dma_wait3A_400 = arith.constant 0 : i32
    %dma_wait3A_401 = tpu.memref_slice %arg11[%dma_wait3A_399, %dma_wait3A_400] : memref<12x320xi32, #tpu.memory_space<vmem>> -> memref<1x320xi32, #tpu.memory_space<vmem>>
    %dma_wait3A_402 = tpu.memref_squeeze %dma_wait3A_401 : memref<1x320xi32, #tpu.memory_space<vmem>> -> memref<320xi32, #tpu.memory_space<vmem>>
    %dma_wait3A_403 = arith.constant 0 : i32
    %dma_wait3A_404 = arith.constant 0 : i32
    %dma_wait3A_405 = tpu.memref_slice %arg2[%dma_wait3A_403, %dma_wait3A_404] : memref<100000x128xf32, #tpu.memory_space<hbm>> -> memref<100000x128xf32, #tpu.memory_space<hbm>>
    tpu.wait_indirect_dma semaphore(%arg14 : memref<!tpu.dma_semaphore, #tpu.memory_space<semaphore_mem>>) src(%dma_wait3A_405 : memref<100000x128xf32, #tpu.memory_space<hbm>>) dst(%arg13 : memref<320x128xf32, #tpu.memory_space<vmem>>)
    %add3A_406 = arith.constant 184320 : i32
    %add3A_407 = arith.addi %add3A_406, %add3A_222 : i32
    "tpu.region"() ({
      %run_scoped3A = tpu.sem_alloc : memref<!tpu.dma_semaphore, #tpu.memory_space<semaphore_mem>>
      %dma_start3A_440 = arith.constant 0 : i32
      %dma_start3A_441 = tpu.memref_slice %arg9[%add3A_407, %dma_start3A_440] : memref<245760x128xf32, #tpu.memory_space<hbm>> -> memref<320x128xf32, #tpu.memory_space<hbm>>
      %dma_start3A_442 = arith.constant 0 : i32
      %dma_start3A_443 = tpu.memref_slice %arg9[%add3A_407, %dma_start3A_442] : memref<245760x128xf32, #tpu.memory_space<hbm>> -> memref<320x128xf32, #tpu.memory_space<hbm>>
      tpu.enqueue_dma source(%arg13 : memref<320x128xf32, #tpu.memory_space<vmem>>) target(%dma_start3A_443 : memref<320x128xf32, #tpu.memory_space<hbm>>) target_semaphore(%run_scoped3A : memref<!tpu.dma_semaphore, #tpu.memory_space<semaphore_mem>>)
      %dma_wait3A_444 = arith.constant 0 : i32
      %dma_wait3A_445 = tpu.memref_slice %arg9[%add3A_407, %dma_wait3A_444] : memref<245760x128xf32, #tpu.memory_space<hbm>> -> memref<320x128xf32, #tpu.memory_space<hbm>>
      %dma_wait3A_446 = arith.constant 0 : i32
      %dma_wait3A_447 = tpu.memref_slice %arg9[%add3A_407, %dma_wait3A_446] : memref<245760x128xf32, #tpu.memory_space<hbm>> -> memref<320x128xf32, #tpu.memory_space<hbm>>
      tpu.wait_dma2 semaphore(%run_scoped3A : memref<!tpu.dma_semaphore, #tpu.memory_space<semaphore_mem>>) src(%arg13 : memref<320x128xf32, #tpu.memory_space<vmem>>) dst(%dma_wait3A_447 : memref<320x128xf32, #tpu.memory_space<hbm>>)
      tpu.yield
    }) : () -> ()
    %dma_start3A_408 = arith.constant 10 : i32
    %dma_start3A_409 = arith.constant 0 : i32
    %dma_start3A_410 = tpu.memref_slice %arg11[%dma_start3A_408, %dma_start3A_409] : memref<12x320xi32, #tpu.memory_space<vmem>> -> memref<1x320xi32, #tpu.memory_space<vmem>>
    %dma_start3A_411 = tpu.memref_squeeze %dma_start3A_410 : memref<1x320xi32, #tpu.memory_space<vmem>> -> memref<320xi32, #tpu.memory_space<vmem>>
    %dma_start3A_412 = arith.constant 0 : i32
    %dma_start3A_413 = arith.constant 0 : i32
    %dma_start3A_414 = tpu.memref_slice %arg2[%dma_start3A_412, %dma_start3A_413] : memref<100000x128xf32, #tpu.memory_space<hbm>> -> memref<100000x128xf32, #tpu.memory_space<hbm>>
    tpu.enqueue_indirect_dma source(%dma_start3A_414 : memref<100000x128xf32, #tpu.memory_space<hbm>>) target(%arg13 : memref<320x128xf32, #tpu.memory_space<vmem>>) offsets(%dma_start3A_411 : memref<320xi32, #tpu.memory_space<vmem>>) semaphore(%arg14 : memref<!tpu.dma_semaphore, #tpu.memory_space<semaphore_mem>>)
    %dma_wait3A_415 = arith.constant 10 : i32
    %dma_wait3A_416 = arith.constant 0 : i32
    %dma_wait3A_417 = tpu.memref_slice %arg11[%dma_wait3A_415, %dma_wait3A_416] : memref<12x320xi32, #tpu.memory_space<vmem>> -> memref<1x320xi32, #tpu.memory_space<vmem>>
    %dma_wait3A_418 = tpu.memref_squeeze %dma_wait3A_417 : memref<1x320xi32, #tpu.memory_space<vmem>> -> memref<320xi32, #tpu.memory_space<vmem>>
    %dma_wait3A_419 = arith.constant 0 : i32
    %dma_wait3A_420 = arith.constant 0 : i32
    %dma_wait3A_421 = tpu.memref_slice %arg2[%dma_wait3A_419, %dma_wait3A_420] : memref<100000x128xf32, #tpu.memory_space<hbm>> -> memref<100000x128xf32, #tpu.memory_space<hbm>>
    tpu.wait_indirect_dma semaphore(%arg14 : memref<!tpu.dma_semaphore, #tpu.memory_space<semaphore_mem>>) src(%dma_wait3A_421 : memref<100000x128xf32, #tpu.memory_space<hbm>>) dst(%arg13 : memref<320x128xf32, #tpu.memory_space<vmem>>)
    %add3A_422 = arith.constant 204800 : i32
    %add3A_423 = arith.addi %add3A_422, %add3A_222 : i32
    "tpu.region"() ({
      %run_scoped3A = tpu.sem_alloc : memref<!tpu.dma_semaphore, #tpu.memory_space<semaphore_mem>>
      %dma_start3A_440 = arith.constant 0 : i32
      %dma_start3A_441 = tpu.memref_slice %arg9[%add3A_423, %dma_start3A_440] : memref<245760x128xf32, #tpu.memory_space<hbm>> -> memref<320x128xf32, #tpu.memory_space<hbm>>
      %dma_start3A_442 = arith.constant 0 : i32
      %dma_start3A_443 = tpu.memref_slice %arg9[%add3A_423, %dma_start3A_442] : memref<245760x128xf32, #tpu.memory_space<hbm>> -> memref<320x128xf32, #tpu.memory_space<hbm>>
      tpu.enqueue_dma source(%arg13 : memref<320x128xf32, #tpu.memory_space<vmem>>) target(%dma_start3A_443 : memref<320x128xf32, #tpu.memory_space<hbm>>) target_semaphore(%run_scoped3A : memref<!tpu.dma_semaphore, #tpu.memory_space<semaphore_mem>>)
      %dma_wait3A_444 = arith.constant 0 : i32
      %dma_wait3A_445 = tpu.memref_slice %arg9[%add3A_423, %dma_wait3A_444] : memref<245760x128xf32, #tpu.memory_space<hbm>> -> memref<320x128xf32, #tpu.memory_space<hbm>>
      %dma_wait3A_446 = arith.constant 0 : i32
      %dma_wait3A_447 = tpu.memref_slice %arg9[%add3A_423, %dma_wait3A_446] : memref<245760x128xf32, #tpu.memory_space<hbm>> -> memref<320x128xf32, #tpu.memory_space<hbm>>
      tpu.wait_dma2 semaphore(%run_scoped3A : memref<!tpu.dma_semaphore, #tpu.memory_space<semaphore_mem>>) src(%arg13 : memref<320x128xf32, #tpu.memory_space<vmem>>) dst(%dma_wait3A_447 : memref<320x128xf32, #tpu.memory_space<hbm>>)
      tpu.yield
    }) : () -> ()
    %dma_start3A_424 = arith.constant 11 : i32
    %dma_start3A_425 = arith.constant 0 : i32
    %dma_start3A_426 = tpu.memref_slice %arg11[%dma_start3A_424, %dma_start3A_425] : memref<12x320xi32, #tpu.memory_space<vmem>> -> memref<1x320xi32, #tpu.memory_space<vmem>>
    %dma_start3A_427 = tpu.memref_squeeze %dma_start3A_426 : memref<1x320xi32, #tpu.memory_space<vmem>> -> memref<320xi32, #tpu.memory_space<vmem>>
    %dma_start3A_428 = arith.constant 0 : i32
    %dma_start3A_429 = arith.constant 0 : i32
    %dma_start3A_430 = tpu.memref_slice %arg2[%dma_start3A_428, %dma_start3A_429] : memref<100000x128xf32, #tpu.memory_space<hbm>> -> memref<100000x128xf32, #tpu.memory_space<hbm>>
    tpu.enqueue_indirect_dma source(%dma_start3A_430 : memref<100000x128xf32, #tpu.memory_space<hbm>>) target(%arg13 : memref<320x128xf32, #tpu.memory_space<vmem>>) offsets(%dma_start3A_427 : memref<320xi32, #tpu.memory_space<vmem>>) semaphore(%arg14 : memref<!tpu.dma_semaphore, #tpu.memory_space<semaphore_mem>>)
    %dma_wait3A_431 = arith.constant 11 : i32
    %dma_wait3A_432 = arith.constant 0 : i32
    %dma_wait3A_433 = tpu.memref_slice %arg11[%dma_wait3A_431, %dma_wait3A_432] : memref<12x320xi32, #tpu.memory_space<vmem>> -> memref<1x320xi32, #tpu.memory_space<vmem>>
    %dma_wait3A_434 = tpu.memref_squeeze %dma_wait3A_433 : memref<1x320xi32, #tpu.memory_space<vmem>> -> memref<320xi32, #tpu.memory_space<vmem>>
    %dma_wait3A_435 = arith.constant 0 : i32
    %dma_wait3A_436 = arith.constant 0 : i32
    %dma_wait3A_437 = tpu.memref_slice %arg2[%dma_wait3A_435, %dma_wait3A_436] : memref<100000x128xf32, #tpu.memory_space<hbm>> -> memref<100000x128xf32, #tpu.memory_space<hbm>>
    tpu.wait_indirect_dma semaphore(%arg14 : memref<!tpu.dma_semaphore, #tpu.memory_space<semaphore_mem>>) src(%dma_wait3A_437 : memref<100000x128xf32, #tpu.memory_space<hbm>>) dst(%arg13 : memref<320x128xf32, #tpu.memory_space<vmem>>)
    %add3A_438 = arith.constant 225280 : i32
    %add3A_439 = arith.addi %add3A_438, %add3A_222 : i32
    "tpu.region"() ({
      %run_scoped3A = tpu.sem_alloc : memref<!tpu.dma_semaphore, #tpu.memory_space<semaphore_mem>>
      %dma_start3A_440 = arith.constant 0 : i32
      %dma_start3A_441 = tpu.memref_slice %arg9[%add3A_439, %dma_start3A_440] : memref<245760x128xf32, #tpu.memory_space<hbm>> -> memref<320x128xf32, #tpu.memory_space<hbm>>
      %dma_start3A_442 = arith.constant 0 : i32
      %dma_start3A_443 = tpu.memref_slice %arg9[%add3A_439, %dma_start3A_442] : memref<245760x128xf32, #tpu.memory_space<hbm>> -> memref<320x128xf32, #tpu.memory_space<hbm>>
      tpu.enqueue_dma source(%arg13 : memref<320x128xf32, #tpu.memory_space<vmem>>) target(%dma_start3A_443 : memref<320x128xf32, #tpu.memory_space<hbm>>) target_semaphore(%run_scoped3A : memref<!tpu.dma_semaphore, #tpu.memory_space<semaphore_mem>>)
      %dma_wait3A_444 = arith.constant 0 : i32
      %dma_wait3A_445 = tpu.memref_slice %arg9[%add3A_439, %dma_wait3A_444] : memref<245760x128xf32, #tpu.memory_space<hbm>> -> memref<320x128xf32, #tpu.memory_space<hbm>>
      %dma_wait3A_446 = arith.constant 0 : i32
      %dma_wait3A_447 = tpu.memref_slice %arg9[%add3A_439, %dma_wait3A_446] : memref<245760x128xf32, #tpu.memory_space<hbm>> -> memref<320x128xf32, #tpu.memory_space<hbm>>
      tpu.wait_dma2 semaphore(%run_scoped3A : memref<!tpu.dma_semaphore, #tpu.memory_space<semaphore_mem>>) src(%arg13 : memref<320x128xf32, #tpu.memory_space<vmem>>) dst(%dma_wait3A_447 : memref<320x128xf32, #tpu.memory_space<hbm>>)
      tpu.yield
    }) : () -> ()
    return
  }
}

#map = affine_map<(d0, d1) -> (0, 0)>
#map1 = affine_map<(d0, d1) -> (0)>
module attributes {stable_mosaic.version = 14 : i64} {
  func.func @k(%arg0: i32, %arg1: i32, %arg2: memref<20480x128xf32, #tpu.memory_space<hbm>>, %arg3: memref<20480xi32, #tpu.memory_space<hbm>>, %arg4: memref<20480x128xf32, #tpu.memory_space<hbm>>, %arg5: memref<640xi32, #tpu.memory_space<vmem>>, %arg6: memref<640x128xf32, #tpu.memory_space<vmem>>, %arg7: memref<!tpu.dma_semaphore, #tpu.memory_space<semaphore_mem>>) attributes {dimension_semantics = [#tpu.dimension_semantics<core_parallel>, #tpu.dimension_semantics<subcore_parallel>], iteration_bounds = array<i64: 2, 16>, scalar_prefetch = 0 : i64, scratch_operands = 3 : i64, tpu.core_type = #tpu.core_type<sc_vector_subcore>, window_params = [{transform_indices = #map}, {transform_indices = #map1}, {transform_indices = #map}]} {
    %mul3A = arith.constant 2 : i32
    %mul3A_0 = arith.muli %arg1, %mul3A : i32
    %add3A = arith.addi %mul3A_0, %arg0 : i32
    %mul3A_1 = arith.constant 640 : i32
    %mul3A_2 = arith.muli %add3A, %mul3A_1 : i32
    "tpu.region"() ({
      %run_scoped3A = tpu.sem_alloc : memref<!tpu.dma_semaphore, #tpu.memory_space<semaphore_mem>>
      %dma_start3A_7 = tpu.memref_slice %arg3[%mul3A_2] : memref<20480xi32, #tpu.memory_space<hbm>> -> memref<640xi32, #tpu.memory_space<hbm>>
      %dma_start3A_8 = tpu.memref_slice %arg3[%mul3A_2] : memref<20480xi32, #tpu.memory_space<hbm>> -> memref<640xi32, #tpu.memory_space<hbm>>
      tpu.enqueue_dma source(%dma_start3A_8 : memref<640xi32, #tpu.memory_space<hbm>>) target(%arg5 : memref<640xi32, #tpu.memory_space<vmem>>) target_semaphore(%run_scoped3A : memref<!tpu.dma_semaphore, #tpu.memory_space<semaphore_mem>>)
      %dma_wait3A_9 = tpu.memref_slice %arg3[%mul3A_2] : memref<20480xi32, #tpu.memory_space<hbm>> -> memref<640xi32, #tpu.memory_space<hbm>>
      %dma_wait3A_10 = tpu.memref_slice %arg3[%mul3A_2] : memref<20480xi32, #tpu.memory_space<hbm>> -> memref<640xi32, #tpu.memory_space<hbm>>
      tpu.wait_dma2 semaphore(%run_scoped3A : memref<!tpu.dma_semaphore, #tpu.memory_space<semaphore_mem>>) src(%dma_wait3A_10 : memref<640xi32, #tpu.memory_space<hbm>>) dst(%arg5 : memref<640xi32, #tpu.memory_space<vmem>>)
      tpu.yield
    }) : () -> ()
    %dma_start3A = arith.constant 0 : i32
    %dma_start3A_3 = arith.constant 0 : i32
    %dma_start3A_4 = tpu.memref_slice %arg2[%dma_start3A, %dma_start3A_3] : memref<20480x128xf32, #tpu.memory_space<hbm>> -> memref<20480x128xf32, #tpu.memory_space<hbm>>
    tpu.enqueue_indirect_dma source(%dma_start3A_4 : memref<20480x128xf32, #tpu.memory_space<hbm>>) target(%arg6 : memref<640x128xf32, #tpu.memory_space<vmem>>) offsets(%arg5 : memref<640xi32, #tpu.memory_space<vmem>>) semaphore(%arg7 : memref<!tpu.dma_semaphore, #tpu.memory_space<semaphore_mem>>)
    %dma_wait3A = arith.constant 0 : i32
    %dma_wait3A_5 = arith.constant 0 : i32
    %dma_wait3A_6 = tpu.memref_slice %arg2[%dma_wait3A, %dma_wait3A_5] : memref<20480x128xf32, #tpu.memory_space<hbm>> -> memref<20480x128xf32, #tpu.memory_space<hbm>>
    tpu.wait_indirect_dma semaphore(%arg7 : memref<!tpu.dma_semaphore, #tpu.memory_space<semaphore_mem>>) src(%dma_wait3A_6 : memref<20480x128xf32, #tpu.memory_space<hbm>>) dst(%arg6 : memref<640x128xf32, #tpu.memory_space<vmem>>)
    "tpu.region"() ({
      %run_scoped3A = tpu.sem_alloc : memref<!tpu.dma_semaphore, #tpu.memory_space<semaphore_mem>>
      %dma_start3A_7 = arith.constant 0 : i32
      %dma_start3A_8 = tpu.memref_slice %arg4[%mul3A_2, %dma_start3A_7] : memref<20480x128xf32, #tpu.memory_space<hbm>> -> memref<640x128xf32, #tpu.memory_space<hbm>>
      %dma_start3A_9 = arith.constant 0 : i32
      %dma_start3A_10 = tpu.memref_slice %arg4[%mul3A_2, %dma_start3A_9] : memref<20480x128xf32, #tpu.memory_space<hbm>> -> memref<640x128xf32, #tpu.memory_space<hbm>>
      tpu.enqueue_dma source(%arg6 : memref<640x128xf32, #tpu.memory_space<vmem>>) target(%dma_start3A_10 : memref<640x128xf32, #tpu.memory_space<hbm>>) target_semaphore(%run_scoped3A : memref<!tpu.dma_semaphore, #tpu.memory_space<semaphore_mem>>)
      %dma_wait3A_11 = arith.constant 0 : i32
      %dma_wait3A_12 = tpu.memref_slice %arg4[%mul3A_2, %dma_wait3A_11] : memref<20480x128xf32, #tpu.memory_space<hbm>> -> memref<640x128xf32, #tpu.memory_space<hbm>>
      %dma_wait3A_13 = arith.constant 0 : i32
      %dma_wait3A_14 = tpu.memref_slice %arg4[%mul3A_2, %dma_wait3A_13] : memref<20480x128xf32, #tpu.memory_space<hbm>> -> memref<640x128xf32, #tpu.memory_space<hbm>>
      tpu.wait_dma2 semaphore(%run_scoped3A : memref<!tpu.dma_semaphore, #tpu.memory_space<semaphore_mem>>) src(%arg6 : memref<640x128xf32, #tpu.memory_space<vmem>>) dst(%dma_wait3A_14 : memref<640x128xf32, #tpu.memory_space<hbm>>)
      tpu.yield
    }) : () -> ()
    return
  }
}

module attributes {stable_mosaic.version = 14 : i64} {
  func.func @body(%arg0: i32, %arg1: memref<160x128xf32, #tpu.memory_space<vmem>>, %arg2: memref<160x128xf32, #tpu.memory_space<vmem>>, %arg3: memref<160x128xi32, #tpu.memory_space<vmem>>, %arg4: memref<12x160x128xf32, #tpu.memory_space<vmem>>, %arg5: memref<1x8x20x20xi32, #tpu.memory_space<vmem>>, %arg6: memref<8x20xf32, #tpu.memory_space<vmem>>, %arg7: memref<4x128xf32, #tpu.memory_space<vmem>>, %arg8: memref<128x128xf32, #tpu.memory_space<vmem>>, %arg9: memref<1x128xf32, #tpu.memory_space<vmem>>, %arg10: memref<128x1xf32, #tpu.memory_space<vmem>>, %arg11: memref<128x128xf32, #tpu.memory_space<vmem>>, %arg12: memref<128x128xf32, #tpu.memory_space<vmem>>, %arg13: memref<8x20x128xf32, #tpu.memory_space<vmem>>, %arg14: memref<160x128xf32, #tpu.memory_space<vmem>>, %arg15: memref<160x128xf32, #tpu.memory_space<vmem>>, %arg16: memref<1x1xf32, #tpu.memory_space<vmem>>, %arg17: memref<8x128xf32, #tpu.memory_space<vmem>>) attributes {dimension_semantics = [#tpu.dimension_semantics<arbitrary>], iteration_bounds = array<i64: 128>, scalar_prefetch = 0 : i64, scratch_operands = 1 : i64, tpu.core_type = #tpu.core_type<tc>, window_params = [{transform_indices = @transform_0, window_bounds = array<i64: 160, 128>}, {transform_indices = @transform_1, window_bounds = array<i64: 160, 128>}, {transform_indices = @transform_2, window_bounds = array<i64: 160, 128>}, {transform_indices = @transform_3, window_bounds = array<i64: 12, 160, 128>}, {transform_indices = @transform_4, window_bounds = array<i64: 1, 8, 20, 20>}, {transform_indices = @transform_5, window_bounds = array<i64: 8, 20>}, {pipeline_mode = #tpu.pipeline_mode<synchronous>, transform_indices = @transform_6, window_bounds = array<i64: 4, 128>}, {pipeline_mode = #tpu.pipeline_mode<synchronous>, transform_indices = @transform_7, window_bounds = array<i64: 128, 128>}, {pipeline_mode = #tpu.pipeline_mode<synchronous>, transform_indices = @transform_8, window_bounds = array<i64: 1, 128>}, {pipeline_mode = #tpu.pipeline_mode<synchronous>, transform_indices = @transform_9, window_bounds = array<i64: 128, 1>}, {pipeline_mode = #tpu.pipeline_mode<synchronous>, transform_indices = @transform_10, window_bounds = array<i64: 128, 128>}, {pipeline_mode = #tpu.pipeline_mode<synchronous>, transform_indices = @transform_11, window_bounds = array<i64: 128, 128>}, {transform_indices = @transform_12, window_bounds = array<i64: 8, 20, 128>}, {transform_indices = @transform_13, window_bounds = array<i64: 160, 128>}, {transform_indices = @transform_14, window_bounds = array<i64: 160, 128>}, {pipeline_mode = #tpu.pipeline_mode<synchronous>, transform_indices = @transform_15, window_bounds = array<i64: 1, 1>}]} {
    %get3A = arith.constant 0 : index
    %get3A_0 = arith.constant 0 : index
    %get3A_1 = vector.load %arg1[%get3A, %get3A_0] : memref<160x128xf32, #tpu.memory_space<vmem>>, vector<160x128xf32>
    %reshape3A = vector.shape_cast %get3A_1 : vector<160x128xf32> to vector<8x20x128xf32>
    %get3A_2 = arith.constant 0 : index
    %get3A_3 = arith.constant 0 : index
    %get3A_4 = vector.load %arg7[%get3A_2, %get3A_3] : memref<4x128xf32, #tpu.memory_space<vmem>>, vector<1x128xf32>
    %broadcast_in_dim3A = vector.shape_cast %get3A_4 : vector<1x128xf32> to vector<1x1x128xf32>
    %mul3A = vector.broadcast %broadcast_in_dim3A : vector<1x1x128xf32> to vector<8x20x128xf32>
    %mul3A_5 = arith.mulf %reshape3A, %mul3A : vector<8x20x128xf32>
    %get3A_6 = arith.constant 1 : index
    %get3A_7 = arith.constant 0 : index
    %get3A_8 = vector.load %arg7[%get3A_6, %get3A_7] : memref<4x128xf32, #tpu.memory_space<vmem>>, vector<1x128xf32>
    %broadcast_in_dim3A_9 = vector.shape_cast %get3A_8 : vector<1x128xf32> to vector<1x1x128xf32>
    %mul3A_10 = vector.broadcast %broadcast_in_dim3A_9 : vector<1x1x128xf32> to vector<8x20x128xf32>
    %mul3A_11 = arith.mulf %reshape3A, %mul3A_10 : vector<8x20x128xf32>
    %get3A_12 = arith.constant 2 : index
    %get3A_13 = arith.constant 0 : index
    %get3A_14 = vector.load %arg7[%get3A_12, %get3A_13] : memref<4x128xf32, #tpu.memory_space<vmem>>, vector<1x128xf32>
    %broadcast_in_dim3A_15 = vector.shape_cast %get3A_14 : vector<1x128xf32> to vector<1x1x128xf32>
    %mul3A_16 = vector.broadcast %broadcast_in_dim3A_15 : vector<1x1x128xf32> to vector<8x20x128xf32>
    %mul3A_17 = arith.mulf %reshape3A, %mul3A_16 : vector<8x20x128xf32>
    %get3A_18 = arith.constant 3 : index
    %get3A_19 = arith.constant 0 : index
    %get3A_20 = vector.load %arg7[%get3A_18, %get3A_19] : memref<4x128xf32, #tpu.memory_space<vmem>>, vector<1x128xf32>
    %broadcast_in_dim3A_21 = vector.shape_cast %get3A_20 : vector<1x128xf32> to vector<1x1x128xf32>
    %mul3A_22 = vector.broadcast %broadcast_in_dim3A_21 : vector<1x1x128xf32> to vector<8x20x128xf32>
    %mul3A_23 = arith.mulf %reshape3A, %mul3A_22 : vector<8x20x128xf32>
    %concatenate3A = tpu.concatenate %mul3A_5, %mul3A_11, %mul3A_17, %mul3A_23 in 1 : vector<8x20x128xf32>, vector<8x20x128xf32>, vector<8x20x128xf32>, vector<8x20x128xf32> -> vector<8x80x128xf32>
    %dot_general3A = arith.constant dense<0.000000e+00> : vector<8x80x20xf32>
    %dot_general3A_24 = tpu.matmul %concatenate3A, %reshape3A, %dot_general3A {dimension_numbers = #tpu.dot_dimension_numbers<[2], [2], [1], [1], [0, 0, 0, 1, 1, 1], [0], [0]>, transpose_lhs_hint = false} : vector<8x80x128xf32>, vector<8x20x128xf32>, vector<8x80x20xf32> -> vector<8x80x20xf32>
    %ge3A = arith.constant 0.000000e+00 : f32
    %ge3A_25 = vector.broadcast %ge3A : f32 to vector<8x80x20xf32>
    %ge3A_26 = arith.cmpf oge, %dot_general3A_24, %ge3A_25 : vector<8x80x20xf32>
    %mul3A_27 = arith.constant 2.000000e-01 : f32
    %mul3A_28 = vector.broadcast %mul3A_27 : f32 to vector<8x80x20xf32>
    %mul3A_29 = arith.mulf %mul3A_28, %dot_general3A_24 : vector<8x80x20xf32>
    %select_n3A = arith.select %ge3A_26, %dot_general3A_24, %mul3A_29 : vector<8x80x20xi1>, vector<8x80x20xf32>
    %get3A_30 = arith.constant 0 : index
    %get3A_31 = arith.constant 0 : index
    %get3A_32 = arith.constant 0 : index
    %get3A_33 = arith.constant 0 : index
    %get3A_34 = vector.load %arg5[%get3A_30, %get3A_31, %get3A_32, %get3A_33] : memref<1x8x20x20xi32, #tpu.memory_space<vmem>>, vector<1x8x20x20xi32>
    %get3A_35 = vector.shape_cast %get3A_34 : vector<1x8x20x20xi32> to vector<8x20x20xi32>
    %broadcast_in_dim3A_36 = arith.constant -9.000000e+15 : f32
    %broadcast_in_dim3A_37 = vector.broadcast %broadcast_in_dim3A_36 : f32 to vector<8x20x20xf32>
    %eq3A = arith.constant 1 : i32
    %eq3A_38 = vector.broadcast %eq3A : i32 to vector<8x20x20xi32>
    %eq3A_39 = arith.cmpi eq, %get3A_35, %eq3A_38 : vector<8x20x20xi32>
    %slice3A = vector.extract_strided_slice %select_n3A {offsets = [0, 0, 0], sizes = [8, 20, 20], strides = [1, 1, 1]} : vector<8x80x20xf32> to vector<8x20x20xf32>
    %select_n3A_40 = arith.select %eq3A_39, %slice3A, %broadcast_in_dim3A_37 : vector<8x20x20xi1>, vector<8x20x20xf32>
    %eq3A_41 = arith.constant 2 : i32
    %eq3A_42 = vector.broadcast %eq3A_41 : i32 to vector<8x20x20xi32>
    %eq3A_43 = arith.cmpi eq, %get3A_35, %eq3A_42 : vector<8x20x20xi32>
    %slice3A_44 = vector.extract_strided_slice %select_n3A {offsets = [0, 20, 0], sizes = [8, 20, 20], strides = [1, 1, 1]} : vector<8x80x20xf32> to vector<8x20x20xf32>
    %select_n3A_45 = arith.select %eq3A_43, %slice3A_44, %select_n3A_40 : vector<8x20x20xi1>, vector<8x20x20xf32>
    %eq3A_46 = arith.constant 3 : i32
    %eq3A_47 = vector.broadcast %eq3A_46 : i32 to vector<8x20x20xi32>
    %eq3A_48 = arith.cmpi eq, %get3A_35, %eq3A_47 : vector<8x20x20xi32>
    %slice3A_49 = vector.extract_strided_slice %select_n3A {offsets = [0, 40, 0], sizes = [8, 20, 20], strides = [1, 1, 1]} : vector<8x80x20xf32> to vector<8x20x20xf32>
    %select_n3A_50 = arith.select %eq3A_48, %slice3A_49, %select_n3A_45 : vector<8x20x20xi1>, vector<8x20x20xf32>
    %eq3A_51 = arith.constant 4 : i32
    %eq3A_52 = vector.broadcast %eq3A_51 : i32 to vector<8x20x20xi32>
    %eq3A_53 = arith.cmpi eq, %get3A_35, %eq3A_52 : vector<8x20x20xi32>
    %slice3A_54 = vector.extract_strided_slice %select_n3A {offsets = [0, 60, 0], sizes = [8, 20, 20], strides = [1, 1, 1]} : vector<8x80x20xf32> to vector<8x20x20xf32>
    %select_n3A_55 = arith.select %eq3A_53, %slice3A_54, %select_n3A_50 : vector<8x20x20xi1>, vector<8x20x20xf32>
    %reduce_max3A = arith.constant dense<0xFF800000> : vector<8x20xf32>
    %reduce_max3A_56 = vector.multi_reduction <maximumf>, %select_n3A_55, %reduce_max3A [2] : vector<8x20x20xf32> to vector<8x20xf32>
    %broadcast_in_dim3A_57 = vector.shape_cast %reduce_max3A_56 : vector<8x20xf32> to vector<8x20x1xf32>
    %sub3A = vector.broadcast %broadcast_in_dim3A_57 : vector<8x20x1xf32> to vector<8x20x20xf32>
    %sub3A_58 = arith.subf %select_n3A_55, %sub3A : vector<8x20x20xf32>
    %exp3A = math.exp %sub3A_58 : vector<8x20x20xf32>
    %reduce_sum3A = arith.constant dense<0.000000e+00> : vector<8x20xf32>
    %reduce_sum3A_59 = vector.multi_reduction <add>, %exp3A, %reduce_sum3A [2] : vector<8x20x20xf32> to vector<8x20xf32>
    %broadcast_in_dim3A_60 = vector.shape_cast %reduce_sum3A_59 : vector<8x20xf32> to vector<8x20x1xf32>
    %div3A = vector.broadcast %broadcast_in_dim3A_60 : vector<8x20x1xf32> to vector<8x20x20xf32>
    %div3A_61 = arith.divf %exp3A, %div3A : vector<8x20x20xf32>
    %dot_general3A_62 = arith.constant dense<0.000000e+00> : vector<8x20x128xf32>
    %dot_general3A_63 = tpu.matmul %div3A_61, %reshape3A, %dot_general3A_62 {dimension_numbers = #tpu.dot_dimension_numbers<[2], [1], [1], [2], [0, 0, 0, 1, 1, 2], [0], [0]>, transpose_lhs_hint = false} : vector<8x20x20xf32>, vector<8x20x128xf32>, vector<8x20x128xf32> -> vector<8x20x128xf32>
    %reshape3A_64 = vector.shape_cast %dot_general3A_63 : vector<8x20x128xf32> to vector<160x128xf32>
    %get3A_65 = arith.constant 0 : index
    %get3A_66 = arith.constant 0 : index
    %get3A_67 = vector.load %arg6[%get3A_65, %get3A_66] : memref<8x20xf32, #tpu.memory_space<vmem>>, vector<8x20xf32>
    %get3A_68 = arith.constant 0 : index
    %get3A_69 = arith.constant 0 : index
    %get3A_70 = vector.load %arg2[%get3A_68, %get3A_69] : memref<160x128xf32, #tpu.memory_space<vmem>>, vector<160x128xf32>
    %reshape3A_71 = vector.shape_cast %get3A_70 : vector<160x128xf32> to vector<8x20x128xf32>
    %broadcast_in_dim3A_72 = vector.shape_cast %get3A_67 : vector<8x20xf32> to vector<8x20x1xf32>
    %mul3A_73 = vector.broadcast %broadcast_in_dim3A_72 : vector<8x20x1xf32> to vector<8x20x128xf32>
    %mul3A_74 = arith.mulf %reshape3A_71, %mul3A_73 : vector<8x20x128xf32>
    %reduce_sum3A_75 = arith.constant dense<0.000000e+00> : vector<8x128xf32>
    %reduce_sum3A_76 = vector.multi_reduction <add>, %mul3A_74, %reduce_sum3A_75 [1] : vector<8x20x128xf32> to vector<8x128xf32>
    %reduce_sum3A_77 = arith.constant dense<0.000000e+00> : vector<8xf32>
    %reduce_sum3A_78 = vector.multi_reduction <add>, %get3A_67, %reduce_sum3A_77 [1] : vector<8x20xf32> to vector<8xf32>
    %broadcast_in_dim3A_79 = vector.shape_cast %reduce_sum3A_78 : vector<8xf32> to vector<8x1xf32>
    %div3A_80 = vector.broadcast %broadcast_in_dim3A_79 : vector<8x1xf32> to vector<8x128xf32>
    %div3A_81 = arith.divf %reduce_sum3A_76, %div3A_80 : vector<8x128xf32>
    %broadcast_in_dim3A_82 = vector.shape_cast %div3A_81 : vector<8x128xf32> to vector<8x1x128xf32>
    %broadcast_in_dim3A_83 = vector.shape_cast %broadcast_in_dim3A_82 : vector<8x1x128xf32> to vector<8x1x128xf32>
    %broadcast_in_dim3A_84 = vector.broadcast %broadcast_in_dim3A_83 : vector<8x1x128xf32> to vector<8x20x128xf32>
    %reshape3A_85 = vector.shape_cast %broadcast_in_dim3A_84 : vector<8x20x128xf32> to vector<160x128xf32>
    %get3A_86 = arith.constant 0 : index
    %get3A_87 = arith.constant 0 : index
    %get3A_88 = vector.load %arg9[%get3A_86, %get3A_87] : memref<1x128xf32, #tpu.memory_space<vmem>>, vector<1x128xf32>
    %get3A_89 = arith.constant 0 : index
    %get3A_90 = arith.constant 0 : index
    %get3A_91 = arith.constant 0 : index
    %get3A_92 = vector.load %arg4[%get3A_89, %get3A_90, %get3A_91] : memref<12x160x128xf32, #tpu.memory_space<vmem>>, vector<12x160x128xf32>
    %reshape3A_93 = vector.shape_cast %get3A_92 : vector<12x160x128xf32> to vector<1920x128xf32>
    %concatenate3A_94 = tpu.concatenate %reshape3A_85, %reshape3A_85, %reshape3A_85, %reshape3A_85, %reshape3A_85, %reshape3A_85, %reshape3A_85, %reshape3A_85, %reshape3A_85, %reshape3A_85, %reshape3A_85, %reshape3A_85 in 0 : vector<160x128xf32>, vector<160x128xf32>, vector<160x128xf32>, vector<160x128xf32>, vector<160x128xf32>, vector<160x128xf32>, vector<160x128xf32>, vector<160x128xf32>, vector<160x128xf32>, vector<160x128xf32>, vector<160x128xf32>, vector<160x128xf32> -> vector<1920x128xf32>
    %get3A_95 = arith.constant 0 : index
    %get3A_96 = arith.constant 12 : index
    %get3A_97 = vector.load %arg3[%get3A_95, %get3A_96] : memref<160x128xi32, #tpu.memory_space<vmem>>, vector<160x12xi32>
    %bitcast_convert_type3A = tpu.bitcast %get3A_97 : vector<160x12xi32> -> vector<160x12xf32>
    %slice3A_98 = vector.extract_strided_slice %bitcast_convert_type3A {offsets = [0, 0], sizes = [160, 1], strides = [1, 1]} : vector<160x12xf32> to vector<160x1xf32>
    %slice3A_99 = vector.extract_strided_slice %bitcast_convert_type3A {offsets = [0, 1], sizes = [160, 1], strides = [1, 1]} : vector<160x12xf32> to vector<160x1xf32>
    %slice3A_100 = vector.extract_strided_slice %bitcast_convert_type3A {offsets = [0, 2], sizes = [160, 1], strides = [1, 1]} : vector<160x12xf32> to vector<160x1xf32>
    %slice3A_101 = vector.extract_strided_slice %bitcast_convert_type3A {offsets = [0, 3], sizes = [160, 1], strides = [1, 1]} : vector<160x12xf32> to vector<160x1xf32>
    %slice3A_102 = vector.extract_strided_slice %bitcast_convert_type3A {offsets = [0, 4], sizes = [160, 1], strides = [1, 1]} : vector<160x12xf32> to vector<160x1xf32>
    %slice3A_103 = vector.extract_strided_slice %bitcast_convert_type3A {offsets = [0, 5], sizes = [160, 1], strides = [1, 1]} : vector<160x12xf32> to vector<160x1xf32>
    %slice3A_104 = vector.extract_strided_slice %bitcast_convert_type3A {offsets = [0, 6], sizes = [160, 1], strides = [1, 1]} : vector<160x12xf32> to vector<160x1xf32>
    %slice3A_105 = vector.extract_strided_slice %bitcast_convert_type3A {offsets = [0, 7], sizes = [160, 1], strides = [1, 1]} : vector<160x12xf32> to vector<160x1xf32>
    %slice3A_106 = vector.extract_strided_slice %bitcast_convert_type3A {offsets = [0, 8], sizes = [160, 1], strides = [1, 1]} : vector<160x12xf32> to vector<160x1xf32>
    %slice3A_107 = vector.extract_strided_slice %bitcast_convert_type3A {offsets = [0, 9], sizes = [160, 1], strides = [1, 1]} : vector<160x12xf32> to vector<160x1xf32>
    %slice3A_108 = vector.extract_strided_slice %bitcast_convert_type3A {offsets = [0, 10], sizes = [160, 1], strides = [1, 1]} : vector<160x12xf32> to vector<160x1xf32>
    %slice3A_109 = vector.extract_strided_slice %bitcast_convert_type3A {offsets = [0, 11], sizes = [160, 1], strides = [1, 1]} : vector<160x12xf32> to vector<160x1xf32>
    %concatenate3A_110 = tpu.concatenate %slice3A_98, %slice3A_99, %slice3A_100, %slice3A_101, %slice3A_102, %slice3A_103, %slice3A_104, %slice3A_105, %slice3A_106, %slice3A_107, %slice3A_108, %slice3A_109 in 0 : vector<160x1xf32>, vector<160x1xf32>, vector<160x1xf32>, vector<160x1xf32>, vector<160x1xf32>, vector<160x1xf32>, vector<160x1xf32>, vector<160x1xf32>, vector<160x1xf32>, vector<160x1xf32>, vector<160x1xf32>, vector<160x1xf32> -> vector<1920x1xf32>
    %mul3A_111 = arith.mulf %concatenate3A_94, %reshape3A_93 : vector<1920x128xf32>
    %get3A_112 = arith.constant 0 : index
    %get3A_113 = arith.constant 0 : index
    %get3A_114 = vector.load %arg8[%get3A_112, %get3A_113] : memref<128x128xf32, #tpu.memory_space<vmem>>, vector<128x128xf32>
    %dot_general3A_115 = arith.constant dense<0.000000e+00> : vector<1920x128xf32>
    %dot_general3A_116 = tpu.matmul %mul3A_111, %get3A_114, %dot_general3A_115 {dimension_numbers = #tpu.dot_dimension_numbers<[1], [0], [0], [1], [0, 0, 1, 1], [], []>, transpose_lhs_hint = false} : vector<1920x128xf32>, vector<128x128xf32>, vector<1920x128xf32> -> vector<1920x128xf32>
    %mul3A_117 = vector.broadcast %concatenate3A_110 : vector<1920x1xf32> to vector<1920x128xf32>
    %mul3A_118 = vector.broadcast %get3A_88 : vector<1x128xf32> to vector<1920x128xf32>
    %mul3A_119 = arith.mulf %mul3A_117, %mul3A_118 : vector<1920x128xf32>
    %add3A = arith.addf %dot_general3A_116, %mul3A_119 : vector<1920x128xf32>
    %ge3A_120 = arith.constant 0.000000e+00 : f32
    %ge3A_121 = vector.broadcast %ge3A_120 : f32 to vector<1920x128xf32>
    %ge3A_122 = arith.cmpf oge, %add3A, %ge3A_121 : vector<1920x128xf32>
    %mul3A_123 = arith.constant 2.000000e-01 : f32
    %mul3A_124 = vector.broadcast %mul3A_123 : f32 to vector<1920x128xf32>
    %mul3A_125 = arith.mulf %mul3A_124, %add3A : vector<1920x128xf32>
    %select_n3A_126 = arith.select %ge3A_122, %add3A, %mul3A_125 : vector<1920x128xi1>, vector<1920x128xf32>
    %get3A_127 = arith.constant 0 : index
    %get3A_128 = arith.constant 0 : index
    %get3A_129 = vector.load %arg10[%get3A_127, %get3A_128] : memref<128x1xf32, #tpu.memory_space<vmem>>, vector<128x1xf32>
    %dot_general3A_130 = arith.constant dense<0.000000e+00> : vector<1920x1xf32>
    %dot_general3A_131 = tpu.matmul %select_n3A_126, %get3A_129, %dot_general3A_130 {dimension_numbers = #tpu.dot_dimension_numbers<[1], [0], [0], [1], [0, 0, 1, 1], [], []>, transpose_lhs_hint = false} : vector<1920x128xf32>, vector<128x1xf32>, vector<1920x1xf32> -> vector<1920x1xf32>
    %slice3A_132 = vector.extract_strided_slice %dot_general3A_131 {offsets = [0, 0], sizes = [160, 1], strides = [1, 1]} : vector<1920x1xf32> to vector<160x1xf32>
    %slice3A_133 = vector.extract_strided_slice %dot_general3A_131 {offsets = [160, 0], sizes = [160, 1], strides = [1, 1]} : vector<1920x1xf32> to vector<160x1xf32>
    %slice3A_134 = vector.extract_strided_slice %dot_general3A_131 {offsets = [320, 0], sizes = [160, 1], strides = [1, 1]} : vector<1920x1xf32> to vector<160x1xf32>
    %slice3A_135 = vector.extract_strided_slice %dot_general3A_131 {offsets = [480, 0], sizes = [160, 1], strides = [1, 1]} : vector<1920x1xf32> to vector<160x1xf32>
    %slice3A_136 = vector.extract_strided_slice %dot_general3A_131 {offsets = [640, 0], sizes = [160, 1], strides = [1, 1]} : vector<1920x1xf32> to vector<160x1xf32>
    %slice3A_137 = vector.extract_strided_slice %dot_general3A_131 {offsets = [800, 0], sizes = [160, 1], strides = [1, 1]} : vector<1920x1xf32> to vector<160x1xf32>
    %slice3A_138 = vector.extract_strided_slice %dot_general3A_131 {offsets = [960, 0], sizes = [160, 1], strides = [1, 1]} : vector<1920x1xf32> to vector<160x1xf32>
    %slice3A_139 = vector.extract_strided_slice %dot_general3A_131 {offsets = [1120, 0], sizes = [160, 1], strides = [1, 1]} : vector<1920x1xf32> to vector<160x1xf32>
    %slice3A_140 = vector.extract_strided_slice %dot_general3A_131 {offsets = [1280, 0], sizes = [160, 1], strides = [1, 1]} : vector<1920x1xf32> to vector<160x1xf32>
    %slice3A_141 = vector.extract_strided_slice %dot_general3A_131 {offsets = [1440, 0], sizes = [160, 1], strides = [1, 1]} : vector<1920x1xf32> to vector<160x1xf32>
    %slice3A_142 = vector.extract_strided_slice %dot_general3A_131 {offsets = [1600, 0], sizes = [160, 1], strides = [1, 1]} : vector<1920x1xf32> to vector<160x1xf32>
    %slice3A_143 = vector.extract_strided_slice %dot_general3A_131 {offsets = [1760, 0], sizes = [160, 1], strides = [1, 1]} : vector<1920x1xf32> to vector<160x1xf32>
    %max3A = arith.maximumf %slice3A_132, %slice3A_133 : vector<160x1xf32>
    %max3A_144 = arith.maximumf %max3A, %slice3A_134 : vector<160x1xf32>
    %max3A_145 = arith.maximumf %max3A_144, %slice3A_135 : vector<160x1xf32>
    %max3A_146 = arith.maximumf %max3A_145, %slice3A_136 : vector<160x1xf32>
    %max3A_147 = arith.maximumf %max3A_146, %slice3A_137 : vector<160x1xf32>
    %max3A_148 = arith.maximumf %max3A_147, %slice3A_138 : vector<160x1xf32>
    %max3A_149 = arith.maximumf %max3A_148, %slice3A_139 : vector<160x1xf32>
    %max3A_150 = arith.maximumf %max3A_149, %slice3A_140 : vector<160x1xf32>
    %max3A_151 = arith.maximumf %max3A_150, %slice3A_141 : vector<160x1xf32>
    %max3A_152 = arith.maximumf %max3A_151, %slice3A_142 : vector<160x1xf32>
    %max3A_153 = arith.maximumf %max3A_152, %slice3A_143 : vector<160x1xf32>
    %sub3A_154 = arith.subf %slice3A_132, %max3A_153 : vector<160x1xf32>
    %exp3A_155 = math.exp %sub3A_154 : vector<160x1xf32>
    %sub3A_156 = arith.subf %slice3A_133, %max3A_153 : vector<160x1xf32>
    %exp3A_157 = math.exp %sub3A_156 : vector<160x1xf32>
    %sub3A_158 = arith.subf %slice3A_134, %max3A_153 : vector<160x1xf32>
    %exp3A_159 = math.exp %sub3A_158 : vector<160x1xf32>
    %sub3A_160 = arith.subf %slice3A_135, %max3A_153 : vector<160x1xf32>
    %exp3A_161 = math.exp %sub3A_160 : vector<160x1xf32>
    %sub3A_162 = arith.subf %slice3A_136, %max3A_153 : vector<160x1xf32>
    %exp3A_163 = math.exp %sub3A_162 : vector<160x1xf32>
    %sub3A_164 = arith.subf %slice3A_137, %max3A_153 : vector<160x1xf32>
    %exp3A_165 = math.exp %sub3A_164 : vector<160x1xf32>
    %sub3A_166 = arith.subf %slice3A_138, %max3A_153 : vector<160x1xf32>
    %exp3A_167 = math.exp %sub3A_166 : vector<160x1xf32>
    %sub3A_168 = arith.subf %slice3A_139, %max3A_153 : vector<160x1xf32>
    %exp3A_169 = math.exp %sub3A_168 : vector<160x1xf32>
    %sub3A_170 = arith.subf %slice3A_140, %max3A_153 : vector<160x1xf32>
    %exp3A_171 = math.exp %sub3A_170 : vector<160x1xf32>
    %sub3A_172 = arith.subf %slice3A_141, %max3A_153 : vector<160x1xf32>
    %exp3A_173 = math.exp %sub3A_172 : vector<160x1xf32>
    %sub3A_174 = arith.subf %slice3A_142, %max3A_153 : vector<160x1xf32>
    %exp3A_175 = math.exp %sub3A_174 : vector<160x1xf32>
    %sub3A_176 = arith.subf %slice3A_143, %max3A_153 : vector<160x1xf32>
    %exp3A_177 = math.exp %sub3A_176 : vector<160x1xf32>
    %add3A_178 = arith.addf %exp3A_155, %exp3A_157 : vector<160x1xf32>
    %add3A_179 = arith.addf %add3A_178, %exp3A_159 : vector<160x1xf32>
    %add3A_180 = arith.addf %add3A_179, %exp3A_161 : vector<160x1xf32>
    %add3A_181 = arith.addf %add3A_180, %exp3A_163 : vector<160x1xf32>
    %add3A_182 = arith.addf %add3A_181, %exp3A_165 : vector<160x1xf32>
    %add3A_183 = arith.addf %add3A_182, %exp3A_167 : vector<160x1xf32>
    %add3A_184 = arith.addf %add3A_183, %exp3A_169 : vector<160x1xf32>
    %add3A_185 = arith.addf %add3A_184, %exp3A_171 : vector<160x1xf32>
    %add3A_186 = arith.addf %add3A_185, %exp3A_173 : vector<160x1xf32>
    %add3A_187 = arith.addf %add3A_186, %exp3A_175 : vector<160x1xf32>
    %add3A_188 = arith.addf %add3A_187, %exp3A_177 : vector<160x1xf32>
    %broadcast_in_dim3A_189 = arith.constant 0.000000e+00 : f32
    %broadcast_in_dim3A_190 = vector.broadcast %broadcast_in_dim3A_189 : f32 to vector<160x128xf32>
    %div3A_191 = arith.divf %exp3A_155, %add3A_188 : vector<160x1xf32>
    %slice3A_192 = vector.extract_strided_slice %reshape3A_93 {offsets = [0, 0], sizes = [160, 128], strides = [1, 1]} : vector<1920x128xf32> to vector<160x128xf32>
    %mul3A_193 = vector.broadcast %div3A_191 : vector<160x1xf32> to vector<160x128xf32>
    %mul3A_194 = arith.mulf %mul3A_193, %slice3A_192 : vector<160x128xf32>
    %add3A_195 = arith.addf %broadcast_in_dim3A_190, %mul3A_194 : vector<160x128xf32>
    %div3A_196 = arith.divf %exp3A_157, %add3A_188 : vector<160x1xf32>
    %slice3A_197 = vector.extract_strided_slice %reshape3A_93 {offsets = [160, 0], sizes = [160, 128], strides = [1, 1]} : vector<1920x128xf32> to vector<160x128xf32>
    %mul3A_198 = vector.broadcast %div3A_196 : vector<160x1xf32> to vector<160x128xf32>
    %mul3A_199 = arith.mulf %mul3A_198, %slice3A_197 : vector<160x128xf32>
    %add3A_200 = arith.addf %add3A_195, %mul3A_199 : vector<160x128xf32>
    %div3A_201 = arith.divf %exp3A_159, %add3A_188 : vector<160x1xf32>
    %slice3A_202 = vector.extract_strided_slice %reshape3A_93 {offsets = [320, 0], sizes = [160, 128], strides = [1, 1]} : vector<1920x128xf32> to vector<160x128xf32>
    %mul3A_203 = vector.broadcast %div3A_201 : vector<160x1xf32> to vector<160x128xf32>
    %mul3A_204 = arith.mulf %mul3A_203, %slice3A_202 : vector<160x128xf32>
    %add3A_205 = arith.addf %add3A_200, %mul3A_204 : vector<160x128xf32>
    %div3A_206 = arith.divf %exp3A_161, %add3A_188 : vector<160x1xf32>
    %slice3A_207 = vector.extract_strided_slice %reshape3A_93 {offsets = [480, 0], sizes = [160, 128], strides = [1, 1]} : vector<1920x128xf32> to vector<160x128xf32>
    %mul3A_208 = vector.broadcast %div3A_206 : vector<160x1xf32> to vector<160x128xf32>
    %mul3A_209 = arith.mulf %mul3A_208, %slice3A_207 : vector<160x128xf32>
    %add3A_210 = arith.addf %add3A_205, %mul3A_209 : vector<160x128xf32>
    %div3A_211 = arith.divf %exp3A_163, %add3A_188 : vector<160x1xf32>
    %slice3A_212 = vector.extract_strided_slice %reshape3A_93 {offsets = [640, 0], sizes = [160, 128], strides = [1, 1]} : vector<1920x128xf32> to vector<160x128xf32>
    %mul3A_213 = vector.broadcast %div3A_211 : vector<160x1xf32> to vector<160x128xf32>
    %mul3A_214 = arith.mulf %mul3A_213, %slice3A_212 : vector<160x128xf32>
    %add3A_215 = arith.addf %add3A_210, %mul3A_214 : vector<160x128xf32>
    %div3A_216 = arith.divf %exp3A_165, %add3A_188 : vector<160x1xf32>
    %slice3A_217 = vector.extract_strided_slice %reshape3A_93 {offsets = [800, 0], sizes = [160, 128], strides = [1, 1]} : vector<1920x128xf32> to vector<160x128xf32>
    %mul3A_218 = vector.broadcast %div3A_216 : vector<160x1xf32> to vector<160x128xf32>
    %mul3A_219 = arith.mulf %mul3A_218, %slice3A_217 : vector<160x128xf32>
    %add3A_220 = arith.addf %add3A_215, %mul3A_219 : vector<160x128xf32>
    %div3A_221 = arith.divf %exp3A_167, %add3A_188 : vector<160x1xf32>
    %slice3A_222 = vector.extract_strided_slice %reshape3A_93 {offsets = [960, 0], sizes = [160, 128], strides = [1, 1]} : vector<1920x128xf32> to vector<160x128xf32>
    %mul3A_223 = vector.broadcast %div3A_221 : vector<160x1xf32> to vector<160x128xf32>
    %mul3A_224 = arith.mulf %mul3A_223, %slice3A_222 : vector<160x128xf32>
    %add3A_225 = arith.addf %add3A_220, %mul3A_224 : vector<160x128xf32>
    %div3A_226 = arith.divf %exp3A_169, %add3A_188 : vector<160x1xf32>
    %slice3A_227 = vector.extract_strided_slice %reshape3A_93 {offsets = [1120, 0], sizes = [160, 128], strides = [1, 1]} : vector<1920x128xf32> to vector<160x128xf32>
    %mul3A_228 = vector.broadcast %div3A_226 : vector<160x1xf32> to vector<160x128xf32>
    %mul3A_229 = arith.mulf %mul3A_228, %slice3A_227 : vector<160x128xf32>
    %add3A_230 = arith.addf %add3A_225, %mul3A_229 : vector<160x128xf32>
    %div3A_231 = arith.divf %exp3A_171, %add3A_188 : vector<160x1xf32>
    %slice3A_232 = vector.extract_strided_slice %reshape3A_93 {offsets = [1280, 0], sizes = [160, 128], strides = [1, 1]} : vector<1920x128xf32> to vector<160x128xf32>
    %mul3A_233 = vector.broadcast %div3A_231 : vector<160x1xf32> to vector<160x128xf32>
    %mul3A_234 = arith.mulf %mul3A_233, %slice3A_232 : vector<160x128xf32>
    %add3A_235 = arith.addf %add3A_230, %mul3A_234 : vector<160x128xf32>
    %div3A_236 = arith.divf %exp3A_173, %add3A_188 : vector<160x1xf32>
    %slice3A_237 = vector.extract_strided_slice %reshape3A_93 {offsets = [1440, 0], sizes = [160, 128], strides = [1, 1]} : vector<1920x128xf32> to vector<160x128xf32>
    %mul3A_238 = vector.broadcast %div3A_236 : vector<160x1xf32> to vector<160x128xf32>
    %mul3A_239 = arith.mulf %mul3A_238, %slice3A_237 : vector<160x128xf32>
    %add3A_240 = arith.addf %add3A_235, %mul3A_239 : vector<160x128xf32>
    %div3A_241 = arith.divf %exp3A_175, %add3A_188 : vector<160x1xf32>
    %slice3A_242 = vector.extract_strided_slice %reshape3A_93 {offsets = [1600, 0], sizes = [160, 128], strides = [1, 1]} : vector<1920x128xf32> to vector<160x128xf32>
    %mul3A_243 = vector.broadcast %div3A_241 : vector<160x1xf32> to vector<160x128xf32>
    %mul3A_244 = arith.mulf %mul3A_243, %slice3A_242 : vector<160x128xf32>
    %add3A_245 = arith.addf %add3A_240, %mul3A_244 : vector<160x128xf32>
    %div3A_246 = arith.divf %exp3A_177, %add3A_188 : vector<160x1xf32>
    %slice3A_247 = vector.extract_strided_slice %reshape3A_93 {offsets = [1760, 0], sizes = [160, 128], strides = [1, 1]} : vector<1920x128xf32> to vector<160x128xf32>
    %mul3A_248 = vector.broadcast %div3A_246 : vector<160x1xf32> to vector<160x128xf32>
    %mul3A_249 = arith.mulf %mul3A_248, %slice3A_247 : vector<160x128xf32>
    %add3A_250 = arith.addf %add3A_245, %mul3A_249 : vector<160x128xf32>
    %get3A_251 = arith.constant 0 : index
    %get3A_252 = arith.constant 0 : index
    %get3A_253 = vector.load %arg11[%get3A_251, %get3A_252] : memref<128x128xf32, #tpu.memory_space<vmem>>, vector<128x128xf32>
    %dot_general3A_254 = arith.constant dense<0.000000e+00> : vector<160x128xf32>
    %dot_general3A_255 = tpu.matmul %get3A_1, %get3A_253, %dot_general3A_254 {dimension_numbers = #tpu.dot_dimension_numbers<[1], [0], [0], [1], [0, 0, 1, 1], [], []>, transpose_lhs_hint = false} : vector<160x128xf32>, vector<128x128xf32>, vector<160x128xf32> -> vector<160x128xf32>
    %get3A_256 = arith.constant 0 : index
    %get3A_257 = arith.constant 0 : index
    %get3A_258 = vector.load %arg12[%get3A_256, %get3A_257] : memref<128x128xf32, #tpu.memory_space<vmem>>, vector<128x128xf32>
    %dot_general3A_259 = arith.constant dense<0.000000e+00> : vector<160x128xf32>
    %dot_general3A_260 = tpu.matmul %add3A_250, %get3A_258, %dot_general3A_259 {dimension_numbers = #tpu.dot_dimension_numbers<[1], [0], [0], [1], [0, 0, 1, 1], [], []>, transpose_lhs_hint = false} : vector<160x128xf32>, vector<128x128xf32>, vector<160x128xf32> -> vector<160x128xf32>
    %add3A_261 = arith.addf %dot_general3A_255, %dot_general3A_260 : vector<160x128xf32>
    %max3A_262 = arith.constant 0.000000e+00 : f32
    %max3A_263 = vector.broadcast %max3A_262 : f32 to vector<160x128xf32>
    %max3A_264 = arith.maximumf %add3A_261, %max3A_263 : vector<160x128xf32>
    %add3A_265 = arith.addf %reshape3A_64, %max3A_264 : vector<160x128xf32>
    %reshape3A_266 = vector.shape_cast %add3A_265 : vector<160x128xf32> to vector<8x20x128xf32>
    %swap3A = arith.constant 0 : index
    %swap3A_267 = arith.constant 0 : index
    %swap3A_268 = arith.constant 0 : index
    %swap3A_269 = vector.load %arg13[%swap3A, %swap3A_267, %swap3A_268] : memref<8x20x128xf32, #tpu.memory_space<vmem>>, vector<8x20x128xf32>
    tpu.vector_store %arg13[%swap3A, %swap3A_267, %swap3A_268], %reshape3A_266 {strides = array<i32>} : memref<8x20x128xf32, #tpu.memory_space<vmem>>, vector<8x20x128xf32>,
    %swap3A_270 = arith.constant 0 : index
    %swap3A_271 = arith.constant 0 : index
    %swap3A_272 = vector.load %arg14[%swap3A_270, %swap3A_271] : memref<160x128xf32, #tpu.memory_space<vmem>>, vector<160x128xf32>
    tpu.vector_store %arg14[%swap3A_270, %swap3A_271], %reshape3A_64 {strides = array<i32>} : memref<160x128xf32, #tpu.memory_space<vmem>>, vector<160x128xf32>,
    %swap3A_273 = arith.constant 0 : index
    %swap3A_274 = arith.constant 0 : index
    %swap3A_275 = vector.load %arg15[%swap3A_273, %swap3A_274] : memref<160x128xf32, #tpu.memory_space<vmem>>, vector<160x128xf32>
    tpu.vector_store %arg15[%swap3A_273, %swap3A_274], %max3A_264 {strides = array<i32>} : memref<160x128xf32, #tpu.memory_space<vmem>>, vector<160x128xf32>,
    %eq3A_276 = arith.constant 0 : i32
    %eq3A_277 = arith.cmpi eq, %arg0, %eq3A_276 : i32
    %convert_element_type3A = arith.extui %eq3A_277 : i1 to i32
    %cond3A = arith.constant 0 : i32
    %cond3A_278 = arith.cmpi ne, %convert_element_type3A, %cond3A : i32
    scf.if %cond3A_278 {
      %broadcast_in_dim3A_310 = arith.constant 0.000000e+00 : f32
      %broadcast_in_dim3A_311 = vector.broadcast %broadcast_in_dim3A_310 : f32 to vector<8x128xf32>
      %swap3A_312 = arith.constant 0 : index
      %swap3A_313 = arith.constant 0 : index
      %swap3A_314 = vector.load %arg17[%swap3A_312, %swap3A_313] : memref<8x128xf32, #tpu.memory_space<vmem>>, vector<8x128xf32>
      tpu.vector_store %arg17[%swap3A_312, %swap3A_313], %broadcast_in_dim3A_311 {strides = array<i32>} : memref<8x128xf32, #tpu.memory_space<vmem>>, vector<8x128xf32>,
    } else {
    }
    %mul3A_279 = arith.mulf %reshape3A_64, %max3A_264 : vector<160x128xf32>
    %reshape3A_280 = vector.shape_cast %mul3A_279 : vector<160x128xf32> to vector<8x20x128xf32>
    %reduce_sum3A_281 = arith.constant dense<0.000000e+00> : vector<8x128xf32>
    %reduce_sum3A_282 = vector.multi_reduction <add>, %reshape3A_280, %reduce_sum3A_281 [1] : vector<8x20x128xf32> to vector<8x128xf32>
    %neg3A = arith.constant 0.000000e+00 : f32
    %neg3A_283 = vector.broadcast %neg3A : f32 to vector<8x128xf32>
    %neg3A_284 = arith.subf %neg3A_283, %reduce_sum3A_282 : vector<8x128xf32>
    %exp3A_285 = math.exp %neg3A_284 : vector<8x128xf32>
    %add3A_286 = arith.constant 1.000000e+00 : f32
    %add3A_287 = vector.broadcast %add3A_286 : f32 to vector<8x128xf32>
    %add3A_288 = arith.addf %add3A_287, %exp3A_285 : vector<8x128xf32>
    %div3A_289 = arith.constant 1.000000e+00 : f32
    %div3A_290 = vector.broadcast %div3A_289 : f32 to vector<8x128xf32>
    %div3A_291 = arith.divf %div3A_290, %add3A_288 : vector<8x128xf32>
    %get3A_292 = arith.constant 0 : index
    %get3A_293 = arith.constant 0 : index
    %get3A_294 = vector.load %arg17[%get3A_292, %get3A_293] : memref<8x128xf32, #tpu.memory_space<vmem>>, vector<8x128xf32>
    %add3A_295 = arith.constant 9.99999993E-9 : f32
    %add3A_296 = vector.broadcast %add3A_295 : f32 to vector<8x128xf32>
    %add3A_297 = arith.addf %add3A_296, %div3A_291 : vector<8x128xf32>
    %log3A = math.log %add3A_297 : vector<8x128xf32>
    %neg3A_298 = arith.constant 0.000000e+00 : f32
    %neg3A_299 = vector.broadcast %neg3A_298 : f32 to vector<8x128xf32>
    %neg3A_300 = arith.subf %neg3A_299, %log3A : vector<8x128xf32>
    %add3A_301 = arith.addf %get3A_294, %neg3A_300 : vector<8x128xf32>
    %swap3A_302 = arith.constant 0 : index
    %swap3A_303 = arith.constant 0 : index
    %swap3A_304 = vector.load %arg17[%swap3A_302, %swap3A_303] : memref<8x128xf32, #tpu.memory_space<vmem>>, vector<8x128xf32>
    tpu.vector_store %arg17[%swap3A_302, %swap3A_303], %add3A_301 {strides = array<i32>} : memref<8x128xf32, #tpu.memory_space<vmem>>, vector<8x128xf32>,
    %eq3A_305 = arith.constant 127 : i32
    %eq3A_306 = arith.cmpi eq, %arg0, %eq3A_305 : i32
    %convert_element_type3A_307 = arith.extui %eq3A_306 : i1 to i32
    %cond3A_308 = arith.constant 0 : i32
    %cond3A_309 = arith.cmpi ne, %convert_element_type3A_307, %cond3A_308 : i32
    scf.if %cond3A_309 {
      %get3A_310 = arith.constant 0 : index
      %get3A_311 = arith.constant 0 : index
      %get3A_312 = vector.load %arg17[%get3A_310, %get3A_311] : memref<8x128xf32, #tpu.memory_space<vmem>>, vector<8x128xf32>
      %reduce_sum3A_313 = vector.shape_cast %get3A_312 : vector<8x128xf32> to vector<1x8x128xf32>
      %reduce_sum3A_314 = arith.constant dense<0.000000e+00> : vector<1xf32>
      %reduce_sum3A_315 = vector.multi_reduction <add>, %reduce_sum3A_313, %reduce_sum3A_314 [1, 2] : vector<1x8x128xf32> to vector<1xf32>
      %reduce_sum3A_316 = vector.shape_cast %reduce_sum3A_315 : vector<1xf32> to vector<1x1x1xf32>
      %reduce_sum3A_317 = vector.extract %reduce_sum3A_316[0, 0, 0] : f32 from vector<1x1x1xf32>
      %broadcast_in_dim3A_318 = vector.broadcast %reduce_sum3A_317 : f32 to vector<1x1xf32>
      %swap3A_319 = arith.constant 0 : index
      %swap3A_320 = arith.constant 0 : index
      %swap3A_321 = vector.load %arg16[%swap3A_319, %swap3A_320] : memref<1x1xf32, #tpu.memory_space<vmem>>, vector<1x1xf32>
      tpu.vector_store %arg16[%swap3A_319, %swap3A_320], %broadcast_in_dim3A_318 {strides = array<i32>} : memref<1x1xf32, #tpu.memory_space<vmem>>, vector<1x1xf32>,
    } else {
    }
    return
  }
  func.func @transform_0(%arg0: i32) -> (i32, i32) {
    %c0_i32 = arith.constant 0 : i32
    %c0_i32_0 = arith.constant 0 : i32
    return %arg0, %c0_i32 : i32, i32
  }
  func.func @transform_1(%arg0: i32) -> (i32, i32) {
    %c0_i32 = arith.constant 0 : i32
    %c0_i32_0 = arith.constant 0 : i32
    return %arg0, %c0_i32 : i32, i32
  }
  func.func @transform_2(%arg0: i32) -> (i32, i32) {
    %c0_i32 = arith.constant 0 : i32
    %c0_i32_0 = arith.constant 0 : i32
    return %arg0, %c0_i32 : i32, i32
  }
  func.func @transform_3(%arg0: i32) -> (i32, i32, i32) {
    %c0_i32 = arith.constant 0 : i32
    %c0_i32_0 = arith.constant 0 : i32
    %c0_i32_1 = arith.constant 0 : i32
    return %c0_i32, %arg0, %c0_i32_0 : i32, i32, i32
  }
  func.func @transform_4(%arg0: i32) -> (i32, i32, i32, i32) {
    %c0_i32 = arith.constant 0 : i32
    %c0_i32_0 = arith.constant 0 : i32
    %c0_i32_1 = arith.constant 0 : i32
    %c0_i32_2 = arith.constant 0 : i32
    return %arg0, %c0_i32, %c0_i32_0, %c0_i32_1 : i32, i32, i32, i32
  }
  func.func @transform_5(%arg0: i32) -> (i32, i32) {
    %c0_i32 = arith.constant 0 : i32
    %c0_i32_0 = arith.constant 0 : i32
    return %arg0, %c0_i32 : i32, i32
  }
  func.func @transform_6(%arg0: i32) -> (i32, i32) {
    %c0_i32 = arith.constant 0 : i32
    %c0_i32_0 = arith.constant 0 : i32
    %c0_i32_1 = arith.constant 0 : i32
    return %c0_i32, %c0_i32_0 : i32, i32
  }
  func.func @transform_7(%arg0: i32) -> (i32, i32) {
    %c0_i32 = arith.constant 0 : i32
    %c0_i32_0 = arith.constant 0 : i32
    %c0_i32_1 = arith.constant 0 : i32
    return %c0_i32, %c0_i32_0 : i32, i32
  }
  func.func @transform_8(%arg0: i32) -> (i32, i32) {
    %c0_i32 = arith.constant 0 : i32
    %c0_i32_0 = arith.constant 0 : i32
    %c0_i32_1 = arith.constant 0 : i32
    return %c0_i32, %c0_i32_0 : i32, i32
  }
  func.func @transform_9(%arg0: i32) -> (i32, i32) {
    %c0_i32 = arith.constant 0 : i32
    %c0_i32_0 = arith.constant 0 : i32
    %c0_i32_1 = arith.constant 0 : i32
    return %c0_i32, %c0_i32_0 : i32, i32
  }
  func.func @transform_10(%arg0: i32) -> (i32, i32) {
    %c0_i32 = arith.constant 0 : i32
    %c0_i32_0 = arith.constant 0 : i32
    %c0_i32_1 = arith.constant 0 : i32
    return %c0_i32, %c0_i32_0 : i32, i32
  }
  func.func @transform_11(%arg0: i32) -> (i32, i32) {
    %c0_i32 = arith.constant 0 : i32
    %c0_i32_0 = arith.constant 0 : i32
    %c0_i32_1 = arith.constant 0 : i32
    return %c0_i32, %c0_i32_0 : i32, i32
  }
  func.func @transform_12(%arg0: i32) -> (i32, i32, i32) {
    %c0_i32 = arith.constant 0 : i32
    %c0_i32_0 = arith.constant 0 : i32
    %c0_i32_1 = arith.constant 0 : i32
    return %arg0, %c0_i32, %c0_i32_0 : i32, i32, i32
  }
  func.func @transform_13(%arg0: i32) -> (i32, i32) {
    %c0_i32 = arith.constant 0 : i32
    %c0_i32_0 = arith.constant 0 : i32
    return %arg0, %c0_i32 : i32, i32
  }
  func.func @transform_14(%arg0: i32) -> (i32, i32) {
    %c0_i32 = arith.constant 0 : i32
    %c0_i32_0 = arith.constant 0 : i32
    return %arg0, %c0_i32 : i32, i32
  }
  func.func @transform_15(%arg0: i32) -> (i32, i32) {
    %c0_i32 = arith.constant 0 : i32
    %c0_i32_0 = arith.constant 0 : i32
    %c0_i32_1 = arith.constant 0 : i32
    return %c0_i32, %c0_i32_0 : i32, i32
  }
}

module attributes {stable_mosaic.version = 14 : i64} {
  func.func @body(%arg0: i32, %arg1: memref<1280x128xf32, #tpu.memory_space<vmem>>, %arg2: memref<1280x128xf32, #tpu.memory_space<vmem>>, %arg3: memref<1x1xf32, #tpu.memory_space<vmem>>, %arg4: memref<64x128xf32, #tpu.memory_space<vmem>>) attributes {dimension_semantics = [#tpu.dimension_semantics<arbitrary>], iteration_bounds = array<i64: 16>, scalar_prefetch = 0 : i64, scratch_operands = 1 : i64, tpu.core_type = #tpu.core_type<tc>, window_params = [{transform_indices = @transform_0, window_bounds = array<i64: 1280, 128>}, {transform_indices = @transform_1, window_bounds = array<i64: 1280, 128>}, {pipeline_mode = #tpu.pipeline_mode<synchronous>, transform_indices = @transform_2, window_bounds = array<i64: 1, 1>}]} {
    %eq3A = arith.constant 0 : i32
    %eq3A_0 = arith.cmpi eq, %arg0, %eq3A : i32
    %convert_element_type3A = arith.extui %eq3A_0 : i1 to i32
    %cond3A = arith.constant 0 : i32
    %cond3A_1 = arith.cmpi ne, %convert_element_type3A, %cond3A : i32
    scf.if %cond3A_1 {
      %broadcast_in_dim3A = arith.constant 0.000000e+00 : f32
      %broadcast_in_dim3A_30 = vector.broadcast %broadcast_in_dim3A : f32 to vector<64x128xf32>
      %swap3A_31 = arith.constant 0 : index
      %swap3A_32 = arith.constant 0 : index
      %swap3A_33 = vector.load %arg4[%swap3A_31, %swap3A_32] : memref<64x128xf32, #tpu.memory_space<vmem>>, vector<64x128xf32>
      tpu.vector_store %arg4[%swap3A_31, %swap3A_32], %broadcast_in_dim3A_30 {strides = array<i32>} : memref<64x128xf32, #tpu.memory_space<vmem>>, vector<64x128xf32>,
    } else {
    }
    %get3A = arith.constant 0 : index
    %get3A_2 = arith.constant 0 : index
    %get3A_3 = vector.load %arg1[%get3A, %get3A_2] : memref<1280x128xf32, #tpu.memory_space<vmem>>, vector<1280x128xf32>
    %get3A_4 = arith.constant 0 : index
    %get3A_5 = arith.constant 0 : index
    %get3A_6 = vector.load %arg2[%get3A_4, %get3A_5] : memref<1280x128xf32, #tpu.memory_space<vmem>>, vector<1280x128xf32>
    %mul3A = arith.mulf %get3A_3, %get3A_6 : vector<1280x128xf32>
    %reshape3A = vector.shape_cast %mul3A : vector<1280x128xf32> to vector<64x20x128xf32>
    %reduce_sum3A = arith.constant dense<0.000000e+00> : vector<64x128xf32>
    %reduce_sum3A_7 = vector.multi_reduction <add>, %reshape3A, %reduce_sum3A [1] : vector<64x20x128xf32> to vector<64x128xf32>
    %neg3A = arith.constant 0.000000e+00 : f32
    %neg3A_8 = vector.broadcast %neg3A : f32 to vector<64x128xf32>
    %neg3A_9 = arith.subf %neg3A_8, %reduce_sum3A_7 : vector<64x128xf32>
    %exp3A = math.exp %neg3A_9 : vector<64x128xf32>
    %add3A = arith.constant 1.000000e+00 : f32
    %add3A_10 = vector.broadcast %add3A : f32 to vector<64x128xf32>
    %add3A_11 = arith.addf %add3A_10, %exp3A : vector<64x128xf32>
    %div3A = arith.constant 1.000000e+00 : f32
    %div3A_12 = vector.broadcast %div3A : f32 to vector<64x128xf32>
    %div3A_13 = arith.divf %div3A_12, %add3A_11 : vector<64x128xf32>
    %get3A_14 = arith.constant 0 : index
    %get3A_15 = arith.constant 0 : index
    %get3A_16 = vector.load %arg4[%get3A_14, %get3A_15] : memref<64x128xf32, #tpu.memory_space<vmem>>, vector<64x128xf32>
    %sub3A = arith.constant 1.000000e+00 : f32
    %sub3A_17 = vector.broadcast %sub3A : f32 to vector<64x128xf32>
    %sub3A_18 = arith.subf %sub3A_17, %div3A_13 : vector<64x128xf32>
    %log3A = math.log %sub3A_18 : vector<64x128xf32>
    %neg3A_19 = arith.constant 0.000000e+00 : f32
    %neg3A_20 = vector.broadcast %neg3A_19 : f32 to vector<64x128xf32>
    %neg3A_21 = arith.subf %neg3A_20, %log3A : vector<64x128xf32>
    %add3A_22 = arith.addf %get3A_16, %neg3A_21 : vector<64x128xf32>
    %swap3A = arith.constant 0 : index
    %swap3A_23 = arith.constant 0 : index
    %swap3A_24 = vector.load %arg4[%swap3A, %swap3A_23] : memref<64x128xf32, #tpu.memory_space<vmem>>, vector<64x128xf32>
    tpu.vector_store %arg4[%swap3A, %swap3A_23], %add3A_22 {strides = array<i32>} : memref<64x128xf32, #tpu.memory_space<vmem>>, vector<64x128xf32>,
    %eq3A_25 = arith.constant 15 : i32
    %eq3A_26 = arith.cmpi eq, %arg0, %eq3A_25 : i32
    %convert_element_type3A_27 = arith.extui %eq3A_26 : i1 to i32
    %cond3A_28 = arith.constant 0 : i32
    %cond3A_29 = arith.cmpi ne, %convert_element_type3A_27, %cond3A_28 : i32
    scf.if %cond3A_29 {
      %get3A_30 = arith.constant 0 : index
      %get3A_31 = arith.constant 0 : index
      %get3A_32 = vector.load %arg4[%get3A_30, %get3A_31] : memref<64x128xf32, #tpu.memory_space<vmem>>, vector<64x128xf32>
      %reduce_sum3A_33 = vector.shape_cast %get3A_32 : vector<64x128xf32> to vector<1x64x128xf32>
      %reduce_sum3A_34 = arith.constant dense<0.000000e+00> : vector<1xf32>
      %reduce_sum3A_35 = vector.multi_reduction <add>, %reduce_sum3A_33, %reduce_sum3A_34 [1, 2] : vector<1x64x128xf32> to vector<1xf32>
      %reduce_sum3A_36 = vector.shape_cast %reduce_sum3A_35 : vector<1xf32> to vector<1x1x1xf32>
      %reduce_sum3A_37 = vector.extract %reduce_sum3A_36[0, 0, 0] : f32 from vector<1x1x1xf32>
      %broadcast_in_dim3A = vector.broadcast %reduce_sum3A_37 : f32 to vector<1x1xf32>
      %swap3A_38 = arith.constant 0 : index
      %swap3A_39 = arith.constant 0 : index
      %swap3A_40 = vector.load %arg3[%swap3A_38, %swap3A_39] : memref<1x1xf32, #tpu.memory_space<vmem>>, vector<1x1xf32>
      tpu.vector_store %arg3[%swap3A_38, %swap3A_39], %broadcast_in_dim3A {strides = array<i32>} : memref<1x1xf32, #tpu.memory_space<vmem>>, vector<1x1xf32>,
    } else {
    }
    return
  }
  func.func @transform_0(%arg0: i32) -> (i32, i32) {
    %c0_i32 = arith.constant 0 : i32
    %c0_i32_0 = arith.constant 0 : i32
    return %arg0, %c0_i32 : i32, i32
  }
  func.func @transform_1(%arg0: i32) -> (i32, i32) {
    %c0_i32 = arith.constant 0 : i32
    %c0_i32_0 = arith.constant 0 : i32
    return %arg0, %c0_i32 : i32, i32
  }
  func.func @transform_2(%arg0: i32) -> (i32, i32) {
    %c0_i32 = arith.constant 0 : i32
    %c0_i32_0 = arith.constant 0 : i32
    %c0_i32_1 = arith.constant 0 : i32
    return %c0_i32, %c0_i32_0 : i32, i32
  }
}

</mosaic_0001>

<sc_bundles>
// kernel: kernel.6.cloned.1.call-start
scs
__scs_entry_jumppad:
0x0: {  	(pc) =	sbr.rel $0x88, $3  }
0x1: {  	(tag) =	ssettag $0x0;
	lr =	simm.s32 $0x1  }
0x2: {  	[smem:$0x3F93] =	sst lr;
	_ =	strace $0xD0000000  }
0x3: {  	_ = 	snop  }
0x4: {  	_ = 	snop  }
0x5: {  	_ = 	snop  }
0x6: {  	_ = 	snop  }
0x7: {  	_ = 	snop  }
__scs_overlays_trampoline_lowered:
0x8: {  	[smem:$0x3FA2] =	sst s0  }
0x9: {  	[smem:$0x3FA3] =	sst s1  }
0xa: {  	[smem:$0x3FA4] =	sst s2  }
0xb: {  	[smem:$0x3FA5] =	sst s3  }
0xc: {  	[smem:$0x3FA6] =	sst s4  }
0xd: {  	[smem:$0x3FA7] =	sst s5  }
0xe: {  	[smem:$0x3FA8] =	sst s6  }
0xf: {  	[smem:$0x3FA9] =	sst s7  }
0x10: {  	[smem:$0x3FAA] =	sst s8  }
0x11: {  	[smem:$0x3FAB] =	sst s9;
	s0 =	simm.s32 @!p0 $0x0  }
0x12: {  	s1 =	sld [smem:$0x3F91];
	s0 =	simm.s32 @p0 $0x1  }
0x13: {  	[smem:$0x3FAC] =	sst s0;
	s0 =	simm.s32 @!p1 $0x0  }
0x14: {  	s2 =	sld [smem:$0x3F90];
	s0 =	simm.s32 @p1 $0x1  }
0x15: {  	[smem:$0x3FAD] =	sst s0;
	s0 =	simm.s32 @!p2 $0x0  }
0x16: {  	s3 =	sld [smem:$0x3FDB];
	s0 =	simm.s32 @p2 $0x1  }
0x17: {  	s4 =	simm.s32 $0x1BF5;
	[smem:$0x3FAF] =	sst s0  }
0x18: {  	s0 =	sld [smem:$0x3F92];
	_ =	swait.ge [sflag:s4], $0x0  }
0x19: {  	s7 =	sld [smem:$0x3F93]  }
0x1a: {  	s8 =	sadd.s32 $0xFFFFE003, lr  }
0x1b: {  	s9 =	sadd.s32 $0xFFFFFEF7, lr;
	s5 =	simm.s32 $0xFFFFFFFF;
	p2 =	slt.u32 s8, $0xFFFFF086  }
0x1c: {  	p1 =	slt.u32 s9, $0xF7A;
	s5 =	simm.s32 @!p2 $0x0  }
0x1d: {  	s5 =	simm.s32 @p1 $0x1;
	p0 =	seq.s32 s7, s2  }
0x1e: {  	s7 =	smul.u32 @!p0 $0xF7A, s2;
	p2 =	seq.s32 @!p0 s5, $0x0  }
0x1f: {  	s9 =	smul.u32 $0xF7A, s1;
	s8 =	simm.s32 @!p0 $0x1BF5;
	p2 =	por !p2, p0  }
0x20: {  	[sflag:s8] =	ssyncset.s32 @!p0 $0xFFFFF086;
	s6 =	sadd.s32 @!p0 s3, s7;
	s7 =	simm.s32 @!p0 $0x108  }
0x21: {  	s3 =	sadd.s32 s3, s9;
	s6 =	sadd.s32 @!p0 $0x88, s6;
	s7 =	simm.s32 @p2 $0x1082  }
0x22: {  	[simem:s7], [sflag:s8] =	dma.local @!p0 [hbm:s6], $0xF7A  }
0x23: {  	s9 =	sor.u32 $0xD0000000, s2;
	s6 =	simm.s32 $0x108;
	_ =	swait.ge @!p0 [sflag:s8], $0x0  }
0x24: {  	s3 =	sadd.s32 $0x88, s3;
	s6 =	simm.s32 @!p1 $0x1082;
	[sflag:s4] =	ssyncset.s32 $0xFFFFF086  }
0x25: {  	[simem:s6], [sflag:s4] =	dma.local [hbm:s3], $0xF7A  }
0x26: {  	[smem:$0x3F93] =	sst s1;
	(tag) =	ssettag s2;
	_ =	strace s9  }
0x27: {  	s1 =	sld [smem:$0x3FA3]  }
0x28: {  	s2 =	sld [smem:$0x3FA4]  }
0x29: {  	s4 =	sld [smem:$0x3FA6]  }
0x2a: {  	p0 =	seq.s32 s5, $0x0;
	s5 =	sld [smem:$0x3FA7]  }
0x2b: {  	s6 =	sld [smem:$0x3FA8]  }
0x2c: {  	s7 =	sld [smem:$0x3FA9]  }
0x2d: {  	s3 =	simm.s32 $0x108;
	s8 =	sld [smem:$0x3FAA]  }
0x2e: {  	s3 =	simm.s32 @!p0 $0x1082;
	s9 =	sld [smem:$0x3FAB]  }
0x2f: {  	lr =	sadd.s32 s0, s3;
	s0 =	sld [smem:$0x3FA2]  }
0x30: {  	s3 =	sld [smem:$0x3FA5]  }
0x31: {  	[smem:$0x3FAE] =	sst s10  }
0x32: {  	s10 =	sld [smem:$0x3FAC];
	_ =	sdelay $0x3  }
0x33: {  	p0 =	seq.s32 s10, $0x1;
	s10 =	sld [smem:$0x3FAE];
	_ =	sdelay $0x3  }
0x34: {  	[smem:$0x3FAE] =	sst s10  }
0x35: {  	s10 =	sld [smem:$0x3FAD];
	_ =	sdelay $0x3  }
0x36: {  	p1 =	seq.s32 s10, $0x1;
	s10 =	sld [smem:$0x3FAE];
	_ =	sdelay $0x3  }
0x37: {  	[smem:$0x3FAE] =	sst s10  }
0x38: {  	s10 =	sld [smem:$0x3FAF]  }
0x39: {  	_ = 	snop;
	(pc) =	sbr.ind lr, $3  }
0x3a: {  	_ = 	snop  }
0x3b: {  	_ = 	snop  }
0x3c: {  	p2 =	seq.s32 s10, $0x1;
	s10 =	sld [smem:$0x3FAE]  }
0x3d: {  	_ =	shalt  }
0x3e: {  	_ =	shalt  }
0x3f: {  	_ =	shalt  }
0x40: {  	_ =	shalt  }
0x41: {  	_ =	shalt  }
0x42: {  	_ =	shalt  }
0x43: {  	_ =	shalt  }
0x44: {  	_ =	shalt  }
0x45: {  	_ =	shalt  }
0x46: {  	_ =	shalt  }
0x47: {  	_ =	shalt  }
0x48: {  	_ =	shalt  }
0x49: {  	_ =	shalt  }
0x4a: {  	_ =	shalt  }
0x4b: {  	_ =	shalt  }
0x4c: {  	_ =	shalt  }
0x4d: {  	_ =	shalt  }
0x4e: {  	_ =	shalt  }
0x4f: {  	_ =	shalt  }
0x50: {  	_ =	shalt  }
0x51: {  	_ =	shalt  }
0x52: {  	_ =	shalt  }
0x53: {  	_ =	shalt  }
0x54: {  	_ =	shalt  }
0x55: {  	_ =	shalt  }
0x56: {  	_ =	shalt  }
0x57: {  	_ =	shalt  }
0x58: {  	_ =	shalt  }
0x59: {  	_ =	shalt  }
0x5a: {  	_ =	shalt  }
0x5b: {  	_ =	shalt  }
0x5c: {  	_ =	shalt  }
0x5d: {  	_ =	shalt  }
0x5e: {  	_ =	shalt  }
0x5f: {  	_ =	shalt  }
0x60: {  	_ =	shalt  }
0x61: {  	_ =	shalt  }
0x62: {  	_ =	shalt  }
0x63: {  	_ =	shalt  }
0x64: {  	_ =	shalt  }
0x65: {  	_ =	shalt  }
0x66: {  	_ =	shalt  }
0x67: {  	_ =	shalt  }
0x68: {  	_ =	shalt  }
0x69: {  	_ =	shalt  }
0x6a: {  	_ =	shalt  }
0x6b: {  	_ =	shalt  }
0x6c: {  	_ =	shalt  }
0x6d: {  	_ =	shalt  }
0x6e: {  	_ =	shalt  }
0x6f: {  	_ =	shalt  }
0x70: {  	_ =	shalt  }
0x71: {  	_ =	shalt  }
0x72: {  	_ =	shalt  }
0x73: {  	_ =	shalt  }
0x74: {  	_ =	shalt  }
0x75: {  	_ =	shalt  }
0x76: {  	_ =	shalt  }
0x77: {  	_ =	shalt  }
0x78: {  	_ =	shalt  }
0x79: {  	_ =	shalt  }
0x7a: {  	_ =	shalt  }
0x7b: {  	_ =	shalt  }
0x7c: {  	_ =	shalt  }
0x7d: {  	_ =	shalt  }
0x7e: {  	_ =	shalt  }
0x7f: {  	_ =	shalt  }
0x80: {  	_ =	shalt  }
0x81: {  	_ =	shalt  }
0x82: {  	_ =	shalt  }
0x83: {  	_ =	shalt  }
0x84: {  	_ =	shalt  }
0x85: {  	_ =	shalt  }
0x86: {  	_ =	shalt  }
0x87: {  	_ =	shalt  }
.Lfunc_end0:
.L_simem_size_0:
called_computation_lowered:
.L_overlay_start_0:
0x88: {  	s2 =	sld [smem:$0x3FD9]  }
0x89: {  	s3 =	sld [smem:$0x3FFE];
	_ =	sdelay $0x1  }
0x8a: {  	s1 =	srdreg.scid  }
0x8b: {  	s0 =	sand.u32 $0x1, s1  }
0x8c: {  	s14 =	sshll.u32 s0, $0xA;
	s2 =	sadd.s32 s3, s2  }
0x8d: {  	s2 =	sadd.s32 s2, s14  }
0x8e: {  	[smem:$0x3FBA] =	sst s2  }
0x8f: {  	_ = 	snop  }
0x90: {  	s2 =	sld [smem:$0x3FD0];
	_ =	sdelay $0x2  }
0x91: {  	s4 =	simm.s32 $0xA;
	s5 =	simm.s32 $0x10;
	s15 =	sld [smem:$0x3FC9]  }
0x92: {  	[smem:s5], [sflag:s4] =	dma.local [hbm:s2], $0x1  }
0x93: {  	_ =	swait.eq [sflag:s4], $0x1  }
0x94: {  	[sflag:s4] =	ssyncset.done $0x0  }
0x95: {  	[sflag:s4] =	ssyncadd.s32 $0xFFFFFFFF  }
0x96: {  	s16 =	sld [smem:$0x10];
	(tm) =	ssettm $0x1  }
0x97: {  	s17 =	sld [smem:$0x3FFB];
	_ =	sdelay $0x3  }
0x98: {  	_ =	strace s17  }
0x99: {  	s4 =	sld [smem:$0x3FFC];
	_ =	sdelay $0x3  }
0x9a: {  	_ =	strace s4  }
0x9b: {  	s4 =	sld [smem:$0x3FFD];
	_ =	sdelay $0x3  }
0x9c: {  	_ =	strace s4  }
0x9d: {  	_ =	strace $0x8FFFFFFF  }
0x9e: {  	s18 =	sld [smem:$0x3FDB];
	_ =	sdelay $0x1  }
0x9f: {  	s19 =	simm.s32 $_scs_section_size  }
0xa0: {  	s6 =	simm.s32 $_size__tile_overlayer_lowered;
	s7 =	simm.s32 $_tile_overlayer_lowered  }
0xa1: {  	s22 =	simm.s32 $0x1BFF;
	s21 =	sshll.u32 s7, $0x1;
	s4 =	sadd.s32 s19, s18  }
0xa2: {  	s8 =	simm.s32 $0x0;
	s20 =	sshll.u32 s6, $0x1;
	s6 =	sadd.s32 s21, s4  }
0xa3: {  	[timem:s8], [sflag:s22] =	dma.local [hbm:s6], s20  }
0xa4: {  	_ =	swait.ge [sflag:s22], s20  }
0xa5: {  	s5 =	ssub.s32 $0x0, s20;
	[sflag:s22] =	ssyncset.done $0x0  }
0xa6: {  	[sflag:s22] =	ssyncadd.s32 s5;
	_ =	sdelay $0x1  }
0xa7: {  	s23 =	simm.s32 $0x1B8B  }
0xa8: {  	_ =	swait.ge [sflag:s23], $0x1  }
0xa9: {  	[sflag:s23] =	ssyncset.done $0x0  }
0xaa: {  	s25 =	simm.s32 $0x1B8E;
	s24 =	sld [smem:$0x3FFE];
	[sflag:s23] =	ssyncadd.s32 $0xFFFFFFFF  }
0xab: {  	s26 =	simm.s32 $execute0_lowered;
	[smem:$0x3FD2] =	sst s25  }
0xac: {  	s6 =	sshll.u32 s26, $0x1;
	_ =	strace $0x80000046;
	[dreg:$0x1] =	wrdreg $0xFFFFFFFF  }
0xad: {  	s28 =	simm.s32 $_size_execute0_lowered;
	s4 =	sadd.s32 s4, s6;
	[dreg:$0x0] =	wrdreg $0x0  }
0xae: {  	s6 =	sshll.u32 s28, $0x1;
	[dreg:$0x2] =	wrdreg s4  }
0xaf: {  	[dreg:$0x3] =	wrdreg s6  }
0xb0: {  	[dreg:$0x4] =	wrdreg $0xC0  }
0xb1: {  	_ =	task [dreg:s8], $0x5FFFF  }
0xb2: {  	[dreg:$0x1] =	wrdreg $0xFFFFFFFF  }
0xb3: {  	[dreg:$0x0] =	wrdreg $0x60  }
0xb4: {  	[dreg:$0x2] =	wrdreg s15  }
0xb5: {  	[dreg:$0x3] =	wrdreg s24  }
0xb6: {  	[dreg:$0x4] =	wrdreg s16  }
0xb7: {  	[dreg:$0x5] =	wrdreg $0x9  }
0xb8: {  	_ =	task.clear_ibuf [dreg:s8], $0x6FFFF;
	_ =	strace $0x90000046  }
0xb9: {  	s29 =	simm.s32 $0x9;
	_ =	strace $0x80000048  }
0xba: {  	_ =	swait.ge [sflag:s29], $0x1  }
0xbb: {  	[sflag:s29] =	ssyncadd.s32 $0xFFFFFFFF  }
0xbc: {  	_ =	strace $0x90000048  }
0xbd: {  	_ =	sfence  }
0xbe: {  	s30 =	sld [smem:$0x0];
	_ =	sdelay $0x2  }
0xbf: {  	s31 =	sshll.u32 s1, $0xD;
	s1 =	sshrl.u32 s1, $0x2  }
0xc0: {  	s3 =	sand.u32 $0x4000, s31;
	s1 =	sadd.s32 s1, s30  }
0xc1: {  	s0 =	sor.u32 s3, s0;
	s1 =	sshll.u32 s1, $0x11  }
0xc2: {  	s0 =	sor.u32 s1, s0  }
0xc3: {  	s0 =	sadd.s32 $0x8F2B, s0  }
0xc4: {  	[sflag:s0] =	ssyncadd.remote.s32 $0x1  }
0xc5: {  	_ =	sfence.sel $0xFFFF  }
0xc6: {  	[dreg:$0x0] =	wrdreg $0xFFFFFFFF;
	(pc) =	sbr.abs _section_cstart, $3  }
0xc7: {  	[dreg:$0x1] =	wrdreg $0xFFFFFFFF  }
0xc8: {  	_ =	task.clear_ibuf [dreg:s8], $0x2FFFF;
	_ =	strace $0x9FFFFFFF  }
0xc9: {  	(tm) =	ssettm $0x7FFFFFFF  }
tec
execute0_lowered:
.L_overlay_start_1:
0x0: {  	(tag) =	ssettag $0x1  }
0x1: {  	s1 =	rddreg [dreg:$0x0]  }
0x2: {  	s0 =	rddreg [dreg:$0x1]  }
0x3: {  	s2 =	rddreg [dreg:$0x2]  }
0x4: {  	s4 =	srdreg.scid;
	s6 =	stileid.u32  }
0x5: {  	s3 =	simm.s32 $0x0;
	s5 =	sand.u32 $0x1, s4;
	s15 =	sshll.u32 s6, $0x1  }
0x6: {  	[smem:$0x7FF] =	sst s3;
	s7 =	sor.u32 s5, s15  }
0x7: {  	s16 =	sadd.s32 $0x1E00, s0;
	s8 =	sadd.s32 $0x2800, s0;
	s11 =	smul.u32 $0x2800, s7  }
0x8: {  	s4 =	sadd.s32 $0x310600, s0;
	s10 =	sadd.s32 $0x3200, s0;
	s12 =	sadd.s32 $0x53200, s0  }
0x9: {  	s14 =	sadd.s32 $0x497000, s0;
	_ =	strace $0x80000047;
	s19 =	sadd.s32 s2, s11  }
0xa: {  	s9 =	smul.u32 $0x280, s7;
	s21 =	sadd.s32 s12, s11;
	[dreg:$0x5] =	wrdreg s19  }
0xb: {  	s7 =	smul.u32 $0x14000, s7;
	s22 =	sadd.s32 s10, s11;
	[dreg:$0x6] =	wrdreg s21  }
0xc: {  	s17 =	sshrl.u32 s9, $0x3;
	s23 =	sadd.s32 s14, s11;
	[dreg:$0x8] =	wrdreg s22  }
0xd: {  	s20 =	sshrl.u32 s7, $0x3;
	s18 =	sadd.s32 s16, s17;
	[dreg:$0x9] =	wrdreg s23  }
0xe: {  	s0 =	sadd.s32 s8, s17;
	s15 =	sadd.s32 s14, s20;
	[dreg:$0x4] =	wrdreg s18  }
0xf: {  	s5 =	ssub.s32 $0x2, s5;
	[dreg:$0x7] =	wrdreg s0;
	s24 =	sadd.s32 $0x50000, s15  }
0x10: {  	s13 =	sshrl.u32 s5, $0x1;
	s25 =	sadd.s32 $0xA0000, s15;
	[dreg:$0xa] =	wrdreg s24  }
0x11: {  	s13 =	ssub.s32 s5, s13;
	s26 =	sadd.s32 $0xF0000, s15;
	[dreg:$0xb] =	wrdreg s25  }
0x12: {  	s30 =	sadd.s32 $0x140, s9;
	s5 =	sadd.s32 $0x140000, s15;
	[dreg:$0xc] =	wrdreg s26  }
0x13: {  	s7 =	sshrl.u32 s30, $0x3;
	s31 =	sadd.s32 $0x190000, s15;
	[dreg:$0xd] =	wrdreg s5  }
0x14: {  	s6 =	sadd.s32 s16, s7;
	[dreg:$0xe] =	wrdreg s31  }
0x15: {  	s9 =	sadd.s32 $0x1E0000, s15;
	[dreg:$0xf] =	wrdreg s6  }
0x16: {  	s16 =	sadd.s32 $0x230000, s15;
	[dreg:$0x11] =	wrdreg s9  }
0x17: {  	s17 =	sadd.s32 $0x280000, s15;
	[dreg:$0x12] =	wrdreg s16  }
0x18: {  	s28 =	simm.s32 $0x8C0;
	s18 =	sadd.s32 $0x2D0000, s15;
	[dreg:$0x13] =	wrdreg s17  }
0x19: {  	s29 =	simm.s32 $0x0;
	s19 =	sadd.s32 $0x320000, s15;
	[dreg:$0x14] =	wrdreg s18  }
0x1a: {  	s11 =	sshll.u32 s30, $0x4;
	s20 =	sadd.s32 $0x370000, s15;
	[dreg:$0x15] =	wrdreg s19  }
0x1b: {  	s21 =	sadd.s32 $0x51400, s15;
	s22 =	sadd.s32 $0xA1400, s15;
	[dreg:$0x16] =	wrdreg s20  }
0x1c: {  	s23 =	sadd.s32 $0xF1400, s15;
	s30 =	sadd.s32 s12, s11;
	[dreg:$0x17] =	wrdreg s21  }
0x1d: {  	s12 =	simm.s32 $0x2;
	s5 =	sadd.s32 s8, s7;
	[dreg:$0x18] =	wrdreg s22  }
0x1e: {  	[dreg:$0x19] =	wrdreg s23;
	s25 =	sadd.s32 $0x141400, s15;
	s26 =	sadd.s32 $0x191400, s15  }
0x1f: {  	s24 =	sadd.s32 s2, s11;
	s31 =	sadd.s32 $0x1E1400, s15;
	s2 =	sadd.s32 $0x231400, s15  }
0x20: {  	[dreg:$0x1d] =	wrdreg s30;
	s6 =	sadd.s32 $0x281400, s15;
	s7 =	sadd.s32 $0x2D1400, s15  }
0x21: {  	s8 =	sadd.s32 s14, s11;
	s9 =	sadd.s32 $0x321400, s15;
	s14 =	simm.s32 $0xB040  }
0x22: {  	s16 =	simm.s32 $0x1040;
	s17 =	simm.s32 $0x280;
	[dreg:$0x10] =	wrdreg s5  }
0x23: {  	s18 =	simm.s32 $0x3C0;
	s19 =	simm.s32 $0x500;
	[dreg:$0x1a] =	wrdreg s24  }
0x24: {  	s20 =	simm.s32 $0x640;
	s21 =	simm.s32 $0x780;
	[dreg:$0x1b] =	wrdreg s25  }
0x25: {  	s22 =	simm.s32 $0xA00;
	s23 =	simm.s32 $0xB40;
	[dreg:$0x1c] =	wrdreg s26  }
0x26: {  	[dreg:$0x1e] =	wrdreg s31;
	s5 =	sadd.s32 s10, s11;
	s10 =	sadd.s32 $0x371400, s15  }
0x27: {  	v0 =	vlaneseq.u32;
	s11 =	smax.u32 s13, $0x1;
	s13 =	simm.s32 $0x140;
	s15 =	simm.s32 $0x1  }
0x28: {  	v0 =	vmul.u32 $0x80, v0;
	s24 =	simm.s32 $0xC80;
	s25 =	simm.s32 $0xDC0;
	s26 =	simm.s32 $0xF00  }
.LBB2_1:
0x29: {  	s30 =	rddreg [dreg:$0x4]  }
0x2a: {  	[tilespmem:s3], [sflag:$0x2] =	stream.linear.gather [hbm4b:s30+s3], $0x140, $0x38;
	[tilespmem:$0x15040] =	vst v63  }
0x2b: {  	_ =	swait.ge [sflag:s12], $0x140  }
0x2c: {  	[sflag:s12] =	ssyncset.done $0x0  }
0x2d: {  	[sflag:s12] =	ssyncadd.s32 $0xFFFFFEC0  }
0x2e: {  	[tilespmem:s14], [sflag:$0x1] =	stream.indirect.gather [hbm4b:s1+s13], $0x80, s3, s13, $0xb8;
	[tilespmem:$0x15040] =	vst v63  }
0x2f: {  	_ =	swait.ge [sflag:s15], $0xA000  }
0x30: {  	[sflag:s15] =	ssyncset.done $0x0  }
0x31: {  	s30 =	rddreg [dreg:$0x5];
	[sflag:s15] =	ssyncadd.s32 $0xFFFF6000  }
0x32: {  	[hbm4b:s30+s3] =	stream.linear.scatter [tilespmem:s14], [sflag:$0x2], $0xA000, $0x38;
	[tilespmem:$0x15040] =	vst v63  }
0x33: {  	_ =	swait.ge [sflag:s12], $0xA000  }
0x34: {  	[sflag:s12] =	ssyncset.done $0x0  }
0x35: {  	[sflag:s12] =	ssyncadd.s32 $0xFFFF6000  }
0x36: {  	[tilespmem:s16], [sflag:$0x1] =	stream.indirect.gather [hbm4b:s4+s13], $0x80, s3, s13, $0xb8;
	[tilespmem:$0x15040] =	vst v63  }
0x37: {  	_ =	swait.ge [sflag:s15], $0xA000  }
0x38: {  	[sflag:s15] =	ssyncset.done $0x0  }
0x39: {  	s30 =	rddreg [dreg:$0x6];
	[sflag:s15] =	ssyncadd.s32 $0xFFFF6000  }
0x3a: {  	[hbm4b:s30+s3] =	stream.linear.scatter [tilespmem:s16], [sflag:$0x2], $0xA000, $0x38;
	[tilespmem:$0x15040] =	vst v63  }
0x3b: {  	_ =	swait.ge [sflag:s12], $0xA000  }
0x3c: {  	[sflag:s12] =	ssyncset.done $0x0  }
0x3d: {  	s30 =	rddreg [dreg:$0x7];
	[sflag:s12] =	ssyncadd.s32 $0xFFFF6000  }
0x3e: {  	[tilespmem:s3], [sflag:$0x2] =	stream.linear.gather [hbm4b:s30+s3], $0x140, $0x38;
	[tilespmem:$0x15040] =	vst v63  }
0x3f: {  	_ =	swait.ge [sflag:s12], $0x140  }
0x40: {  	[sflag:s12] =	ssyncset.done $0x0  }
0x41: {  	[sflag:s12] =	ssyncadd.s32 $0xFFFFFEC0  }
0x42: {  	[tilespmem:s14], [sflag:$0x1] =	stream.indirect.gather [hbm4b:s1+s13], $0x80, s3, s13, $0xb8;
	[tilespmem:$0x15040] =	vst v63  }
0x43: {  	v1 =	vmov s3;
	_ =	swait.ge [sflag:s15], $0xA000  }
0x44: {  	v1 =	vshll.u32 v1, $0x7;
	[sflag:s15] =	ssyncset.done $0x0  }
0x45: {  	v1 =	vor.u32 v0, v1;
	s30 =	rddreg [dreg:$0x8];
	[sflag:s15] =	ssyncadd.s32 $0xFFFF6000  }
0x46: {  	[hbm4b:s30+s3] =	stream.linear.scatter [tilespmem:s14], [sflag:$0x2], $0xA000, $0x38;
	[tilespmem:$0x15040] =	vst v63  }
0x47: {  	_ =	swait.ge [sflag:s12], $0xA000  }
0x48: {  	[sflag:s12] =	ssyncset.done $0x0  }
0x49: {  	[sflag:s12] =	ssyncadd.s32 $0xFFFF6000  }
0x4a: {  	v2 =	vld.idx.msk [tilespmem:v1+s16+$0x0], $0xffff  }
0x4b: {  	v3 =	vor.u32 $0x1, v1;
	_ =	sdelay $0x3  }
0x4c: {  	[tilespmem:s28+$0xFFFFF880] =	vst v2  }
0x4d: {  	v2 =	vld.idx.msk [tilespmem:v3+s16+$0x0], $0xffff  }
0x4e: {  	v3 =	vor.u32 $0x2, v1;
	_ =	sdelay $0x3  }
0x4f: {  	[tilespmem:s28+$0xFFFFF9C0] =	vst v2  }
0x50: {  	v2 =	vld.idx.msk [tilespmem:v3+s16+$0x0], $0xffff  }
0x51: {  	v3 =	vor.u32 $0x3, v1;
	_ =	sdelay $0x3  }
0x52: {  	[tilespmem:s28+$0xFFFFFB00] =	vst v2  }
0x53: {  	v2 =	vld.idx.msk [tilespmem:v3+s16+$0x0], $0xffff  }
0x54: {  	v3 =	vor.u32 $0x4, v1;
	_ =	sdelay $0x3  }
0x55: {  	[tilespmem:s28+$0xFFFFFC40] =	vst v2  }
0x56: {  	v2 =	vld.idx.msk [tilespmem:v3+s16+$0x0], $0xffff  }
0x57: {  	v3 =	vor.u32 $0x5, v1;
	_ =	sdelay $0x3  }
0x58: {  	[tilespmem:s28+$0xFFFFFD80] =	vst v2  }
0x59: {  	v2 =	vld.idx.msk [tilespmem:v3+s16+$0x0], $0xffff  }
0x5a: {  	v3 =	vor.u32 $0x6, v1;
	_ =	sdelay $0x3  }
0x5b: {  	[tilespmem:s28+$0xFFFFFEC0] =	vst v2  }
0x5c: {  	v2 =	vld.idx.msk [tilespmem:v3+s16+$0x0], $0xffff  }
0x5d: {  	v3 =	vor.u32 $0x7, v1;
	_ =	sdelay $0x3  }
0x5e: {  	[tilespmem:s28+$0x0] =	vst v2  }
0x5f: {  	v2 =	vld.idx.msk [tilespmem:v3+s16+$0x0], $0xffff  }
0x60: {  	v3 =	vor.u32 $0x8, v1;
	_ =	sdelay $0x3  }
0x61: {  	[tilespmem:s28+$0x140] =	vst v2  }
0x62: {  	v2 =	vld.idx.msk [tilespmem:v3+s16+$0x0], $0xffff  }
0x63: {  	v3 =	vor.u32 $0x9, v1;
	_ =	sdelay $0x3  }
0x64: {  	[tilespmem:s28+$0x280] =	vst v2  }
0x65: {  	v2 =	vld.idx.msk [tilespmem:v3+s16+$0x0], $0xffff  }
0x66: {  	v3 =	vor.u32 $0xA, v1;
	_ =	sdelay $0x3  }
0x67: {  	[tilespmem:s28+$0x3C0] =	vst v2  }
0x68: {  	v2 =	vld.idx.msk [tilespmem:v3+s16+$0x0], $0xffff  }
0x69: {  	v1 =	vor.u32 $0xB, v1;
	_ =	sdelay $0x3  }
0x6a: {  	s30 =	simm.s32 $0x10;
	[tilespmem:s28+$0x500] =	vst v2  }
0x6b: {  	s31 =	simm.s32 $0x20;
	v2 =	vmov s30;
	s30 =	simm.s32 $0x8C0;
	v1 =	vld.idx.msk [tilespmem:v1+s16+$0x0], $0xffff  }
.LBB2_2:
0x6c: {  	p0 =	sne.s32 s31, $0x130;
	v2 =	vshll.u32 v2, $0x7  }
0x6d: {  	v2 =	vor.u32 v0, v2;
	_ =	sdelay $0x3  }
0x6e: {  	[tilespmem:s30+$0x640] =	vst v1  }
0x6f: {  	v1 =	vld.idx.msk [tilespmem:v2+s16+$0x0], $0xffff;
	_ =	sdelay $0x1  }
0x70: {  	v3 =	vor.u32 $0x1, v2;
	_ =	sdelay $0x2  }
0x71: {  	s30 =	sadd.s32 $0x10, s30  }
0x72: {  	[tilespmem:s30+$0xFFFFF880] =	vst v1  }
0x73: {  	v1 =	vld.idx.msk [tilespmem:v3+s16+$0x0], $0xffff;
	_ =	sdelay $0x1  }
0x74: {  	v3 =	vor.u32 $0x2, v2;
	_ =	sdelay $0x3  }
0x75: {  	[tilespmem:s30+$0xFFFFF9C0] =	vst v1  }
0x76: {  	v1 =	vld.idx.msk [tilespmem:v3+s16+$0x0], $0xffff;
	_ =	sdelay $0x1  }
0x77: {  	v3 =	vor.u32 $0x3, v2;
	_ =	sdelay $0x3  }
0x78: {  	[tilespmem:s30+$0xFFFFFB00] =	vst v1  }
0x79: {  	v1 =	vld.idx.msk [tilespmem:v3+s16+$0x0], $0xffff;
	_ =	sdelay $0x1  }
0x7a: {  	v3 =	vor.u32 $0x4, v2;
	_ =	sdelay $0x3  }
0x7b: {  	[tilespmem:s30+$0xFFFFFC40] =	vst v1  }
0x7c: {  	v1 =	vld.idx.msk [tilespmem:v3+s16+$0x0], $0xffff;
	_ =	sdelay $0x1  }
0x7d: {  	v3 =	vor.u32 $0x5, v2;
	_ =	sdelay $0x3  }
0x7e: {  	[tilespmem:s30+$0xFFFFFD80] =	vst v1  }
0x7f: {  	v1 =	vld.idx.msk [tilespmem:v3+s16+$0x0], $0xffff;
	_ =	sdelay $0x1  }
0x80: {  	v3 =	vor.u32 $0x6, v2;
	_ =	sdelay $0x3  }
0x81: {  	[tilespmem:s30+$0xFFFFFEC0] =	vst v1  }
0x82: {  	v1 =	vld.idx.msk [tilespmem:v3+s16+$0x0], $0xffff;
	_ =	sdelay $0x1  }
0x83: {  	v3 =	vor.u32 $0x7, v2;
	_ =	sdelay $0x3  }
0x84: {  	[tilespmem:s30+$0x0] =	vst v1  }
0x85: {  	v1 =	vld.idx.msk [tilespmem:v3+s16+$0x0], $0xffff;
	_ =	sdelay $0x1  }
0x86: {  	v3 =	vor.u32 $0x8, v2;
	_ =	sdelay $0x3  }
0x87: {  	[tilespmem:s30+$0x140] =	vst v1  }
0x88: {  	v1 =	vld.idx.msk [tilespmem:v3+s16+$0x0], $0xffff;
	_ =	sdelay $0x1  }
0x89: {  	v3 =	vor.u32 $0x9, v2;
	_ =	sdelay $0x3  }
0x8a: {  	[tilespmem:s30+$0x280] =	vst v1  }
0x8b: {  	v1 =	vld.idx.msk [tilespmem:v3+s16+$0x0], $0xffff;
	_ =	sdelay $0x1  }
0x8c: {  	v3 =	vor.u32 $0xA, v2;
	_ =	sdelay $0x3  }
0x8d: {  	[tilespmem:s30+$0x3C0] =	vst v1  }
0x8e: {  	v1 =	vld.idx.msk [tilespmem:v3+s16+$0x0], $0xffff;
	_ =	sdelay $0x1  }
0x8f: {  	v3 =	vor.u32 $0xB, v2  }
.Ltmp0:
0x90: {  	(pc) =	sbr.rel @p0 .LBB2_2-.Ltmp0, $3  }
0x91: {  	_ =	sdelay $0x1  }
0x92: {  	[tilespmem:s30+$0x500] =	vst v1  }
0x93: {  	v2 =	vmov s31;
	s31 =	sadd.s32 $0x10, s31;
	v1 =	vld.idx.msk [tilespmem:v3+s16+$0x0], $0xffff  }
0x94: {  	v2 =	vshll.u32 v2, $0x7  }
0x95: {  	v2 =	vor.u32 v0, v2;
	_ =	sdelay $0x3  }
0x96: {  	[tilespmem:s30+$0x640] =	vst v1  }
0x97: {  	v1 =	vld.idx.msk [tilespmem:v2+s16+$0x0], $0xffff  }
0x98: {  	v3 =	vor.u32 $0x1, v2;
	_ =	sdelay $0x2  }
0x99: {  	s30 =	sadd.s32 $0x10, s30  }
0x9a: {  	[tilespmem:s30+$0xFFFFF880] =	vst v1  }
0x9b: {  	v1 =	vld.idx.msk [tilespmem:v3+s16+$0x0], $0xffff  }
0x9c: {  	v3 =	vor.u32 $0x2, v2;
	_ =	sdelay $0x3  }
0x9d: {  	[tilespmem:s30+$0xFFFFF9C0] =	vst v1  }
0x9e: {  	v1 =	vld.idx.msk [tilespmem:v3+s16+$0x0], $0xffff  }
0x9f: {  	v3 =	vor.u32 $0x3, v2;
	_ =	sdelay $0x3  }
0xa0: {  	[tilespmem:s30+$0xFFFFFB00] =	vst v1  }
0xa1: {  	v1 =	vld.idx.msk [tilespmem:v3+s16+$0x0], $0xffff  }
0xa2: {  	v3 =	vor.u32 $0x4, v2;
	_ =	sdelay $0x3  }
0xa3: {  	[tilespmem:s30+$0xFFFFFC40] =	vst v1  }
0xa4: {  	v1 =	vld.idx.msk [tilespmem:v3+s16+$0x0], $0xffff  }
0xa5: {  	v3 =	vor.u32 $0x5, v2;
	_ =	sdelay $0x3  }
0xa6: {  	[tilespmem:s30+$0xFFFFFD80] =	vst v1  }
0xa7: {  	v1 =	vld.idx.msk [tilespmem:v3+s16+$0x0], $0xffff  }
0xa8: {  	v3 =	vor.u32 $0x6, v2;
	_ =	sdelay $0x3  }
0xa9: {  	[tilespmem:s30+$0xFFFFFEC0] =	vst v1  }
0xaa: {  	v1 =	vld.idx.msk [tilespmem:v3+s16+$0x0], $0xffff  }
0xab: {  	v3 =	vor.u32 $0x7, v2;
	_ =	sdelay $0x3  }
0xac: {  	[tilespmem:s30+$0x0] =	vst v1  }
0xad: {  	v1 =	vld.idx.msk [tilespmem:v3+s16+$0x0], $0xffff  }
0xae: {  	v3 =	vor.u32 $0x8, v2;
	_ =	sdelay $0x3  }
0xaf: {  	[tilespmem:s30+$0x140] =	vst v1  }
0xb0: {  	v1 =	vld.idx.msk [tilespmem:v3+s16+$0x0], $0xffff  }
0xb1: {  	v3 =	vor.u32 $0x9, v2;
	_ =	sdelay $0x3  }
0xb2: {  	[tilespmem:s30+$0x280] =	vst v1  }
0xb3: {  	v1 =	vld.idx.msk [tilespmem:v3+s16+$0x0], $0xffff  }
0xb4: {  	v3 =	vor.u32 $0xA, v2;
	_ =	sdelay $0x3  }
0xb5: {  	[tilespmem:s30+$0x3C0] =	vst v1  }
0xb6: {  	v1 =	vld.idx.msk [tilespmem:v3+s16+$0x0], $0xffff  }
0xb7: {  	v2 =	vor.u32 $0xB, v2;
	_ =	sdelay $0x3  }
0xb8: {  	[tilespmem:s30+$0x500] =	vst v1  }
0xb9: {  	v1 =	vld.idx.msk [tilespmem:v2+s16+$0x0], $0xffff;
	_ =	sdelay $0x4  }
0xba: {  	[tilespmem:s30+$0x640] =	vst v1  }
0xbb: {  	[tilespmem:s14], [sflag:$0x1] =	stream.indirect.gather [hbm4b:s1+s13], $0x80, s13, s13, $0xb8;
	[tilespmem:$0x15040] =	vst v63  }
0xbc: {  	_ =	swait.ge [sflag:s15], $0xA000  }
0xbd: {  	[sflag:s15] =	ssyncset.done $0x0  }
0xbe: {  	s31 =	simm.s32 $0x0;
	s30 =	rddreg [dreg:$0x9];
	[sflag:s15] =	ssyncadd.s32 $0xFFFF6000  }
0xbf: {  	[hbm4b:s30+s31] =	stream.linear.scatter [tilespmem:s14], [sflag:$0x2], $0xA000, $0x38;
	[tilespmem:$0x15040] =	vst v63  }
0xc0: {  	_ =	swait.ge [sflag:s12], $0xA000  }
0xc1: {  	[sflag:s12] =	ssyncset.done $0x0  }
0xc2: {  	[sflag:s12] =	ssyncadd.s32 $0xFFFF6000  }
0xc3: {  	[tilespmem:s14], [sflag:$0x1] =	stream.indirect.gather [hbm4b:s1+s13], $0x80, s17, s13, $0xb8;
	[tilespmem:$0x15040] =	vst v63  }
0xc4: {  	_ =	swait.ge [sflag:s15], $0xA000  }
0xc5: {  	[sflag:s15] =	ssyncset.done $0x0  }
0xc6: {  	s30 =	rddreg [dreg:$0xa];
	[sflag:s15] =	ssyncadd.s32 $0xFFFF6000  }
0xc7: {  	[hbm4b:s30+s31] =	stream.linear.scatter [tilespmem:s14], [sflag:$0x2], $0xA000, $0x38;
	[tilespmem:$0x15040] =	vst v63  }
0xc8: {  	_ =	swait.ge [sflag:s12], $0xA000  }
0xc9: {  	[sflag:s12] =	ssyncset.done $0x0  }
0xca: {  	[sflag:s12] =	ssyncadd.s32 $0xFFFF6000  }
0xcb: {  	[tilespmem:s14], [sflag:$0x1] =	stream.indirect.gather [hbm4b:s1+s13], $0x80, s18, s13, $0xb8;
	[tilespmem:$0x15040] =	vst v63  }
0xcc: {  	_ =	swait.ge [sflag:s15], $0xA000  }
0xcd: {  	[sflag:s15] =	ssyncset.done $0x0  }
0xce: {  	s30 =	rddreg [dreg:$0xb];
	[sflag:s15] =	ssyncadd.s32 $0xFFFF6000  }
0xcf: {  	[hbm4b:s30+s31] =	stream.linear.scatter [tilespmem:s14], [sflag:$0x2], $0xA000, $0x38;
	[tilespmem:$0x15040] =	vst v63  }
0xd0: {  	_ =	swait.ge [sflag:s12], $0xA000  }
0xd1: {  	[sflag:s12] =	ssyncset.done $0x0  }
0xd2: {  	[sflag:s12] =	ssyncadd.s32 $0xFFFF6000  }
0xd3: {  	[tilespmem:s14], [sflag:$0x1] =	stream.indirect.gather [hbm4b:s1+s13], $0x80, s19, s13, $0xb8;
	[tilespmem:$0x15040] =	vst v63  }
0xd4: {  	_ =	swait.ge [sflag:s15], $0xA000  }
0xd5: {  	[sflag:s15] =	ssyncset.done $0x0  }
0xd6: {  	s30 =	rddreg [dreg:$0xc];
	[sflag:s15] =	ssyncadd.s32 $0xFFFF6000  }
0xd7: {  	[hbm4b:s30+s31] =	stream.linear.scatter [tilespmem:s14], [sflag:$0x2], $0xA000, $0x38;
	[tilespmem:$0x15040] =	vst v63  }
0xd8: {  	_ =	swait.ge [sflag:s12], $0xA000  }
0xd9: {  	[sflag:s12] =	ssyncset.done $0x0  }
0xda: {  	[sflag:s12] =	ssyncadd.s32 $0xFFFF6000  }
0xdb: {  	[tilespmem:s14], [sflag:$0x1] =	stream.indirect.gather [hbm4b:s1+s13], $0x80, s20, s13, $0xb8;
	[tilespmem:$0x15040] =	vst v63  }
0xdc: {  	_ =	swait.ge [sflag:s15], $0xA000  }
0xdd: {  	[sflag:s15] =	ssyncset.done $0x0  }
0xde: {  	s30 =	rddreg [dreg:$0xd];
	[sflag:s15] =	ssyncadd.s32 $0xFFFF6000  }
0xdf: {  	[hbm4b:s30+s31] =	stream.linear.scatter [tilespmem:s14], [sflag:$0x2], $0xA000, $0x38;
	[tilespmem:$0x15040] =	vst v63  }
0xe0: {  	_ =	swait.ge [sflag:s12], $0xA000  }
0xe1: {  	[sflag:s12] =	ssyncset.done $0x0  }
0xe2: {  	[sflag:s12] =	ssyncadd.s32 $0xFFFF6000  }
0xe3: {  	[tilespmem:s14], [sflag:$0x1] =	stream.indirect.gather [hbm4b:s1+s13], $0x80, s21, s13, $0xb8;
	[tilespmem:$0x15040] =	vst v63  }
0xe4: {  	_ =	swait.ge [sflag:s15], $0xA000  }
0xe5: {  	[sflag:s15] =	ssyncset.done $0x0  }
0xe6: {  	s30 =	rddreg [dreg:$0xe];
	[sflag:s15] =	ssyncadd.s32 $0xFFFF6000  }
0xe7: {  	[hbm4b:s30+s31] =	stream.linear.scatter [tilespmem:s14], [sflag:$0x2], $0xA000, $0x38;
	[tilespmem:$0x15040] =	vst v63  }
0xe8: {  	_ =	swait.ge [sflag:s12], $0xA000  }
0xe9: {  	[sflag:s12] =	ssyncset.done $0x0  }
0xea: {  	s30 =	simm.s32 $0x8C0;
	[sflag:s12] =	ssyncadd.s32 $0xFFFF6000  }
0xeb: {  	[tilespmem:s14], [sflag:$0x1] =	stream.indirect.gather [hbm4b:s1+s13], $0x80, s30, s13, $0xb8;
	[tilespmem:$0x15040] =	vst v63  }
0xec: {  	_ =	swait.ge [sflag:s15], $0xA000  }
0xed: {  	[sflag:s15] =	ssyncset.done $0x0  }
0xee: {  	s0 =	rddreg [dreg:$0x11];
	[sflag:s15] =	ssyncadd.s32 $0xFFFF6000  }
0xef: {  	[hbm4b:s0+s31] =	stream.linear.scatter [tilespmem:s14], [sflag:$0x2], $0xA000, $0x38;
	[tilespmem:$0x15040] =	vst v63  }
0xf0: {  	_ =	swait.ge [sflag:s12], $0xA000  }
0xf1: {  	[sflag:s12] =	ssyncset.done $0x0  }
0xf2: {  	[sflag:s12] =	ssyncadd.s32 $0xFFFF6000  }
0xf3: {  	[tilespmem:s14], [sflag:$0x1] =	stream.indirect.gather [hbm4b:s1+s13], $0x80, s22, s13, $0xb8;
	[tilespmem:$0x15040] =	vst v63  }
0xf4: {  	_ =	swait.ge [sflag:s15], $0xA000  }
0xf5: {  	[sflag:s15] =	ssyncset.done $0x0  }
0xf6: {  	s0 =	rddreg [dreg:$0x12];
	[sflag:s15] =	ssyncadd.s32 $0xFFFF6000  }
0xf7: {  	[hbm4b:s0+s31] =	stream.linear.scatter [tilespmem:s14], [sflag:$0x2], $0xA000, $0x38;
	[tilespmem:$0x15040] =	vst v63  }
0xf8: {  	_ =	swait.ge [sflag:s12], $0xA000  }
0xf9: {  	[sflag:s12] =	ssyncset.done $0x0  }
0xfa: {  	[sflag:s12] =	ssyncadd.s32 $0xFFFF6000  }
0xfb: {  	[tilespmem:s14], [sflag:$0x1] =	stream.indirect.gather [hbm4b:s1+s13], $0x80, s23, s13, $0xb8;
	[tilespmem:$0x15040] =	vst v63  }
0xfc: {  	_ =	swait.ge [sflag:s15], $0xA000  }
0xfd: {  	[sflag:s15] =	ssyncset.done $0x0  }
0xfe: {  	s0 =	rddreg [dreg:$0x13];
	[sflag:s15] =	ssyncadd.s32 $0xFFFF6000  }
0xff: {  	[hbm4b:s0+s31] =	stream.linear.scatter [tilespmem:s14], [sflag:$0x2], $0xA000, $0x38;
	[tilespmem:$0x15040] =	vst v63  }
0x100: {  	_ =	swait.ge [sflag:s12], $0xA000  }
0x101: {  	[sflag:s12] =	ssyncset.done $0x0  }
0x102: {  	[sflag:s12] =	ssyncadd.s32 $0xFFFF6000  }
0x103: {  	[tilespmem:s14], [sflag:$0x1] =	stream.indirect.gather [hbm4b:s1+s13], $0x80, s24, s13, $0xb8;
	[tilespmem:$0x15040] =	vst v63  }
0x104: {  	_ =	swait.ge [sflag:s15], $0xA000  }
0x105: {  	[sflag:s15] =	ssyncset.done $0x0  }
0x106: {  	s0 =	rddreg [dreg:$0x14];
	[sflag:s15] =	ssyncadd.s32 $0xFFFF6000  }
0x107: {  	[hbm4b:s0+s31] =	stream.linear.scatter [tilespmem:s14], [sflag:$0x2], $0xA000, $0x38;
	[tilespmem:$0x15040] =	vst v63  }
0x108: {  	_ =	swait.ge [sflag:s12], $0xA000  }
0x109: {  	[sflag:s12] =	ssyncset.done $0x0  }
0x10a: {  	[sflag:s12] =	ssyncadd.s32 $0xFFFF6000  }
0x10b: {  	[tilespmem:s14], [sflag:$0x1] =	stream.indirect.gather [hbm4b:s1+s13], $0x80, s25, s13, $0xb8;
	[tilespmem:$0x15040] =	vst v63  }
0x10c: {  	_ =	swait.ge [sflag:s15], $0xA000  }
0x10d: {  	[sflag:s15] =	ssyncset.done $0x0  }
0x10e: {  	s0 =	rddreg [dreg:$0x15];
	[sflag:s15] =	ssyncadd.s32 $0xFFFF6000  }
0x10f: {  	[hbm4b:s0+s31] =	stream.linear.scatter [tilespmem:s14], [sflag:$0x2], $0xA000, $0x38;
	[tilespmem:$0x15040] =	vst v63  }
0x110: {  	_ =	swait.ge [sflag:s12], $0xA000  }
0x111: {  	[sflag:s12] =	ssyncset.done $0x0  }
0x112: {  	[sflag:s12] =	ssyncadd.s32 $0xFFFF6000  }
0x113: {  	[tilespmem:s14], [sflag:$0x1] =	stream.indirect.gather [hbm4b:s1+s13], $0x80, s26, s13, $0xb8;
	[tilespmem:$0x15040] =	vst v63  }
0x114: {  	_ =	swait.ge [sflag:s15], $0xA000  }
0x115: {  	[sflag:s15] =	ssyncset.done $0x0  }
0x116: {  	s0 =	rddreg [dreg:$0x16];
	[sflag:s15] =	ssyncadd.s32 $0xFFFF6000  }
0x117: {  	[hbm4b:s0+s31] =	stream.linear.scatter [tilespmem:s14], [sflag:$0x2], $0xA000, $0x38;
	[tilespmem:$0x15040] =	vst v63  }
0x118: {  	_ =	swait.ge [sflag:s12], $0xA000  }
0x119: {  	[sflag:s12] =	ssyncset.done $0x0  }
0x11a: {  	s0 =	rddreg [dreg:$0xf];
	[sflag:s12] =	ssyncadd.s32 $0xFFFF6000  }
0x11b: {  	[tilespmem:s31], [sflag:$0x2] =	stream.linear.gather [hbm4b:s0+s31], $0x140, $0x38;
	[tilespmem:$0x15040] =	vst v63  }
0x11c: {  	_ =	swait.ge [sflag:s12], $0x140  }
0x11d: {  	[sflag:s12] =	ssyncset.done $0x0  }
0x11e: {  	[sflag:s12] =	ssyncadd.s32 $0xFFFFFEC0  }
0x11f: {  	[tilespmem:s14], [sflag:$0x1] =	stream.indirect.gather [hbm4b:s1+s13], $0x80, s31, s13, $0xb8;
	[tilespmem:$0x15040] =	vst v63  }
0x120: {  	_ =	swait.ge [sflag:s15], $0xA000  }
0x121: {  	[sflag:s15] =	ssyncset.done $0x0  }
0x122: {  	s0 =	rddreg [dreg:$0x1a];
	[sflag:s15] =	ssyncadd.s32 $0xFFFF6000  }
0x123: {  	[hbm4b:s0+s31] =	stream.linear.scatter [tilespmem:s14], [sflag:$0x2], $0xA000, $0x38;
	[tilespmem:$0x15040] =	vst v63  }
0x124: {  	_ =	swait.ge [sflag:s12], $0xA000  }
0x125: {  	[sflag:s12] =	ssyncset.done $0x0  }
0x126: {  	[sflag:s12] =	ssyncadd.s32 $0xFFFF6000  }
0x127: {  	[tilespmem:s16], [sflag:$0x1] =	stream.indirect.gather [hbm4b:s4+s13], $0x80, s31, s13, $0xb8;
	[tilespmem:$0x15040] =	vst v63  }
0x128: {  	_ =	swait.ge [sflag:s15], $0xA000  }
0x129: {  	[sflag:s15] =	ssyncset.done $0x0  }
0x12a: {  	s0 =	rddreg [dreg:$0x1d];
	[sflag:s15] =	ssyncadd.s32 $0xFFFF6000  }
0x12b: {  	[hbm4b:s0+s31] =	stream.linear.scatter [tilespmem:s16], [sflag:$0x2], $0xA000, $0x38;
	[tilespmem:$0x15040] =	vst v63  }
0x12c: {  	_ =	swait.ge [sflag:s12], $0xA000  }
0x12d: {  	[sflag:s12] =	ssyncset.done $0x0  }
0x12e: {  	s0 =	rddreg [dreg:$0x10];
	[sflag:s12] =	ssyncadd.s32 $0xFFFF6000  }
0x12f: {  	[tilespmem:s31], [sflag:$0x2] =	stream.linear.gather [hbm4b:s0+s31], $0x140, $0x38;
	[tilespmem:$0x15040] =	vst v63  }
0x130: {  	_ =	swait.ge [sflag:s12], $0x140  }
0x131: {  	[sflag:s12] =	ssyncset.done $0x0  }
0x132: {  	[sflag:s12] =	ssyncadd.s32 $0xFFFFFEC0  }
0x133: {  	[tilespmem:s14], [sflag:$0x1] =	stream.indirect.gather [hbm4b:s1+s13], $0x80, s31, s13, $0xb8;
	[tilespmem:$0x15040] =	vst v63  }
0x134: {  	v1 =	vmov s31;
	_ =	swait.ge [sflag:s15], $0xA000  }
0x135: {  	v1 =	vshll.u32 v1, $0x7;
	[sflag:s15] =	ssyncset.done $0x0  }
0x136: {  	v1 =	vor.u32 v0, v1;
	[sflag:s15] =	ssyncadd.s32 $0xFFFF6000  }
0x137: {  	[hbm4b:s5+s31] =	stream.linear.scatter [tilespmem:s14], [sflag:$0x2], $0xA000, $0x38;
	[tilespmem:$0x15040] =	vst v63  }
0x138: {  	_ =	swait.ge [sflag:s12], $0xA000  }
0x139: {  	[sflag:s12] =	ssyncset.done $0x0  }
0x13a: {  	[sflag:s12] =	ssyncadd.s32 $0xFFFF6000  }
0x13b: {  	v2 =	vld.idx.msk [tilespmem:v1+s16+$0x0], $0xffff  }
0x13c: {  	v3 =	vor.u32 $0x1, v1;
	_ =	sdelay $0x3  }
0x13d: {  	[tilespmem:s30+$0xFFFFF880] =	vst v2  }
0x13e: {  	v2 =	vld.idx.msk [tilespmem:v3+s16+$0x0], $0xffff  }
0x13f: {  	v3 =	vor.u32 $0x2, v1;
	_ =	sdelay $0x3  }
0x140: {  	[tilespmem:s30+$0xFFFFF9C0] =	vst v2  }
0x141: {  	v2 =	vld.idx.msk [tilespmem:v3+s16+$0x0], $0xffff  }
0x142: {  	v3 =	vor.u32 $0x3, v1;
	_ =	sdelay $0x3  }
0x143: {  	[tilespmem:s30+$0xFFFFFB00] =	vst v2  }
0x144: {  	v2 =	vld.idx.msk [tilespmem:v3+s16+$0x0], $0xffff  }
0x145: {  	v3 =	vor.u32 $0x4, v1;
	_ =	sdelay $0x3  }
0x146: {  	[tilespmem:s30+$0xFFFFFC40] =	vst v2  }
0x147: {  	v2 =	vld.idx.msk [tilespmem:v3+s16+$0x0], $0xffff  }
0x148: {  	v3 =	vor.u32 $0x5, v1;
	_ =	sdelay $0x3  }
0x149: {  	[tilespmem:s30+$0xFFFFFD80] =	vst v2  }
0x14a: {  	v2 =	vld.idx.msk [tilespmem:v3+s16+$0x0], $0xffff  }
0x14b: {  	v3 =	vor.u32 $0x6, v1;
	_ =	sdelay $0x3  }
0x14c: {  	[tilespmem:s30+$0xFFFFFEC0] =	vst v2  }
0x14d: {  	v2 =	vld.idx.msk [tilespmem:v3+s16+$0x0], $0xffff  }
0x14e: {  	v3 =	vor.u32 $0x7, v1;
	_ =	sdelay $0x3  }
0x14f: {  	[tilespmem:s30+$0x0] =	vst v2  }
0x150: {  	v2 =	vld.idx.msk [tilespmem:v3+s16+$0x0], $0xffff  }
0x151: {  	v3 =	vor.u32 $0x8, v1;
	_ =	sdelay $0x3  }
0x152: {  	[tilespmem:s30+$0x140] =	vst v2  }
0x153: {  	v2 =	vld.idx.msk [tilespmem:v3+s16+$0x0], $0xffff  }
0x154: {  	v3 =	vor.u32 $0x9, v1;
	_ =	sdelay $0x3  }
0x155: {  	[tilespmem:s30+$0x280] =	vst v2  }
0x156: {  	v2 =	vld.idx.msk [tilespmem:v3+s16+$0x0], $0xffff  }
0x157: {  	v3 =	vor.u32 $0xA, v1;
	_ =	sdelay $0x3  }
0x158: {  	[tilespmem:s30+$0x3C0] =	vst v2  }
0x159: {  	v2 =	vld.idx.msk [tilespmem:v3+s16+$0x0], $0xffff  }
0x15a: {  	v1 =	vor.u32 $0xB, v1;
	_ =	sdelay $0x3  }
0x15b: {  	s31 =	simm.s32 $0x10;
	[tilespmem:s30+$0x500] =	vst v2  }
0x15c: {  	v2 =	vmov s31;
	s31 =	simm.s32 $0x20;
	v1 =	vld.idx.msk [tilespmem:v1+s16+$0x0], $0xffff  }
.LBB2_4:
0x15d: {  	p0 =	sne.s32 s31, $0x130;
	v2 =	vshll.u32 v2, $0x7  }
0x15e: {  	v2 =	vor.u32 v0, v2;
	_ =	sdelay $0x3  }
0x15f: {  	[tilespmem:s30+$0x640] =	vst v1  }
0x160: {  	v1 =	vld.idx.msk [tilespmem:v2+s16+$0x0], $0xffff;
	_ =	sdelay $0x1  }
0x161: {  	v3 =	vor.u32 $0x1, v2;
	_ =	sdelay $0x2  }
0x162: {  	s30 =	sadd.s32 $0x10, s30  }
0x163: {  	[tilespmem:s30+$0xFFFFF880] =	vst v1  }
0x164: {  	v1 =	vld.idx.msk [tilespmem:v3+s16+$0x0], $0xffff;
	_ =	sdelay $0x1  }
0x165: {  	v3 =	vor.u32 $0x2, v2;
	_ =	sdelay $0x3  }
0x166: {  	[tilespmem:s30+$0xFFFFF9C0] =	vst v1  }
0x167: {  	v1 =	vld.idx.msk [tilespmem:v3+s16+$0x0], $0xffff;
	_ =	sdelay $0x1  }
0x168: {  	v3 =	vor.u32 $0x3, v2;
	_ =	sdelay $0x3  }
0x169: {  	[tilespmem:s30+$0xFFFFFB00] =	vst v1  }
0x16a: {  	v1 =	vld.idx.msk [tilespmem:v3+s16+$0x0], $0xffff;
	_ =	sdelay $0x1  }
0x16b: {  	v3 =	vor.u32 $0x4, v2;
	_ =	sdelay $0x3  }
0x16c: {  	[tilespmem:s30+$0xFFFFFC40] =	vst v1  }
0x16d: {  	v1 =	vld.idx.msk [tilespmem:v3+s16+$0x0], $0xffff;
	_ =	sdelay $0x1  }
0x16e: {  	v3 =	vor.u32 $0x5, v2;
	_ =	sdelay $0x3  }
0x16f: {  	[tilespmem:s30+$0xFFFFFD80] =	vst v1  }
0x170: {  	v1 =	vld.idx.msk [tilespmem:v3+s16+$0x0], $0xffff;
	_ =	sdelay $0x1  }
0x171: {  	v3 =	vor.u32 $0x6, v2;
	_ =	sdelay $0x3  }
0x172: {  	[tilespmem:s30+$0xFFFFFEC0] =	vst v1  }
0x173: {  	v1 =	vld.idx.msk [tilespmem:v3+s16+$0x0], $0xffff;
	_ =	sdelay $0x1  }
0x174: {  	v3 =	vor.u32 $0x7, v2;
	_ =	sdelay $0x3  }
0x175: {  	[tilespmem:s30+$0x0] =	vst v1  }
0x176: {  	v1 =	vld.idx.msk [tilespmem:v3+s16+$0x0], $0xffff;
	_ =	sdelay $0x1  }
0x177: {  	v3 =	vor.u32 $0x8, v2;
	_ =	sdelay $0x3  }
0x178: {  	[tilespmem:s30+$0x140] =	vst v1  }
0x179: {  	v1 =	vld.idx.msk [tilespmem:v3+s16+$0x0], $0xffff;
	_ =	sdelay $0x1  }
0x17a: {  	v3 =	vor.u32 $0x9, v2;
	_ =	sdelay $0x3  }
0x17b: {  	[tilespmem:s30+$0x280] =	vst v1  }
0x17c: {  	v1 =	vld.idx.msk [tilespmem:v3+s16+$0x0], $0xffff;
	_ =	sdelay $0x1  }
0x17d: {  	v3 =	vor.u32 $0xA, v2;
	_ =	sdelay $0x3  }
0x17e: {  	[tilespmem:s30+$0x3C0] =	vst v1  }
0x17f: {  	v1 =	vld.idx.msk [tilespmem:v3+s16+$0x0], $0xffff;
	_ =	sdelay $0x1  }
0x180: {  	v3 =	vor.u32 $0xB, v2  }
.Ltmp1:
0x181: {  	(pc) =	sbr.rel @p0 .LBB2_4-.Ltmp1, $3  }
0x182: {  	_ =	sdelay $0x1  }
0x183: {  	[tilespmem:s30+$0x500] =	vst v1  }
0x184: {  	v2 =	vmov s31;
	s31 =	sadd.s32 $0x10, s31;
	v1 =	vld.idx.msk [tilespmem:v3+s16+$0x0], $0xffff  }
0x185: {  	v2 =	vshll.u32 v2, $0x7  }
0x186: {  	v2 =	vor.u32 v0, v2;
	_ =	sdelay $0x3  }
0x187: {  	[tilespmem:s30+$0x640] =	vst v1  }
0x188: {  	v1 =	vld.idx.msk [tilespmem:v2+s16+$0x0], $0xffff  }
0x189: {  	v3 =	vor.u32 $0x1, v2;
	_ =	sdelay $0x2  }
0x18a: {  	s0 =	sadd.s32 $0x10, s30  }
0x18b: {  	[tilespmem:s0+$0xFFFFF880] =	vst v1  }
0x18c: {  	v1 =	vld.idx.msk [tilespmem:v3+s16+$0x0], $0xffff  }
0x18d: {  	v3 =	vor.u32 $0x2, v2;
	_ =	sdelay $0x3  }
0x18e: {  	[tilespmem:s0+$0xFFFFF9C0] =	vst v1  }
0x18f: {  	v1 =	vld.idx.msk [tilespmem:v3+s16+$0x0], $0xffff  }
0x190: {  	v3 =	vor.u32 $0x3, v2;
	_ =	sdelay $0x3  }
0x191: {  	[tilespmem:s0+$0xFFFFFB00] =	vst v1  }
0x192: {  	v1 =	vld.idx.msk [tilespmem:v3+s16+$0x0], $0xffff  }
0x193: {  	v3 =	vor.u32 $0x4, v2;
	_ =	sdelay $0x3  }
0x194: {  	[tilespmem:s0+$0xFFFFFC40] =	vst v1  }
0x195: {  	v1 =	vld.idx.msk [tilespmem:v3+s16+$0x0], $0xffff  }
0x196: {  	v3 =	vor.u32 $0x5, v2;
	_ =	sdelay $0x3  }
0x197: {  	[tilespmem:s0+$0xFFFFFD80] =	vst v1  }
0x198: {  	v1 =	vld.idx.msk [tilespmem:v3+s16+$0x0], $0xffff  }
0x199: {  	v3 =	vor.u32 $0x6, v2;
	_ =	sdelay $0x3  }
0x19a: {  	[tilespmem:s0+$0xFFFFFEC0] =	vst v1  }
0x19b: {  	v1 =	vld.idx.msk [tilespmem:v3+s16+$0x0], $0xffff  }
0x19c: {  	v3 =	vor.u32 $0x7, v2;
	_ =	sdelay $0x3  }
0x19d: {  	[tilespmem:s0+$0x0] =	vst v1  }
0x19e: {  	v1 =	vld.idx.msk [tilespmem:v3+s16+$0x0], $0xffff  }
0x19f: {  	v3 =	vor.u32 $0x8, v2;
	_ =	sdelay $0x3  }
0x1a0: {  	[tilespmem:s0+$0x140] =	vst v1  }
0x1a1: {  	v1 =	vld.idx.msk [tilespmem:v3+s16+$0x0], $0xffff  }
0x1a2: {  	v3 =	vor.u32 $0x9, v2;
	_ =	sdelay $0x3  }
0x1a3: {  	[tilespmem:s0+$0x280] =	vst v1  }
0x1a4: {  	v1 =	vld.idx.msk [tilespmem:v3+s16+$0x0], $0xffff  }
0x1a5: {  	v3 =	vor.u32 $0xA, v2;
	_ =	sdelay $0x3  }
0x1a6: {  	[tilespmem:s0+$0x3C0] =	vst v1  }
0x1a7: {  	v1 =	vld.idx.msk [tilespmem:v3+s16+$0x0], $0xffff  }
0x1a8: {  	v2 =	vor.u32 $0xB, v2;
	_ =	sdelay $0x3  }
0x1a9: {  	[tilespmem:s0+$0x500] =	vst v1  }
0x1aa: {  	v1 =	vld.idx.msk [tilespmem:v2+s16+$0x0], $0xffff;
	_ =	sdelay $0x4  }
0x1ab: {  	[tilespmem:s0+$0x640] =	vst v1  }
0x1ac: {  	[tilespmem:s14], [sflag:$0x1] =	stream.indirect.gather [hbm4b:s1+s13], $0x80, s13, s13, $0xb8;
	[tilespmem:$0x15040] =	vst v63  }
0x1ad: {  	_ =	swait.ge [sflag:s15], $0xA000  }
0x1ae: {  	[sflag:s15] =	ssyncset.done $0x0  }
0x1af: {  	[sflag:s15] =	ssyncadd.s32 $0xFFFF6000  }
0x1b0: {  	[hbm4b:s8+s3] =	stream.linear.scatter [tilespmem:s14], [sflag:$0x2], $0xA000, $0x38;
	[tilespmem:$0x15040] =	vst v63  }
0x1b1: {  	_ =	swait.ge [sflag:s12], $0xA000  }
0x1b2: {  	[sflag:s12] =	ssyncset.done $0x0  }
0x1b3: {  	[sflag:s12] =	ssyncadd.s32 $0xFFFF6000  }
0x1b4: {  	[tilespmem:s14], [sflag:$0x1] =	stream.indirect.gather [hbm4b:s1+s13], $0x80, s17, s13, $0xb8;
	[tilespmem:$0x15040] =	vst v63  }
0x1b5: {  	_ =	swait.ge [sflag:s15], $0xA000  }
0x1b6: {  	[sflag:s15] =	ssyncset.done $0x0  }
0x1b7: {  	s0 =	rddreg [dreg:$0x17];
	[sflag:s15] =	ssyncadd.s32 $0xFFFF6000  }
0x1b8: {  	[hbm4b:s0+s3] =	stream.linear.scatter [tilespmem:s14], [sflag:$0x2], $0xA000, $0x38;
	[tilespmem:$0x15040] =	vst v63  }
0x1b9: {  	_ =	swait.ge [sflag:s12], $0xA000  }
0x1ba: {  	[sflag:s12] =	ssyncset.done $0x0  }
0x1bb: {  	[sflag:s12] =	ssyncadd.s32 $0xFFFF6000  }
0x1bc: {  	[tilespmem:s14], [sflag:$0x1] =	stream.indirect.gather [hbm4b:s1+s13], $0x80, s18, s13, $0xb8;
	[tilespmem:$0x15040] =	vst v63  }
0x1bd: {  	_ =	swait.ge [sflag:s15], $0xA000  }
0x1be: {  	[sflag:s15] =	ssyncset.done $0x0  }
0x1bf: {  	s31 =	rddreg [dreg:$0x18];
	[sflag:s15] =	ssyncadd.s32 $0xFFFF6000  }
0x1c0: {  	[hbm4b:s31+s3] =	stream.linear.scatter [tilespmem:s14], [sflag:$0x2], $0xA000, $0x38;
	[tilespmem:$0x15040] =	vst v63  }
0x1c1: {  	_ =	swait.ge [sflag:s12], $0xA000  }
0x1c2: {  	[sflag:s12] =	ssyncset.done $0x0  }
0x1c3: {  	[sflag:s12] =	ssyncadd.s32 $0xFFFF6000  }
0x1c4: {  	[tilespmem:s14], [sflag:$0x1] =	stream.indirect.gather [hbm4b:s1+s13], $0x80, s19, s13, $0xb8;
	[tilespmem:$0x15040] =	vst v63  }
0x1c5: {  	_ =	swait.ge [sflag:s15], $0xA000  }
0x1c6: {  	[sflag:s15] =	ssyncset.done $0x0  }
0x1c7: {  	s30 =	rddreg [dreg:$0x19];
	[sflag:s15] =	ssyncadd.s32 $0xFFFF6000  }
0x1c8: {  	[hbm4b:s30+s3] =	stream.linear.scatter [tilespmem:s14], [sflag:$0x2], $0xA000, $0x38;
	[tilespmem:$0x15040] =	vst v63  }
0x1c9: {  	_ =	swait.ge [sflag:s12], $0xA000  }
0x1ca: {  	[sflag:s12] =	ssyncset.done $0x0  }
0x1cb: {  	[sflag:s12] =	ssyncadd.s32 $0xFFFF6000  }
0x1cc: {  	[tilespmem:s14], [sflag:$0x1] =	stream.indirect.gather [hbm4b:s1+s13], $0x80, s20, s13, $0xb8;
	[tilespmem:$0x15040] =	vst v63  }
0x1cd: {  	_ =	swait.ge [sflag:s15], $0xA000  }
0x1ce: {  	[sflag:s15] =	ssyncset.done $0x0  }
0x1cf: {  	s31 =	rddreg [dreg:$0x1b];
	[sflag:s15] =	ssyncadd.s32 $0xFFFF6000  }
0x1d0: {  	[hbm4b:s31+s3] =	stream.linear.scatter [tilespmem:s14], [sflag:$0x2], $0xA000, $0x38;
	[tilespmem:$0x15040] =	vst v63  }
0x1d1: {  	_ =	swait.ge [sflag:s12], $0xA000  }
0x1d2: {  	[sflag:s12] =	ssyncset.done $0x0  }
0x1d3: {  	[sflag:s12] =	ssyncadd.s32 $0xFFFF6000  }
0x1d4: {  	[tilespmem:s14], [sflag:$0x1] =	stream.indirect.gather [hbm4b:s1+s13], $0x80, s21, s13, $0xb8;
	[tilespmem:$0x15040] =	vst v63  }
0x1d5: {  	_ =	swait.ge [sflag:s15], $0xA000  }
0x1d6: {  	[sflag:s15] =	ssyncset.done $0x0  }
0x1d7: {  	s30 =	rddreg [dreg:$0x1c];
	[sflag:s15] =	ssyncadd.s32 $0xFFFF6000  }
0x1d8: {  	[hbm4b:s30+s3] =	stream.linear.scatter [tilespmem:s14], [sflag:$0x2], $0xA000, $0x38;
	[tilespmem:$0x15040] =	vst v63  }
0x1d9: {  	_ =	swait.ge [sflag:s12], $0xA000  }
0x1da: {  	[sflag:s12] =	ssyncset.done $0x0  }
0x1db: {  	[sflag:s12] =	ssyncadd.s32 $0xFFFF6000  }
0x1dc: {  	[tilespmem:s14], [sflag:$0x1] =	stream.indirect.gather [hbm4b:s1+s13], $0x80, s28, s13, $0xb8;
	[tilespmem:$0x15040] =	vst v63  }
0x1dd: {  	_ =	swait.ge [sflag:s15], $0xA000  }
0x1de: {  	[sflag:s15] =	ssyncset.done $0x0  }
0x1df: {  	s31 =	rddreg [dreg:$0x1e];
	[sflag:s15] =	ssyncadd.s32 $0xFFFF6000  }
0x1e0: {  	[hbm4b:s31+s3] =	stream.linear.scatter [tilespmem:s14], [sflag:$0x2], $0xA000, $0x38;
	[tilespmem:$0x15040] =	vst v63  }
0x1e1: {  	_ =	swait.ge [sflag:s12], $0xA000  }
0x1e2: {  	[sflag:s12] =	ssyncset.done $0x0  }
0x1e3: {  	[sflag:s12] =	ssyncadd.s32 $0xFFFF6000  }
0x1e4: {  	[tilespmem:s14], [sflag:$0x1] =	stream.indirect.gather [hbm4b:s1+s13], $0x80, s22, s13, $0xb8;
	[tilespmem:$0x15040] =	vst v63  }
0x1e5: {  	_ =	swait.ge [sflag:s15], $0xA000  }
0x1e6: {  	[sflag:s15] =	ssyncset.done $0x0  }
0x1e7: {  	[sflag:s15] =	ssyncadd.s32 $0xFFFF6000  }
0x1e8: {  	[hbm4b:s2+s3] =	stream.linear.scatter [tilespmem:s14], [sflag:$0x2], $0xA000, $0x38;
	[tilespmem:$0x15040] =	vst v63  }
0x1e9: {  	_ =	swait.ge [sflag:s12], $0xA000  }
0x1ea: {  	[sflag:s12] =	ssyncset.done $0x0  }
0x1eb: {  	[sflag:s12] =	ssyncadd.s32 $0xFFFF6000  }
0x1ec: {  	[tilespmem:s14], [sflag:$0x1] =	stream.indirect.gather [hbm4b:s1+s13], $0x80, s23, s13, $0xb8;
	[tilespmem:$0x15040] =	vst v63  }
0x1ed: {  	_ =	swait.ge [sflag:s15], $0xA000  }
0x1ee: {  	[sflag:s15] =	ssyncset.done $0x0  }
0x1ef: {  	[sflag:s15] =	ssyncadd.s32 $0xFFFF6000  }
0x1f0: {  	[hbm4b:s6+s3] =	stream.linear.scatter [tilespmem:s14], [sflag:$0x2], $0xA000, $0x38;
	[tilespmem:$0x15040] =	vst v63  }
0x1f1: {  	_ =	swait.ge [sflag:s12], $0xA000  }
0x1f2: {  	[sflag:s12] =	ssyncset.done $0x0  }
0x1f3: {  	[sflag:s12] =	ssyncadd.s32 $0xFFFF6000  }
0x1f4: {  	[tilespmem:s14], [sflag:$0x1] =	stream.indirect.gather [hbm4b:s1+s13], $0x80, s24, s13, $0xb8;
	[tilespmem:$0x15040] =	vst v63  }
0x1f5: {  	_ =	swait.ge [sflag:s15], $0xA000  }
0x1f6: {  	[sflag:s15] =	ssyncset.done $0x0  }
0x1f7: {  	[sflag:s15] =	ssyncadd.s32 $0xFFFF6000  }
0x1f8: {  	[hbm4b:s7+s3] =	stream.linear.scatter [tilespmem:s14], [sflag:$0x2], $0xA000, $0x38;
	[tilespmem:$0x15040] =	vst v63  }
0x1f9: {  	_ =	swait.ge [sflag:s12], $0xA000  }
0x1fa: {  	[sflag:s12] =	ssyncset.done $0x0  }
0x1fb: {  	[sflag:s12] =	ssyncadd.s32 $0xFFFF6000  }
0x1fc: {  	[tilespmem:s14], [sflag:$0x1] =	stream.indirect.gather [hbm4b:s1+s13], $0x80, s25, s13, $0xb8;
	[tilespmem:$0x15040] =	vst v63  }
0x1fd: {  	_ =	swait.ge [sflag:s15], $0xA000  }
0x1fe: {  	[sflag:s15] =	ssyncset.done $0x0  }
0x1ff: {  	[sflag:s15] =	ssyncadd.s32 $0xFFFF6000  }
0x200: {  	[hbm4b:s9+s3] =	stream.linear.scatter [tilespmem:s14], [sflag:$0x2], $0xA000, $0x38;
	[tilespmem:$0x15040] =	vst v63  }
0x201: {  	_ =	swait.ge [sflag:s12], $0xA000  }
0x202: {  	[sflag:s12] =	ssyncset.done $0x0  }
0x203: {  	[sflag:s12] =	ssyncadd.s32 $0xFFFF6000  }
0x204: {  	[tilespmem:s14], [sflag:$0x1] =	stream.indirect.gather [hbm4b:s1+s13], $0x80, s26, s13, $0xb8;
	[tilespmem:$0x15040] =	vst v63  }
0x205: {  	s29 =	sadd.s32 $0x1, s29;
	_ =	swait.ge [sflag:s15], $0xA000  }
0x206: {  	p0 =	sne.s32 s29, s11;
	[sflag:s15] =	ssyncset.done $0x0  }
.Ltmp2:
0x207: {  	[sflag:s15] =	ssyncadd.s32 $0xFFFF6000;
	(pc) =	sbr.rel @p0 .LBB2_1-.Ltmp2, $4  }
0x208: {  	[hbm4b:s10+s3] =	stream.linear.scatter [tilespmem:s14], [sflag:$0x2], $0xA000, $0x38;
	[tilespmem:$0x15040] =	vst v63  }
0x209: {  	_ =	swait.ge [sflag:s12], $0xA000  }
0x20a: {  	[sflag:s12] =	ssyncset.done $0x0  }
0x20b: {  	[sflag:s12] =	ssyncadd.s32 $0xFFFF6000  }
0x20c: {  	_ =	sfence.sel $0x180000  }
0x20d: {  	[bflag:$0x0] =	sbarrier.arrive $0xFFFF  }
0x20e: {  	_ =	strace $0x90000047  }
0x20f: {  	s0 =	stileid.u32;
	[bflag:$0x2] =	sbarrier.arrive $0xFFFF  }
0x210: {  	p0 =	sne.s32 s0, $0x0;
	s0 =	rddreg [dreg:$0x3]  }
0x211: {  	s0 =	sadd.s32 @!p0 $0x100000, s0  }
0x212: {  	[sflag:s0] =	ssyncadd.tile.s32 @!p0 $0x1;
	_ =	shalt  }
.Lfunc_end2:
_tile_overlayer_lowered:
.L_overlay_start_2:
0x213: {  	(tag) =	ssettag $0x2  }
0x214: {  	s0 =	rddreg [dreg:$0x0];
	s2 =	stileid.u32  }
0x215: {  	s1 =	rddreg [dreg:$0x1];
	p0 =	sne.s32 s2, $0x0  }
0x216: {  	s3 =	rddreg [dreg:$0x2];
	[bflag:$0x3] =	sbarrier.arrive $0xFFFF;
	s2 =	simm.s32 @!p0 $0x1C02  }
0x217: {  	[timem:s3], [sflag:s2] =	dma.local @!p0 [hbm:s0], s1  }
0x218: {  	s0 =	simm.s32 @!p0 $0x2  }
0x219: {  	_ =	swait.ge @!p0 [sflag:s0], s1  }
0x21a: {  	s1 =	ssub.s32 @!p0 $0x0, s1;
	[sflag:s0] =	ssyncset.done @!p0 $0x0  }
0x21b: {  	[sflag:s0] =	ssyncadd.s32 @!p0 s1  }
0x21c: {  	[bflag:$0x3] =	sbarrier.arrive $0xFFFF  }
0x21d: {  	_ =	shalt  }

// kernel: kernel.9.cloned.1.call-start
scs
__scs_entry_jumppad:
0x0: {  	(pc) =	sbr.rel $0x88, $3  }
0x1: {  	(tag) =	ssettag $0x0;
	lr =	simm.s32 $0x1  }
0x2: {  	[smem:$0x3F93] =	sst lr;
	_ =	strace $0xD0000000  }
0x3: {  	_ = 	snop  }
0x4: {  	_ = 	snop  }
0x5: {  	_ = 	snop  }
0x6: {  	_ = 	snop  }
0x7: {  	_ = 	snop  }
__scs_overlays_trampoline_lowered:
0x8: {  	[smem:$0x3FA2] =	sst s0  }
0x9: {  	[smem:$0x3FA3] =	sst s1  }
0xa: {  	[smem:$0x3FA4] =	sst s2  }
0xb: {  	[smem:$0x3FA5] =	sst s3  }
0xc: {  	[smem:$0x3FA6] =	sst s4  }
0xd: {  	[smem:$0x3FA7] =	sst s5  }
0xe: {  	[smem:$0x3FA8] =	sst s6  }
0xf: {  	[smem:$0x3FA9] =	sst s7  }
0x10: {  	[smem:$0x3FAA] =	sst s8  }
0x11: {  	[smem:$0x3FAB] =	sst s9;
	s0 =	simm.s32 @!p0 $0x0  }
0x12: {  	s1 =	sld [smem:$0x3F91];
	s0 =	simm.s32 @p0 $0x1  }
0x13: {  	[smem:$0x3FAC] =	sst s0;
	s0 =	simm.s32 @!p1 $0x0  }
0x14: {  	s2 =	sld [smem:$0x3F90];
	s0 =	simm.s32 @p1 $0x1  }
0x15: {  	[smem:$0x3FAD] =	sst s0;
	s0 =	simm.s32 @!p2 $0x0  }
0x16: {  	s3 =	sld [smem:$0x3FDB];
	s0 =	simm.s32 @p2 $0x1  }
0x17: {  	s4 =	simm.s32 $0x1BF5;
	[smem:$0x3FAF] =	sst s0  }
0x18: {  	s0 =	sld [smem:$0x3F92];
	_ =	swait.ge [sflag:s4], $0x0  }
0x19: {  	s7 =	sld [smem:$0x3F93]  }
0x1a: {  	s8 =	sadd.s32 $0xFFFFE003, lr  }
0x1b: {  	s9 =	sadd.s32 $0xFFFFFEF7, lr;
	s5 =	simm.s32 $0xFFFFFFFF;
	p2 =	slt.u32 s8, $0xFFFFF086  }
0x1c: {  	p1 =	slt.u32 s9, $0xF7A;
	s5 =	simm.s32 @!p2 $0x0  }
0x1d: {  	s5 =	simm.s32 @p1 $0x1;
	p0 =	seq.s32 s7, s2  }
0x1e: {  	s7 =	smul.u32 @!p0 $0xF7A, s2;
	p2 =	seq.s32 @!p0 s5, $0x0  }
0x1f: {  	s9 =	smul.u32 $0xF7A, s1;
	s8 =	simm.s32 @!p0 $0x1BF5;
	p2 =	por !p2, p0  }
0x20: {  	[sflag:s8] =	ssyncset.s32 @!p0 $0xFFFFF086;
	s6 =	sadd.s32 @!p0 s3, s7;
	s7 =	simm.s32 @!p0 $0x108  }
0x21: {  	s3 =	sadd.s32 s3, s9;
	s6 =	sadd.s32 @!p0 $0x88, s6;
	s7 =	simm.s32 @p2 $0x1082  }
0x22: {  	[simem:s7], [sflag:s8] =	dma.local @!p0 [hbm:s6], $0xF7A  }
0x23: {  	s9 =	sor.u32 $0xD0000000, s2;
	s6 =	simm.s32 $0x108;
	_ =	swait.ge @!p0 [sflag:s8], $0x0  }
0x24: {  	s3 =	sadd.s32 $0x88, s3;
	s6 =	simm.s32 @!p1 $0x1082;
	[sflag:s4] =	ssyncset.s32 $0xFFFFF086  }
0x25: {  	[simem:s6], [sflag:s4] =	dma.local [hbm:s3], $0xF7A  }
0x26: {  	[smem:$0x3F93] =	sst s1;
	(tag) =	ssettag s2;
	_ =	strace s9  }
0x27: {  	s1 =	sld [smem:$0x3FA3]  }
0x28: {  	s2 =	sld [smem:$0x3FA4]  }
0x29: {  	s4 =	sld [smem:$0x3FA6]  }
0x2a: {  	p0 =	seq.s32 s5, $0x0;
	s5 =	sld [smem:$0x3FA7]  }
0x2b: {  	s6 =	sld [smem:$0x3FA8]  }
0x2c: {  	s7 =	sld [smem:$0x3FA9]  }
0x2d: {  	s3 =	simm.s32 $0x108;
	s8 =	sld [smem:$0x3FAA]  }
0x2e: {  	s3 =	simm.s32 @!p0 $0x1082;
	s9 =	sld [smem:$0x3FAB]  }
0x2f: {  	lr =	sadd.s32 s0, s3;
	s0 =	sld [smem:$0x3FA2]  }
0x30: {  	s3 =	sld [smem:$0x3FA5]  }
0x31: {  	[smem:$0x3FAE] =	sst s10  }
0x32: {  	s10 =	sld [smem:$0x3FAC];
	_ =	sdelay $0x3  }
0x33: {  	p0 =	seq.s32 s10, $0x1;
	s10 =	sld [smem:$0x3FAE];
	_ =	sdelay $0x3  }
0x34: {  	[smem:$0x3FAE] =	sst s10  }
0x35: {  	s10 =	sld [smem:$0x3FAD];
	_ =	sdelay $0x3  }
0x36: {  	p1 =	seq.s32 s10, $0x1;
	s10 =	sld [smem:$0x3FAE];
	_ =	sdelay $0x3  }
0x37: {  	[smem:$0x3FAE] =	sst s10  }
0x38: {  	s10 =	sld [smem:$0x3FAF]  }
0x39: {  	_ = 	snop;
	(pc) =	sbr.ind lr, $3  }
0x3a: {  	_ = 	snop  }
0x3b: {  	_ = 	snop  }
0x3c: {  	p2 =	seq.s32 s10, $0x1;
	s10 =	sld [smem:$0x3FAE]  }
0x3d: {  	_ =	shalt  }
0x3e: {  	_ =	shalt  }
0x3f: {  	_ =	shalt  }
0x40: {  	_ =	shalt  }
0x41: {  	_ =	shalt  }
0x42: {  	_ =	shalt  }
0x43: {  	_ =	shalt  }
0x44: {  	_ =	shalt  }
0x45: {  	_ =	shalt  }
0x46: {  	_ =	shalt  }
0x47: {  	_ =	shalt  }
0x48: {  	_ =	shalt  }
0x49: {  	_ =	shalt  }
0x4a: {  	_ =	shalt  }
0x4b: {  	_ =	shalt  }
0x4c: {  	_ =	shalt  }
0x4d: {  	_ =	shalt  }
0x4e: {  	_ =	shalt  }
0x4f: {  	_ =	shalt  }
0x50: {  	_ =	shalt  }
0x51: {  	_ =	shalt  }
0x52: {  	_ =	shalt  }
0x53: {  	_ =	shalt  }
0x54: {  	_ =	shalt  }
0x55: {  	_ =	shalt  }
0x56: {  	_ =	shalt  }
0x57: {  	_ =	shalt  }
0x58: {  	_ =	shalt  }
0x59: {  	_ =	shalt  }
0x5a: {  	_ =	shalt  }
0x5b: {  	_ =	shalt  }
0x5c: {  	_ =	shalt  }
0x5d: {  	_ =	shalt  }
0x5e: {  	_ =	shalt  }
0x5f: {  	_ =	shalt  }
0x60: {  	_ =	shalt  }
0x61: {  	_ =	shalt  }
0x62: {  	_ =	shalt  }
0x63: {  	_ =	shalt  }
0x64: {  	_ =	shalt  }
0x65: {  	_ =	shalt  }
0x66: {  	_ =	shalt  }
0x67: {  	_ =	shalt  }
0x68: {  	_ =	shalt  }
0x69: {  	_ =	shalt  }
0x6a: {  	_ =	shalt  }
0x6b: {  	_ =	shalt  }
0x6c: {  	_ =	shalt  }
0x6d: {  	_ =	shalt  }
0x6e: {  	_ =	shalt  }
0x6f: {  	_ =	shalt  }
0x70: {  	_ =	shalt  }
0x71: {  	_ =	shalt  }
0x72: {  	_ =	shalt  }
0x73: {  	_ =	shalt  }
0x74: {  	_ =	shalt  }
0x75: {  	_ =	shalt  }
0x76: {  	_ =	shalt  }
0x77: {  	_ =	shalt  }
0x78: {  	_ =	shalt  }
0x79: {  	_ =	shalt  }
0x7a: {  	_ =	shalt  }
0x7b: {  	_ =	shalt  }
0x7c: {  	_ =	shalt  }
0x7d: {  	_ =	shalt  }
0x7e: {  	_ =	shalt  }
0x7f: {  	_ =	shalt  }
0x80: {  	_ =	shalt  }
0x81: {  	_ =	shalt  }
0x82: {  	_ =	shalt  }
0x83: {  	_ =	shalt  }
0x84: {  	_ =	shalt  }
0x85: {  	_ =	shalt  }
0x86: {  	_ =	shalt  }
0x87: {  	_ =	shalt  }
.Lfunc_end0:
.L_simem_size_0:
called_computation.1_lowered:
.L_overlay_start_0:
0x88: {  	s2 =	sld [smem:$0x3FD9]  }
0x89: {  	s3 =	sld [smem:$0x3FFE];
	_ =	sdelay $0x1  }
0x8a: {  	s1 =	srdreg.scid  }
0x8b: {  	s0 =	sand.u32 $0x1, s1  }
0x8c: {  	s16 =	sshll.u32 s0, $0xA;
	s2 =	sadd.s32 s3, s2  }
0x8d: {  	s2 =	sadd.s32 s2, s16  }
0x8e: {  	[smem:$0x3FBA] =	sst s2  }
0x8f: {  	_ = 	snop  }
0x90: {  	(tm) =	ssettm $0x1  }
0x91: {  	s17 =	sld [smem:$0x3FFB];
	_ =	sdelay $0x3  }
0x92: {  	_ =	strace s17  }
0x93: {  	s2 =	sld [smem:$0x3FFC];
	_ =	sdelay $0x3  }
0x94: {  	_ =	strace s2  }
0x95: {  	s2 =	sld [smem:$0x3FFD];
	_ =	sdelay $0x3  }
0x96: {  	_ =	strace s2  }
0x97: {  	_ =	strace $0x8FFFFFFF  }
0x98: {  	s18 =	sld [smem:$0x3FDB];
	_ =	sdelay $0x1  }
0x99: {  	s19 =	simm.s32 $_scs_section_size  }
0x9a: {  	s4 =	simm.s32 $_size__tile_overlayer_lowered;
	s5 =	simm.s32 $_tile_overlayer_lowered  }
0x9b: {  	s22 =	simm.s32 $0x1BFF;
	s21 =	sshll.u32 s5, $0x1;
	s2 =	sadd.s32 s19, s18  }
0x9c: {  	s6 =	simm.s32 $0x0;
	s20 =	sshll.u32 s4, $0x1;
	s4 =	sadd.s32 s21, s2  }
0x9d: {  	[timem:s6], [sflag:s22] =	dma.local [hbm:s4], s20  }
0x9e: {  	_ =	swait.ge [sflag:s22], s20  }
0x9f: {  	s3 =	ssub.s32 $0x0, s20;
	[sflag:s22] =	ssyncset.done $0x0  }
0xa0: {  	[sflag:s22] =	ssyncadd.s32 s3;
	_ =	sdelay $0x1  }
0xa1: {  	s23 =	simm.s32 $0x1B8B  }
0xa2: {  	_ =	swait.ge [sflag:s23], $0x1  }
0xa3: {  	[sflag:s23] =	ssyncset.done $0x0  }
0xa4: {  	s25 =	simm.s32 $0x1B8E;
	s24 =	sld [smem:$0x3FFE];
	[sflag:s23] =	ssyncadd.s32 $0xFFFFFFFF  }
0xa5: {  	s26 =	simm.s32 $execute0_lowered;
	[smem:$0x3FD2] =	sst s25  }
0xa6: {  	s4 =	sshll.u32 s26, $0x1;
	_ =	strace $0x80000049;
	[dreg:$0x1] =	wrdreg $0xFFFFFFFF  }
0xa7: {  	s28 =	simm.s32 $_size_execute0_lowered;
	s2 =	sadd.s32 s2, s4;
	[dreg:$0x0] =	wrdreg $0x0  }
0xa8: {  	s4 =	sshll.u32 s28, $0x1;
	[dreg:$0x2] =	wrdreg s2  }
0xa9: {  	[dreg:$0x3] =	wrdreg s4  }
0xaa: {  	[dreg:$0x4] =	wrdreg $0xC0  }
0xab: {  	_ =	task [dreg:s6], $0x5FFFF  }
0xac: {  	[dreg:$0x1] =	wrdreg $0xFFFFFFFF  }
0xad: {  	[dreg:$0x0] =	wrdreg $0x60  }
0xae: {  	[dreg:$0x2] =	wrdreg s24  }
0xaf: {  	[dreg:$0x3] =	wrdreg $0x9  }
0xb0: {  	_ =	task.clear_ibuf [dreg:s6], $0x4FFFF;
	_ =	strace $0x90000049  }
0xb1: {  	s29 =	simm.s32 $0x9;
	_ =	strace $0x8000004B  }
0xb2: {  	_ =	swait.ge [sflag:s29], $0x1  }
0xb3: {  	[sflag:s29] =	ssyncadd.s32 $0xFFFFFFFF  }
0xb4: {  	_ =	strace $0x9000004B  }
0xb5: {  	_ =	sfence  }
0xb6: {  	s30 =	sld [smem:$0x0];
	_ =	sdelay $0x2  }
0xb7: {  	s31 =	sshll.u32 s1, $0xD;
	s1 =	sshrl.u32 s1, $0x2  }
0xb8: {  	s3 =	sand.u32 $0x4000, s31;
	s1 =	sadd.s32 s1, s30  }
0xb9: {  	s0 =	sor.u32 s3, s0;
	s1 =	sshll.u32 s1, $0x11  }
0xba: {  	s0 =	sor.u32 s1, s0  }
0xbb: {  	s0 =	sadd.s32 $0x8F2B, s0  }
0xbc: {  	[sflag:s0] =	ssyncadd.remote.s32 $0x1  }
0xbd: {  	_ =	sfence.sel $0xFFFF  }
0xbe: {  	[dreg:$0x0] =	wrdreg $0xFFFFFFFF;
	(pc) =	sbr.abs _section_cstart, $3  }
0xbf: {  	[dreg:$0x1] =	wrdreg $0xFFFFFFFF  }
0xc0: {  	_ =	task.clear_ibuf [dreg:s6], $0x2FFFF;
	_ =	strace $0x9FFFFFFF  }
0xc1: {  	(tm) =	ssettm $0x7FFFFFFF  }
tec
execute0_lowered:
.L_overlay_start_1:
0x0: {  	(tag) =	ssettag $0x1  }
0x1: {  	s1 =	srdreg.scid;
	s0 =	stileid.u32  }
0x2: {  	s6 =	sand.u32 $0x1, s1;
	s30 =	sshll.u32 s0, $0x1  }
0x3: {  	s8 =	rddreg [dreg:$0x0];
	s7 =	sor.u32 s6, s30  }
0x4: {  	s2 =	simm.s32 $0x0;
	s1 =	rddreg [dreg:$0x1];
	s3 =	smul.u32 $0x50, s7  }
0x5: {  	[smem:$0x7FF] =	sst s2;
	s5 =	sadd.s32 $0x1E00, s8  }
0x6: {  	_ =	strace $0x8000004A;
	s10 =	ssub.s32 $0x2, s6;
	s3 =	sadd.s32 s3, s8  }
0x7: {  	s6 =	simm.s32 $0x280;
	s4 =	sadd.s32 $0x103200, s3;
	s3 =	simm.s32 $0x2  }
0x8: {  	[tilespmem:s2], [sflag:$0x2] =	stream.linear.gather [hbm4b:s4+s2], $0x280, $0x38;
	[tilespmem:$0x14280] =	vst v63  }
0x9: {  	s9 =	smul.u32 $0x2800, s7;
	s11 =	sshrl.u32 s10, $0x1;
	_ =	swait.ge [sflag:s3], $0x280  }
0xa: {  	s7 =	simm.s32 $0x1;
	s31 =	ssub.s32 s10, s11;
	[sflag:s3] =	ssyncset.done $0x0  }
0xb: {  	s8 =	sadd.s32 s9, s8;
	s9 =	smax.u32 s31, $0x1;
	[sflag:s3] =	ssyncadd.s32 $0xFFFFFD80  }
0xc: {  	[tilespmem:s6], [sflag:$0x1] =	stream.indirect.gather [hbm4b:s5+s6], $0x80, s2, s6, $0xb8;
	[tilespmem:$0x14280] =	vst v63  }
0xd: {  	p0 =	sne.s32 s9, $0x1;
	_ =	swait.ge [sflag:s7], $0x14000  }
.Ltmp0:
0xe: {  	[sflag:s7] =	ssyncset.done $0x0;
	(pc) =	sbr.rel @!p0 .LBB2_2-.Ltmp0, $4  }
0xf: {  	s8 =	sadd.s32 $0x51E00, s8;
	[sflag:s7] =	ssyncadd.s32 $0xFFFEC000  }
0x10: {  	[hbm4b:s8+s2] =	stream.linear.scatter [tilespmem:s6], [sflag:$0x2], $0x14000, $0x38;
	[tilespmem:$0x14280] =	vst v63  }
0x11: {  	_ =	swait.ge [sflag:s3], $0x14000  }
0x12: {  	s9 =	sadd.s32 $0xFFFFFFFF, s9;
	[sflag:s3] =	ssyncset.done $0x0  }
.LBB2_1:
0x13: {  	p0 =	sne.s32 s9, $0x1;
	s9 =	sadd.s32 $0xFFFFFFFF, s9;
	[sflag:s3] =	ssyncadd.s32 $0xFFFEC000  }
0x14: {  	[tilespmem:s2], [sflag:$0x2] =	stream.linear.gather [hbm4b:s4+s2], $0x280, $0x38;
	[tilespmem:$0x14280] =	vst v63  }
0x15: {  	_ =	swait.ge [sflag:s3], $0x280  }
0x16: {  	[sflag:s3] =	ssyncset.done $0x0  }
0x17: {  	[sflag:s3] =	ssyncadd.s32 $0xFFFFFD80  }
0x18: {  	[tilespmem:s6], [sflag:$0x1] =	stream.indirect.gather [hbm4b:s5+s6], $0x80, s2, s6, $0xb8;
	[tilespmem:$0x14280] =	vst v63  }
0x19: {  	_ =	swait.ge [sflag:s7], $0x14000  }
.Ltmp1:
0x1a: {  	[sflag:s7] =	ssyncset.done $0x0;
	(pc) =	sbr.rel @p0 .LBB2_1-.Ltmp1, $4  }
0x1b: {  	[sflag:s7] =	ssyncadd.s32 $0xFFFEC000  }
0x1c: {  	[hbm4b:s8+s2] =	stream.linear.scatter [tilespmem:s6], [sflag:$0x2], $0x14000, $0x38;
	[tilespmem:$0x14280] =	vst v63  }
0x1d: {  	_ =	swait.ge [sflag:s3], $0x14000  }
0x1e: {  	[sflag:s3] =	ssyncset.done $0x0  }
.LBB2_2:
0x1f: {  	[sflag:s3] =	ssyncadd.s32 $0xFFFEC000  }
0x20: {  	_ =	sfence.sel $0x180000  }
0x21: {  	[bflag:$0x0] =	sbarrier.arrive $0xFFFF  }
0x22: {  	p0 =	sne.s32 s0, $0x0;
	_ =	strace $0x9000004A  }
0x23: {  	s0 =	sadd.s32 @!p0 $0x100000, s1;
	[bflag:$0x2] =	sbarrier.arrive $0xFFFF  }
0x24: {  	[sflag:s0] =	ssyncadd.tile.s32 @!p0 $0x1;
	_ =	shalt  }
.Lfunc_end2:
_tile_overlayer_lowered:
.L_overlay_start_2:
0x25: {  	(tag) =	ssettag $0x2  }
0x26: {  	s0 =	rddreg [dreg:$0x0];
	s2 =	stileid.u32  }
0x27: {  	s1 =	rddreg [dreg:$0x1];
	p0 =	sne.s32 s2, $0x0  }
0x28: {  	s3 =	rddreg [dreg:$0x2];
	[bflag:$0x3] =	sbarrier.arrive $0xFFFF;
	s2 =	simm.s32 @!p0 $0x1C02  }
0x29: {  	[timem:s3], [sflag:s2] =	dma.local @!p0 [hbm:s0], s1  }
0x2a: {  	s0 =	simm.s32 @!p0 $0x2  }
0x2b: {  	_ =	swait.ge @!p0 [sflag:s0], s1  }
0x2c: {  	s1 =	ssub.s32 @!p0 $0x0, s1;
	[sflag:s0] =	ssyncset.done @!p0 $0x0  }
0x2d: {  	[sflag:s0] =	ssyncadd.s32 @!p0 s1  }
0x2e: {  	[bflag:$0x3] =	sbarrier.arrive $0xFFFF  }
0x2f: {  	_ =	shalt  }

</sc_bundles>
